<compile_context>
chip_gen: v7x
topology: tpu7x:2x2x1
jax: 0.10.2.dev20260603
libtpu: 0.0.44.dev20260713+nightly
codegen_flags: <defaults>
</compile_context>

<pallas_src>
import dataclasses
import functools

import jax
import jax.numpy as jnp
from jax import lax
from jax.experimental import pallas as pl
from jax.experimental.pallas import tpu as pltpu
from jax.experimental.pallas import tpu_sc as plsc

N = 10000
E = 320000
D = 128

NC = 2
NS = 16
NW = NC * NS
CHUNK = 125
NCHUNK = E // CHUNK
CPW = NCHUNK // NW
IQ = 16
RMAIN = 624
RTAIL = N - RMAIN * NS

_mesh = plsc.VectorSubcoreMesh(core_axis_name="c", subcore_axis_name="s")

_cp_no_layout = pltpu.CompilerParams()
if "needs_layout_passes" in pltpu.CompilerParams.__dataclass_fields__:
    _cp_no_layout = dataclasses.replace(_cp_no_layout,
                                        needs_layout_passes=False)


def _each_row_slice(s, fn):
    fn(s * RMAIN, RMAIN)

    @pl.when(s < RTAIL // 8)
    def _():
        fn(RMAIN * NS + s * 8, 8)


DROWS = 80
EPW = E // NW
NVEC = EPW // 16


def _sc_degree(dst1d):

    @functools.partial(
        pl.kernel,
        mesh=_mesh,
        out_type=jax.ShapeDtypeStruct((NC, DROWS, D), jnp.float32),
        compiler_params=_cp_no_layout,
        scratch_types=[
            pltpu.VMEM((EPW,), jnp.int32),
            pltpu.VMEM((8, DROWS, D), jnp.float32),
            pltpu.VMEM((1, DROWS), jnp.int32),
            pltpu.VMEM_SHARED((DROWS, D), jnp.float32),
        ],
    )
    def k(dst_hbm, out_hbm, idx_v, hist, rowid, accd):
        c = lax.axis_index("c")
        s = lax.axis_index("s")
        w = s * NC + c
        pltpu.sync_copy(dst_hbm.at[pl.ds(w * EPW, EPW)], idx_v)

        zeros16 = jnp.zeros((16,), jnp.float32)
        iota = lax.iota(jnp.int32, 16)

        @pl.loop(0, 8)
        def _(p):
            @pl.loop(0, DROWS)
            def _(r):
                @pl.loop(0, D // 16)
                def _(cc):
                    hist[p, r, pl.ds(cc * 16, 16)] = zeros16

        @pl.loop(0, DROWS // 16)
        def _(kk):
            rowid[0, pl.ds(kk * 16, 16)] = iota + kk * 16

        @pl.when(s == 0)
        def _():
            pltpu.sync_copy(hist.at[0], accd)

        plane = iota & 7
        mask_lo = iota < 8
        mask_hi = iota >= 8
        ones16 = jnp.ones((16,), jnp.float32)

        @pl.loop(0, NVEC)
        def _(v):
            d = idx_v[pl.ds(v * 16, 16)]
            r = lax.shift_right_logical(d, 7)
            col = d & 127
            plsc.addupdate_scatter(hist, [plane, r, col], ones16, mask=mask_lo)
            plsc.addupdate_scatter(hist, [plane, r, col], ones16, mask=mask_hi)

        plsc.subcore_barrier()

        @pl.loop(0, 8)
        def _(p):
            pltpu.sync_copy(hist.at[p], accd.at[rowid.at[0]], add=True)

        plsc.subcore_barrier()

        @pl.when(s < DROWS // 8)
        def _():
            pltpu.sync_copy(accd.at[pl.ds(s * 8, 8)],
                            out_hbm.at[c, pl.ds(s * 8, 8)])

    return k(dst1d)


def _sc_propagate(g, src2d, dst2d):

    @functools.partial(
        pl.kernel,
        mesh=_mesh,
        out_type=jax.ShapeDtypeStruct((NC, N, D), jnp.float32),
        scratch_types=[
            pltpu.VMEM((IQ, CHUNK), jnp.int32),
            pltpu.VMEM((IQ, CHUNK), jnp.int32),
            pltpu.VMEM((2, CHUNK, D), jnp.float32),
            pltpu.VMEM_SHARED((N, D), jnp.float32),
            pltpu.SemaphoreType.DMA((2,)),
            pltpu.SemaphoreType.DMA((2,)),
        ],
    )
    def k(g_hbm, src_hbm, dst_hbm, out_hbm, sidx, didx, rows, acc, gsem, ssem):
        c = lax.axis_index("c")
        s = lax.axis_index("s")
        w = s * NC + c
        pltpu.sync_copy(src_hbm.at[pl.ds(w * CPW, IQ)], sidx)
        pltpu.sync_copy(dst_hbm.at[pl.ds(w * CPW, IQ)], didx)
        _each_row_slice(s, lambda st, sz: pltpu.sync_copy(
            g_hbm.at[pl.ds(st, sz)], acc.at[pl.ds(st, sz)]))
        plsc.subcore_barrier()

        def g_start(j):
            pltpu.async_copy(g_hbm.at[sidx.at[j % IQ]], rows.at[j % 2],
                             gsem.at[j % 2])

        def g_wait(j):
            pltpu.make_async_copy(g_hbm.at[sidx.at[j % IQ]], rows.at[j % 2],
                                  gsem.at[j % 2]).wait()

        def s_start(j):
            pltpu.async_copy(rows.at[j % 2], acc.at[didx.at[j % IQ]],
                             ssem.at[j % 2], add=True)

        def s_wait(j):
            pltpu.make_async_copy(rows.at[j % 2], acc.at[didx.at[j % IQ]],
                                  ssem.at[j % 2]).wait()

        g_start(0)

        @pl.loop(0, CPW)
        def _(j):
            g_wait(j)

            @pl.when(j >= 1)
            def _():
                s_wait(j - 1)

            @pl.when(j < CPW - 1)
            def _():
                jj = j + 1
                @pl.when(jj % IQ == 0)
                def _():
                    off = pl.multiple_of(w * CPW + jj, 8)
                    pltpu.sync_copy(src_hbm.at[pl.ds(off, IQ)], sidx)

                g_start(jj)

            @pl.when(jnp.logical_and(j % IQ == 0, j > 0))
            def _():
                off = pl.multiple_of(w * CPW + j, 8)
                pltpu.sync_copy(dst_hbm.at[pl.ds(off, IQ)], didx)

            s_start(j)

        s_wait(CPW - 1)
        plsc.subcore_barrier()
        _each_row_slice(s, lambda st, sz: pltpu.sync_copy(
            acc.at[pl.ds(st, sz)], out_hbm.at[c, pl.ds(st, sz)]))

    return k(g, src2d, dst2d)


def _tc_mm_scale0(x, W0, degp2):

    def body(x_ref, w_ref, degp_ref, g_ref, dinvb_ref):
        deg = degp_ref[0] + degp_ref[1] + 1.0
        dinvb = jnp.broadcast_to(lax.rsqrt(deg), (N, D))
        dinvb_ref[...] = dinvb
        h0 = jnp.dot(x_ref[...], w_ref[...],
                     preferred_element_type=jnp.float32)
        g_ref[...] = dinvb * h0

    return pl.pallas_call(
        body,
        out_shape=(jax.ShapeDtypeStruct((N, D), jnp.float32),
                   jax.ShapeDtypeStruct((N, D), jnp.float32)))(x, W0, degp2)


def _tc_bn_relu_mm(zp, g, dinvb, b0, gamma0, beta0, W1):

    def body(zp_ref, g_ref, dinvb_ref, b_ref, gam_ref, bet_ref, w_ref, o_ref):
        dinvb = dinvb_ref[...]
        z = zp_ref[0] + zp_ref[1] - g_ref[...]
        y = dinvb * z + b_ref[...]
        mean = jnp.mean(y, axis=0, keepdims=True)
        var = jnp.mean((y - mean) ** 2, axis=0, keepdims=True)
        xn = (y - mean) * lax.rsqrt(var + 1e-5) * gam_ref[...] + bet_ref[...]
        xr = jnp.maximum(xn, 0.0)
        h1 = jnp.dot(xr, w_ref[...], preferred_element_type=jnp.float32)
        o_ref[...] = dinvb * h1

    return pl.pallas_call(
        body, out_shape=jax.ShapeDtypeStruct((N, D), jnp.float32))(
            zp, g, dinvb, b0, gamma0, beta0, W1)


def _tc_combine_mm(zp, g, dinvb, b1, Wf):

    def body(zp_ref, g_ref, dinvb_ref, b_ref, w_ref, o_ref):
        dinvb = dinvb_ref[...]
        z = zp_ref[0] + zp_ref[1] - g_ref[...]
        y = dinvb * z + b_ref[...]
        h2 = jnp.dot(y, w_ref[...], preferred_element_type=jnp.float32)
        o_ref[...] = dinvb * h2

    return pl.pallas_call(
        body, out_shape=jax.ShapeDtypeStruct((N, D), jnp.float32))(
            zp, g, dinvb, b1, Wf)


def _tc_final(zp, g, dinvb, bf):

    def body(zp_ref, g_ref, dinvb_ref, b_ref, o_ref):
        z = zp_ref[0] + zp_ref[1] - g_ref[...]
        o = dinvb_ref[...] * z + b_ref[...]
        m = jnp.max(o, axis=1, keepdims=True)
        lse = jnp.log(jnp.sum(jnp.exp(o - m), axis=1, keepdims=True)) + m
        o_ref[...] = o - lse

    return pl.pallas_call(
        body, out_shape=jax.ShapeDtypeStruct((N, D), jnp.float32))(
            zp, g, dinvb, bf)


def kernel(x, edge_index, W0, b0, gamma0, beta0, W1, b1, Wf, bf):
    ei = edge_index.astype(jnp.int32)
    src2d = ei[0].reshape(NCHUNK, CHUNK)
    dst2d = ei[1].reshape(NCHUNK, CHUNK)
    b0r = b0.reshape(1, D)
    gam = gamma0.reshape(1, D)
    bet = beta0.reshape(1, D)
    b1r = b1.reshape(1, D)
    bfr = bf.reshape(1, D)

    degp = _sc_degree(ei[1])
    degp2 = degp.reshape(NC, DROWS * D)[:, :N, None]
    g0, dinvb = _tc_mm_scale0(x, W0, degp2)

    zp0 = _sc_propagate(g0, src2d, dst2d)
    g1 = _tc_bn_relu_mm(zp0, g0, dinvb, b0r, gam, bet, W1)

    zp1 = _sc_propagate(g1, src2d, dst2d)
    g2 = _tc_combine_mm(zp1, g1, dinvb, b1r, Wf)

    zp2 = _sc_propagate(g2, src2d, dst2d)
    return _tc_final(zp2, g2, dinvb, bfr)

# --- scband reference (transcript-rebuilt; emitter-appended) ---
"""Pipeline reference for scband-gcn-68513318306407 (READ-ONLY COPY).

The authoritative reference and input builder live on the scoring server;
editing this copy changes nothing except your own understanding.
"""

import jax, jax.numpy as jnp
import numpy as np

N_NODES = 10000
N_EDGES = 320000
D_IN = 128
D_HID = 128
D_OUT = 128


def setup_inputs(seed: int = 0) -> dict:
    key = jax.random.key(seed)
    ks = jax.random.split(key, 12)
    x = jax.random.normal(ks[0], (N_NODES, D_IN), dtype=jnp.float32)
    edge_index = jax.random.randint(ks[1], (2, N_EDGES), 0, N_NODES, dtype=jnp.int64)
    # GCNConv weights: glorot-style scale
    W0 = jax.random.normal(ks[2], (D_IN, D_HID), dtype=jnp.float32) * (1.0 / np.sqrt(D_IN))
    b0 = jnp.zeros((D_HID,), dtype=jnp.float32)
    gamma0 = jnp.ones((D_HID,), dtype=jnp.float32)
    beta0 = jnp.zeros((D_HID,), dtype=jnp.float32)
    W1 = jax.random.normal(ks[3], (D_HID, D_HID), dtype=jnp.float32) * (1.0 / np.sqrt(D_HID))
    b1 = jnp.zeros((D_HID,), dtype=jnp.float32)
    Wf = jax.random.normal(ks[4], (D_HID, D_OUT), dtype=jnp.float32) * (1.0 / np.sqrt(D_HID))
    bf = jnp.zeros((D_OUT,), dtype=jnp.float32)
    return {"x": x, "edge_index": edge_index, "W0": W0, "b0": b0,
            "gamma0": gamma0, "beta0": beta0, "W1": W1, "b1": b1,
            "Wf": Wf, "bf": bf}


def _gcn_conv(x, edge_index, W, b):
    # GCNConv: out = D^{-1/2} (A + I) D^{-1/2} X W + b
    N = x.shape[0]
    src = edge_index[0]
    dst = edge_index[1]
    loop = jnp.arange(N, dtype=edge_index.dtype)
    s = jnp.concatenate([src, loop])
    d = jnp.concatenate([dst, loop])
    deg = jnp.zeros((N,), dtype=x.dtype).at[d].add(1.0)
    dinv = jnp.where(deg > 0, 1.0 / jnp.sqrt(deg), 0.0)
    norm = dinv[s] * dinv[d]
    h = x @ W
    msg = h[s] * norm[:, None]
    out = jnp.zeros((N, W.shape[1]), dtype=x.dtype).at[d].add(msg)
    return out + b


def reference(x, edge_index, W0, b0, gamma0, beta0, W1, b1, Wf, bf):
    # conv 0
    h = _gcn_conv(x, edge_index, W0, b0)
    # BatchNorm1d (batch statistics, training-mode math; dropout is identity in eval)
    mean = jnp.mean(h, axis=0)
    var = jnp.var(h, axis=0)
    h = (h - mean) / jnp.sqrt(var + 1e-5) * gamma0 + beta0
    h = jax.nn.relu(h)
    # conv 1 (last of self.convs: no BN/relu)
    h = _gcn_conv(h, edge_index, W1, b1)
    # final layer
    out = _gcn_conv(h, edge_index, Wf, bf)
    # return_embeds=False -> log_softmax
    return jax.nn.log_softmax(out, axis=1)

if __name__ == "__main__":
    import jax
    _d = setup_inputs()
    print(jax.jit(kernel)(*tuple(_d.values())))

</pallas_src>

<mosaic_0001>
#map = affine_map<(d0, d1) -> (0, 0)>
#map1 = affine_map<(d0, d1) -> (0, 0, 0)>
module attributes {stable_mosaic.version = 14 : i64} {
  func.func @k(%arg0: i32, %arg1: i32, %arg2: memref<10000x128xf32, #tpu.memory_space<hbm>>, %arg3: memref<2560x125xi32, #tpu.memory_space<hbm>>, %arg4: memref<2560x125xi32, #tpu.memory_space<hbm>>, %arg5: memref<2x10000x128xf32, #tpu.memory_space<hbm>>, %arg6: memref<16x125xi32, #tpu.memory_space<vmem>>, %arg7: memref<16x125xi32, #tpu.memory_space<vmem>>, %arg8: memref<2x125x128xf32, #tpu.memory_space<vmem>>, %arg9: memref<10000x128xf32, #tpu.memory_space<vmem_shared>>, %arg10: memref<2x!tpu.dma_semaphore, #tpu.memory_space<semaphore_mem>>, %arg11: memref<2x!tpu.dma_semaphore, #tpu.memory_space<semaphore_mem>>) attributes {dimension_semantics = [#tpu.dimension_semantics<core_parallel>, #tpu.dimension_semantics<subcore_parallel>], iteration_bounds = array<i64: 2, 16>, scalar_prefetch = 0 : i64, scratch_operands = 6 : i64, tpu.core_type = #tpu.core_type<sc_vector_subcore>, window_params = [{transform_indices = #map}, {transform_indices = #map}, {transform_indices = #map}, {transform_indices = #map1}]} {
    %mul3A = arith.constant 2 : i32
    %mul3A_0 = arith.muli %arg1, %mul3A : i32
    %add3A = arith.addi %mul3A_0, %arg0 : i32
    %mul3A_1 = arith.constant 80 : i32
    %mul3A_2 = arith.muli %add3A, %mul3A_1 : i32
    "tpu.region"() ({
      %run_scoped3A = tpu.sem_alloc : memref<!tpu.dma_semaphore, #tpu.memory_space<semaphore_mem>>
      %dma_start3A_49 = arith.constant 0 : i32
      %dma_start3A_50 = tpu.memref_slice %arg3[%mul3A_2, %dma_start3A_49] : memref<2560x125xi32, #tpu.memory_space<hbm>> -> memref<16x125xi32, #tpu.memory_space<hbm>>
      %dma_start3A_51 = arith.constant 0 : i32
      %dma_start3A_52 = tpu.memref_slice %arg3[%mul3A_2, %dma_start3A_51] : memref<2560x125xi32, #tpu.memory_space<hbm>> -> memref<16x125xi32, #tpu.memory_space<hbm>>
      tpu.enqueue_dma source(%dma_start3A_52 : memref<16x125xi32, #tpu.memory_space<hbm>>) target(%arg6 : memref<16x125xi32, #tpu.memory_space<vmem>>) target_semaphore(%run_scoped3A : memref<!tpu.dma_semaphore, #tpu.memory_space<semaphore_mem>>)
      %dma_wait3A_53 = arith.constant 0 : i32
      %dma_wait3A_54 = tpu.memref_slice %arg3[%mul3A_2, %dma_wait3A_53] : memref<2560x125xi32, #tpu.memory_space<hbm>> -> memref<16x125xi32, #tpu.memory_space<hbm>>
      %dma_wait3A_55 = arith.constant 0 : i32
      %dma_wait3A_56 = tpu.memref_slice %arg3[%mul3A_2, %dma_wait3A_55] : memref<2560x125xi32, #tpu.memory_space<hbm>> -> memref<16x125xi32, #tpu.memory_space<hbm>>
      tpu.wait_dma2 semaphore(%run_scoped3A : memref<!tpu.dma_semaphore, #tpu.memory_space<semaphore_mem>>) src(%dma_wait3A_56 : memref<16x125xi32, #tpu.memory_space<hbm>>) dst(%arg6 : memref<16x125xi32, #tpu.memory_space<vmem>>)
      tpu.yield
    }) : () -> ()
    %mul3A_3 = arith.constant 80 : i32
    %mul3A_4 = arith.muli %add3A, %mul3A_3 : i32
    "tpu.region"() ({
      %run_scoped3A = tpu.sem_alloc : memref<!tpu.dma_semaphore, #tpu.memory_space<semaphore_mem>>
      %dma_start3A_49 = arith.constant 0 : i32
      %dma_start3A_50 = tpu.memref_slice %arg4[%mul3A_4, %dma_start3A_49] : memref<2560x125xi32, #tpu.memory_space<hbm>> -> memref<16x125xi32, #tpu.memory_space<hbm>>
      %dma_start3A_51 = arith.constant 0 : i32
      %dma_start3A_52 = tpu.memref_slice %arg4[%mul3A_4, %dma_start3A_51] : memref<2560x125xi32, #tpu.memory_space<hbm>> -> memref<16x125xi32, #tpu.memory_space<hbm>>
      tpu.enqueue_dma source(%dma_start3A_52 : memref<16x125xi32, #tpu.memory_space<hbm>>) target(%arg7 : memref<16x125xi32, #tpu.memory_space<vmem>>) target_semaphore(%run_scoped3A : memref<!tpu.dma_semaphore, #tpu.memory_space<semaphore_mem>>)
      %dma_wait3A_53 = arith.constant 0 : i32
      %dma_wait3A_54 = tpu.memref_slice %arg4[%mul3A_4, %dma_wait3A_53] : memref<2560x125xi32, #tpu.memory_space<hbm>> -> memref<16x125xi32, #tpu.memory_space<hbm>>
      %dma_wait3A_55 = arith.constant 0 : i32
      %dma_wait3A_56 = tpu.memref_slice %arg4[%mul3A_4, %dma_wait3A_55] : memref<2560x125xi32, #tpu.memory_space<hbm>> -> memref<16x125xi32, #tpu.memory_space<hbm>>
      tpu.wait_dma2 semaphore(%run_scoped3A : memref<!tpu.dma_semaphore, #tpu.memory_space<semaphore_mem>>) src(%dma_wait3A_56 : memref<16x125xi32, #tpu.memory_space<hbm>>) dst(%arg7 : memref<16x125xi32, #tpu.memory_space<vmem>>)
      tpu.yield
    }) : () -> ()
    %mul3A_5 = arith.constant 624 : i32
    %mul3A_6 = arith.muli %arg1, %mul3A_5 : i32
    "tpu.region"() ({
      %run_scoped3A = tpu.sem_alloc : memref<!tpu.dma_semaphore, #tpu.memory_space<semaphore_mem>>
      %dma_start3A_49 = arith.constant 0 : i32
      %dma_start3A_50 = tpu.memref_slice %arg9[%mul3A_6, %dma_start3A_49] : memref<10000x128xf32, #tpu.memory_space<vmem_shared>> -> memref<624x128xf32, #tpu.memory_space<vmem_shared>>
      %dma_start3A_51 = arith.constant 0 : i32
      %dma_start3A_52 = tpu.memref_slice %arg2[%mul3A_6, %dma_start3A_51] : memref<10000x128xf32, #tpu.memory_space<hbm>> -> memref<624x128xf32, #tpu.memory_space<hbm>>
      tpu.enqueue_dma source(%dma_start3A_52 : memref<624x128xf32, #tpu.memory_space<hbm>>) target(%dma_start3A_50 : memref<624x128xf32, #tpu.memory_space<vmem_shared>>) target_semaphore(%run_scoped3A : memref<!tpu.dma_semaphore, #tpu.memory_space<semaphore_mem>>)
      %dma_wait3A_53 = arith.constant 0 : i32
      %dma_wait3A_54 = tpu.memref_slice %arg9[%mul3A_6, %dma_wait3A_53] : memref<10000x128xf32, #tpu.memory_space<vmem_shared>> -> memref<624x128xf32, #tpu.memory_space<vmem_shared>>
      %dma_wait3A_55 = arith.constant 0 : i32
      %dma_wait3A_56 = tpu.memref_slice %arg2[%mul3A_6, %dma_wait3A_55] : memref<10000x128xf32, #tpu.memory_space<hbm>> -> memref<624x128xf32, #tpu.memory_space<hbm>>
      tpu.wait_dma2 semaphore(%run_scoped3A : memref<!tpu.dma_semaphore, #tpu.memory_space<semaphore_mem>>) src(%dma_wait3A_56 : memref<624x128xf32, #tpu.memory_space<hbm>>) dst(%dma_wait3A_54 : memref<624x128xf32, #tpu.memory_space<vmem_shared>>)
      tpu.yield
    }) : () -> ()
    %lt3A = arith.constant 2 : i32
    %lt3A_7 = arith.cmpi slt, %arg1, %lt3A : i32
    %convert_element_type3A = arith.extui %lt3A_7 : i1 to i32
    %cond3A = arith.constant 0 : i32
    %cond3A_8 = arith.cmpi ne, %convert_element_type3A, %cond3A : i32
    scf.if %cond3A_8 {
      %mul3A_49 = arith.constant 8 : i32
      %mul3A_50 = arith.muli %arg1, %mul3A_49 : i32
      %add3A_51 = arith.constant 9984 : i32
      %add3A_52 = arith.addi %add3A_51, %mul3A_50 : i32
      "tpu.region"() ({
        %run_scoped3A = tpu.sem_alloc : memref<!tpu.dma_semaphore, #tpu.memory_space<semaphore_mem>>
        %dma_start3A_53 = arith.constant 0 : i32
        %dma_start3A_54 = tpu.memref_slice %arg9[%add3A_52, %dma_start3A_53] : memref<10000x128xf32, #tpu.memory_space<vmem_shared>> -> memref<8x128xf32, #tpu.memory_space<vmem_shared>>
        %dma_start3A_55 = arith.constant 0 : i32
        %dma_start3A_56 = tpu.memref_slice %arg2[%add3A_52, %dma_start3A_55] : memref<10000x128xf32, #tpu.memory_space<hbm>> -> memref<8x128xf32, #tpu.memory_space<hbm>>
        tpu.enqueue_dma source(%dma_start3A_56 : memref<8x128xf32, #tpu.memory_space<hbm>>) target(%dma_start3A_54 : memref<8x128xf32, #tpu.memory_space<vmem_shared>>) target_semaphore(%run_scoped3A : memref<!tpu.dma_semaphore, #tpu.memory_space<semaphore_mem>>)
        %dma_wait3A_57 = arith.constant 0 : i32
        %dma_wait3A_58 = tpu.memref_slice %arg9[%add3A_52, %dma_wait3A_57] : memref<10000x128xf32, #tpu.memory_space<vmem_shared>> -> memref<8x128xf32, #tpu.memory_space<vmem_shared>>
        %dma_wait3A_59 = arith.constant 0 : i32
        %dma_wait3A_60 = tpu.memref_slice %arg2[%add3A_52, %dma_wait3A_59] : memref<10000x128xf32, #tpu.memory_space<hbm>> -> memref<8x128xf32, #tpu.memory_space<hbm>>
        tpu.wait_dma2 semaphore(%run_scoped3A : memref<!tpu.dma_semaphore, #tpu.memory_space<semaphore_mem>>) src(%dma_wait3A_60 : memref<8x128xf32, #tpu.memory_space<hbm>>) dst(%dma_wait3A_58 : memref<8x128xf32, #tpu.memory_space<vmem_shared>>)
        tpu.yield
      }) : () -> ()
    } else {
    }
    %barrier3A = arith.constant 0 : index
    tpu.barrier barrier_id(%barrier3A)
    %dma_start3A = arith.constant 0 : i32
    %dma_start3A_9 = arith.constant 0 : i32
    %dma_start3A_10 = arith.constant 0 : i32
    %dma_start3A_11 = arith.constant 0 : i32
    %dma_start3A_12 = arith.constant 0 : i32
    %dma_start3A_13 = tpu.memref_slice %arg8[%dma_start3A_9, %dma_start3A_11, %dma_start3A_12] : memref<2x125x128xf32, #tpu.memory_space<vmem>> -> memref<1x125x128xf32, #tpu.memory_space<vmem>>
    %dma_start3A_14 = tpu.memref_squeeze %dma_start3A_13 : memref<1x125x128xf32, #tpu.memory_space<vmem>> -> memref<125x128xf32, #tpu.memory_space<vmem>>
    %dma_start3A_15 = arith.constant 0 : i32
    %dma_start3A_16 = tpu.memref_slice %arg6[%dma_start3A, %dma_start3A_15] : memref<16x125xi32, #tpu.memory_space<vmem>> -> memref<1x125xi32, #tpu.memory_space<vmem>>
    %dma_start3A_17 = tpu.memref_squeeze %dma_start3A_16 : memref<1x125xi32, #tpu.memory_space<vmem>> -> memref<125xi32, #tpu.memory_space<vmem>>
    %dma_start3A_18 = arith.constant 0 : i32
    %dma_start3A_19 = arith.constant 0 : i32
    %dma_start3A_20 = tpu.memref_slice %arg2[%dma_start3A_18, %dma_start3A_19] : memref<10000x128xf32, #tpu.memory_space<hbm>> -> memref<10000x128xf32, #tpu.memory_space<hbm>>
    %dma_start3A_21 = tpu.memref_slice %arg10[%dma_start3A_10] : memref<2x!tpu.dma_semaphore, #tpu.memory_space<semaphore_mem>> -> memref<1x!tpu.dma_semaphore, #tpu.memory_space<semaphore_mem>>
    %dma_start3A_22 = tpu.memref_squeeze %dma_start3A_21 : memref<1x!tpu.dma_semaphore, #tpu.memory_space<semaphore_mem>> -> memref<!tpu.dma_semaphore, #tpu.memory_space<semaphore_mem>>
    tpu.enqueue_indirect_dma source(%dma_start3A_20 : memref<10000x128xf32, #tpu.memory_space<hbm>>) target(%dma_start3A_14 : memref<125x128xf32, #tpu.memory_space<vmem>>) offsets(%dma_start3A_17 : memref<125xi32, #tpu.memory_space<vmem>>) semaphore(%dma_start3A_22 : memref<!tpu.dma_semaphore, #tpu.memory_space<semaphore_mem>>)
    %scan3A = arith.constant 0 : i32
    %scan3A_23 = arith.constant 80 : i32
    %scan3A_24 = arith.addi %scan3A, %scan3A_23 : i32
    %scan3A_25 = arith.constant 1 : i32
    scf.for %scan3A_49 = %scan3A to %scan3A_24 step %scan3A_25  : i32 {
      %mul3A_50 = arith.constant 1 : i32
      %mul3A_51 = arith.muli %scan3A_49, %mul3A_50 : i32
      %add3A_52 = arith.constant 0 : i32
      %add3A_53 = arith.addi %add3A_52, %mul3A_51 : i32
      %jit3A = arith.constant 16 : i32
      %eq3A = arith.constant 0 : i32
      %eq3A_54 = arith.cmpi eq, %jit3A, %eq3A : i32
      %jit3A_55 = arith.constant 1 : i32
      %select_n3A = arith.select %eq3A_54, %jit3A_55, %jit3A : i32
      %rem3A = arith.remsi %add3A_53, %select_n3A : i32
      %ne3A = arith.constant 0 : i32
      %ne3A_56 = arith.cmpi ne, %rem3A, %ne3A : i32
      %lt3A_57 = arith.constant 0 : i32
      %lt3A_58 = arith.cmpi slt, %rem3A, %lt3A_57 : i32
      %lt3A_59 = arith.constant 0 : i32
      %lt3A_60 = arith.cmpi slt, %select_n3A, %lt3A_59 : i32
      %ne3A_61 = arith.xori %lt3A_58, %lt3A_60 : i1
      %and3A = arith.andi %ne3A_61, %ne3A_56 : i1
      %add3A_62 = arith.addi %rem3A, %select_n3A : i32
      %select_n3A_63 = arith.select %and3A, %add3A_62, %rem3A : i32
      %jit3A_64 = arith.constant 2 : i32
      %eq3A_65 = arith.constant 0 : i32
      %eq3A_66 = arith.cmpi eq, %jit3A_64, %eq3A_65 : i32
      %jit3A_67 = arith.constant 1 : i32
      %select_n3A_68 = arith.select %eq3A_66, %jit3A_67, %jit3A_64 : i32
      %rem3A_69 = arith.remsi %add3A_53, %select_n3A_68 : i32
      %ne3A_70 = arith.constant 0 : i32
      %ne3A_71 = arith.cmpi ne, %rem3A_69, %ne3A_70 : i32
      %lt3A_72 = arith.constant 0 : i32
      %lt3A_73 = arith.cmpi slt, %rem3A_69, %lt3A_72 : i32
      %lt3A_74 = arith.constant 0 : i32
      %lt3A_75 = arith.cmpi slt, %select_n3A_68, %lt3A_74 : i32
      %ne3A_76 = arith.xori %lt3A_73, %lt3A_75 : i1
      %and3A_77 = arith.andi %ne3A_76, %ne3A_71 : i1
      %add3A_78 = arith.addi %rem3A_69, %select_n3A_68 : i32
      %select_n3A_79 = arith.select %and3A_77, %add3A_78, %rem3A_69 : i32
      %jit3A_80 = arith.constant 2 : i32
      %eq3A_81 = arith.constant 0 : i32
      %eq3A_82 = arith.cmpi eq, %jit3A_80, %eq3A_81 : i32
      %jit3A_83 = arith.constant 1 : i32
      %select_n3A_84 = arith.select %eq3A_82, %jit3A_83, %jit3A_80 : i32
      %rem3A_85 = arith.remsi %add3A_53, %select_n3A_84 : i32
      %ne3A_86 = arith.constant 0 : i32
      %ne3A_87 = arith.cmpi ne, %rem3A_85, %ne3A_86 : i32
      %lt3A_88 = arith.constant 0 : i32
      %lt3A_89 = arith.cmpi slt, %rem3A_85, %lt3A_88 : i32
      %lt3A_90 = arith.constant 0 : i32
      %lt3A_91 = arith.cmpi slt, %select_n3A_84, %lt3A_90 : i32
      %ne3A_92 = arith.xori %lt3A_89, %lt3A_91 : i1
      %and3A_93 = arith.andi %ne3A_92, %ne3A_87 : i1
      %add3A_94 = arith.addi %rem3A_85, %select_n3A_84 : i32
      %select_n3A_95 = arith.select %and3A_93, %add3A_94, %rem3A_85 : i32
      %dma_wait3A_96 = arith.constant 0 : i32
      %dma_wait3A_97 = arith.constant 0 : i32
      %dma_wait3A_98 = tpu.memref_slice %arg8[%select_n3A_79, %dma_wait3A_96, %dma_wait3A_97] : memref<2x125x128xf32, #tpu.memory_space<vmem>> -> memref<1x125x128xf32, #tpu.memory_space<vmem>>
      %dma_wait3A_99 = tpu.memref_squeeze %dma_wait3A_98 : memref<1x125x128xf32, #tpu.memory_space<vmem>> -> memref<125x128xf32, #tpu.memory_space<vmem>>
      %dma_wait3A_100 = arith.constant 0 : i32
      %dma_wait3A_101 = tpu.memref_slice %arg6[%select_n3A_63, %dma_wait3A_100] : memref<16x125xi32, #tpu.memory_space<vmem>> -> memref<1x125xi32, #tpu.memory_space<vmem>>
      %dma_wait3A_102 = tpu.memref_squeeze %dma_wait3A_101 : memref<1x125xi32, #tpu.memory_space<vmem>> -> memref<125xi32, #tpu.memory_space<vmem>>
      %dma_wait3A_103 = arith.constant 0 : i32
      %dma_wait3A_104 = arith.constant 0 : i32
      %dma_wait3A_105 = tpu.memref_slice %arg2[%dma_wait3A_103, %dma_wait3A_104] : memref<10000x128xf32, #tpu.memory_space<hbm>> -> memref<10000x128xf32, #tpu.memory_space<hbm>>
      %dma_wait3A_106 = tpu.memref_slice %arg10[%select_n3A_95] : memref<2x!tpu.dma_semaphore, #tpu.memory_space<semaphore_mem>> -> memref<1x!tpu.dma_semaphore, #tpu.memory_space<semaphore_mem>>
      %dma_wait3A_107 = tpu.memref_squeeze %dma_wait3A_106 : memref<1x!tpu.dma_semaphore, #tpu.memory_space<semaphore_mem>> -> memref<!tpu.dma_semaphore, #tpu.memory_space<semaphore_mem>>
      tpu.wait_indirect_dma semaphore(%dma_wait3A_107 : memref<!tpu.dma_semaphore, #tpu.memory_space<semaphore_mem>>) src(%dma_wait3A_105 : memref<10000x128xf32, #tpu.memory_space<hbm>>) dst(%dma_wait3A_99 : memref<125x128xf32, #tpu.memory_space<vmem>>)
      %ge3A = arith.constant 1 : i32
      %ge3A_108 = arith.cmpi sge, %add3A_53, %ge3A : i32
      %convert_element_type3A_109 = arith.extui %ge3A_108 : i1 to i32
      %cond3A_110 = arith.constant 0 : i32
      %cond3A_111 = arith.cmpi ne, %convert_element_type3A_109, %cond3A_110 : i32
      scf.if %cond3A_111 {
        %sub3A = arith.constant 1 : i32
        %sub3A_200 = arith.subi %add3A_53, %sub3A : i32
        %jit3A_201 = arith.constant 2 : i32
        %eq3A_202 = arith.constant 0 : i32
        %eq3A_203 = arith.cmpi eq, %jit3A_201, %eq3A_202 : i32
        %jit3A_204 = arith.constant 1 : i32
        %select_n3A_205 = arith.select %eq3A_203, %jit3A_204, %jit3A_201 : i32
        %rem3A_206 = arith.remsi %sub3A_200, %select_n3A_205 : i32
        %ne3A_207 = arith.constant 0 : i32
        %ne3A_208 = arith.cmpi ne, %rem3A_206, %ne3A_207 : i32
        %lt3A_209 = arith.constant 0 : i32
        %lt3A_210 = arith.cmpi slt, %rem3A_206, %lt3A_209 : i32
        %lt3A_211 = arith.constant 0 : i32
        %lt3A_212 = arith.cmpi slt, %select_n3A_205, %lt3A_211 : i32
        %ne3A_213 = arith.xori %lt3A_210, %lt3A_212 : i1
        %and3A_214 = arith.andi %ne3A_213, %ne3A_208 : i1
        %add3A_215 = arith.addi %rem3A_206, %select_n3A_205 : i32
        %select_n3A_216 = arith.select %and3A_214, %add3A_215, %rem3A_206 : i32
        %jit3A_217 = arith.constant 16 : i32
        %eq3A_218 = arith.constant 0 : i32
        %eq3A_219 = arith.cmpi eq, %jit3A_217, %eq3A_218 : i32
        %jit3A_220 = arith.constant 1 : i32
        %select_n3A_221 = arith.select %eq3A_219, %jit3A_220, %jit3A_217 : i32
        %rem3A_222 = arith.remsi %sub3A_200, %select_n3A_221 : i32
        %ne3A_223 = arith.constant 0 : i32
        %ne3A_224 = arith.cmpi ne, %rem3A_222, %ne3A_223 : i32
        %lt3A_225 = arith.constant 0 : i32
        %lt3A_226 = arith.cmpi slt, %rem3A_222, %lt3A_225 : i32
        %lt3A_227 = arith.constant 0 : i32
        %lt3A_228 = arith.cmpi slt, %select_n3A_221, %lt3A_227 : i32
        %ne3A_229 = arith.xori %lt3A_226, %lt3A_228 : i1
        %and3A_230 = arith.andi %ne3A_229, %ne3A_224 : i1
        %add3A_231 = arith.addi %rem3A_222, %select_n3A_221 : i32
        %select_n3A_232 = arith.select %and3A_230, %add3A_231, %rem3A_222 : i32
        %jit3A_233 = arith.constant 2 : i32
        %eq3A_234 = arith.constant 0 : i32
        %eq3A_235 = arith.cmpi eq, %jit3A_233, %eq3A_234 : i32
        %jit3A_236 = arith.constant 1 : i32
        %select_n3A_237 = arith.select %eq3A_235, %jit3A_236, %jit3A_233 : i32
        %rem3A_238 = arith.remsi %sub3A_200, %select_n3A_237 : i32
        %ne3A_239 = arith.constant 0 : i32
        %ne3A_240 = arith.cmpi ne, %rem3A_238, %ne3A_239 : i32
        %lt3A_241 = arith.constant 0 : i32
        %lt3A_242 = arith.cmpi slt, %rem3A_238, %lt3A_241 : i32
        %lt3A_243 = arith.constant 0 : i32
        %lt3A_244 = arith.cmpi slt, %select_n3A_237, %lt3A_243 : i32
        %ne3A_245 = arith.xori %lt3A_242, %lt3A_244 : i1
        %and3A_246 = arith.andi %ne3A_245, %ne3A_240 : i1
        %add3A_247 = arith.addi %rem3A_238, %select_n3A_237 : i32
        %select_n3A_248 = arith.select %and3A_246, %add3A_247, %rem3A_238 : i32
        %dma_wait3A_249 = arith.constant 0 : i32
        %dma_wait3A_250 = arith.constant 0 : i32
        %dma_wait3A_251 = tpu.memref_slice %arg8[%select_n3A_216, %dma_wait3A_249, %dma_wait3A_250] : memref<2x125x128xf32, #tpu.memory_space<vmem>> -> memref<1x125x128xf32, #tpu.memory_space<vmem>>
        %dma_wait3A_252 = tpu.memref_squeeze %dma_wait3A_251 : memref<1x125x128xf32, #tpu.memory_space<vmem>> -> memref<125x128xf32, #tpu.memory_space<vmem>>
        %dma_wait3A_253 = arith.constant 0 : i32
        %dma_wait3A_254 = tpu.memref_slice %arg7[%select_n3A_232, %dma_wait3A_253] : memref<16x125xi32, #tpu.memory_space<vmem>> -> memref<1x125xi32, #tpu.memory_space<vmem>>
        %dma_wait3A_255 = tpu.memref_squeeze %dma_wait3A_254 : memref<1x125xi32, #tpu.memory_space<vmem>> -> memref<125xi32, #tpu.memory_space<vmem>>
        %dma_wait3A_256 = arith.constant 0 : i32
        %dma_wait3A_257 = arith.constant 0 : i32
        %dma_wait3A_258 = tpu.memref_slice %arg9[%dma_wait3A_256, %dma_wait3A_257] : memref<10000x128xf32, #tpu.memory_space<vmem_shared>> -> memref<10000x128xf32, #tpu.memory_space<vmem_shared>>
        %dma_wait3A_259 = tpu.memref_slice %arg11[%select_n3A_248] : memref<2x!tpu.dma_semaphore, #tpu.memory_space<semaphore_mem>> -> memref<1x!tpu.dma_semaphore, #tpu.memory_space<semaphore_mem>>
        %dma_wait3A_260 = tpu.memref_squeeze %dma_wait3A_259 : memref<1x!tpu.dma_semaphore, #tpu.memory_space<semaphore_mem>> -> memref<!tpu.dma_semaphore, #tpu.memory_space<semaphore_mem>>
        tpu.wait_indirect_dma semaphore(%dma_wait3A_260 : memref<!tpu.dma_semaphore, #tpu.memory_space<semaphore_mem>>) src(%dma_wait3A_252 : memref<125x128xf32, #tpu.memory_space<vmem>>) dst(%dma_wait3A_258 : memref<10000x128xf32, #tpu.memory_space<vmem_shared>>)
      } else {
      }
      %lt3A_112 = arith.constant 79 : i32
      %lt3A_113 = arith.cmpi slt, %add3A_53, %lt3A_112 : i32
      %convert_element_type3A_114 = arith.extui %lt3A_113 : i1 to i32
      %cond3A_115 = arith.constant 0 : i32
      %cond3A_116 = arith.cmpi ne, %convert_element_type3A_114, %cond3A_115 : i32
      scf.if %cond3A_116 {
        %add3A_200 = arith.constant 1 : i32
        %add3A_201 = arith.addi %add3A_53, %add3A_200 : i32
        %jit3A_202 = arith.constant 16 : i32
        %eq3A_203 = arith.constant 0 : i32
        %eq3A_204 = arith.cmpi eq, %jit3A_202, %eq3A_203 : i32
        %jit3A_205 = arith.constant 1 : i32
        %select_n3A_206 = arith.select %eq3A_204, %jit3A_205, %jit3A_202 : i32
        %rem3A_207 = arith.remsi %add3A_201, %select_n3A_206 : i32
        %ne3A_208 = arith.constant 0 : i32
        %ne3A_209 = arith.cmpi ne, %rem3A_207, %ne3A_208 : i32
        %lt3A_210 = arith.constant 0 : i32
        %lt3A_211 = arith.cmpi slt, %rem3A_207, %lt3A_210 : i32
        %lt3A_212 = arith.constant 0 : i32
        %lt3A_213 = arith.cmpi slt, %select_n3A_206, %lt3A_212 : i32
        %ne3A_214 = arith.xori %lt3A_211, %lt3A_213 : i1
        %and3A_215 = arith.andi %ne3A_214, %ne3A_209 : i1
        %add3A_216 = arith.addi %rem3A_207, %select_n3A_206 : i32
        %select_n3A_217 = arith.select %and3A_215, %add3A_216, %rem3A_207 : i32
        %eq3A_218 = arith.constant 0 : i32
        %eq3A_219 = arith.cmpi eq, %select_n3A_217, %eq3A_218 : i32
        %convert_element_type3A_220 = arith.extui %eq3A_219 : i1 to i32
        %cond3A_221 = arith.constant 0 : i32
        %cond3A_222 = arith.cmpi ne, %convert_element_type3A_220, %cond3A_221 : i32
        scf.if %cond3A_222 {
          %mul3A_283 = arith.constant 80 : i32
          %mul3A_284 = arith.muli %add3A, %mul3A_283 : i32
          %add3A_285 = arith.addi %mul3A_284, %add3A_201 : i32
          %multiple_of3A = tpu.assume_multiple %add3A_285, 8 : i32
          "tpu.region"() ({
            %run_scoped3A = tpu.sem_alloc : memref<!tpu.dma_semaphore, #tpu.memory_space<semaphore_mem>>
            %dma_start3A_286 = arith.constant 0 : i32
            %dma_start3A_287 = tpu.memref_slice %arg3[%multiple_of3A, %dma_start3A_286] : memref<2560x125xi32, #tpu.memory_space<hbm>> -> memref<16x125xi32, #tpu.memory_space<hbm>>
            %dma_start3A_288 = arith.constant 0 : i32
            %dma_start3A_289 = tpu.memref_slice %arg3[%multiple_of3A, %dma_start3A_288] : memref<2560x125xi32, #tpu.memory_space<hbm>> -> memref<16x125xi32, #tpu.memory_space<hbm>>
            tpu.enqueue_dma source(%dma_start3A_289 : memref<16x125xi32, #tpu.memory_space<hbm>>) target(%arg6 : memref<16x125xi32, #tpu.memory_space<vmem>>) target_semaphore(%run_scoped3A : memref<!tpu.dma_semaphore, #tpu.memory_space<semaphore_mem>>)
            %dma_wait3A_290 = arith.constant 0 : i32
            %dma_wait3A_291 = tpu.memref_slice %arg3[%multiple_of3A, %dma_wait3A_290] : memref<2560x125xi32, #tpu.memory_space<hbm>> -> memref<16x125xi32, #tpu.memory_space<hbm>>
            %dma_wait3A_292 = arith.constant 0 : i32
            %dma_wait3A_293 = tpu.memref_slice %arg3[%multiple_of3A, %dma_wait3A_292] : memref<2560x125xi32, #tpu.memory_space<hbm>> -> memref<16x125xi32, #tpu.memory_space<hbm>>
            tpu.wait_dma2 semaphore(%run_scoped3A : memref<!tpu.dma_semaphore, #tpu.memory_space<semaphore_mem>>) src(%dma_wait3A_293 : memref<16x125xi32, #tpu.memory_space<hbm>>) dst(%arg6 : memref<16x125xi32, #tpu.memory_space<vmem>>)
            tpu.yield
          }) : () -> ()
        } else {
        }
        %jit3A_223 = arith.constant 16 : i32
        %eq3A_224 = arith.constant 0 : i32
        %eq3A_225 = arith.cmpi eq, %jit3A_223, %eq3A_224 : i32
        %jit3A_226 = arith.constant 1 : i32
        %select_n3A_227 = arith.select %eq3A_225, %jit3A_226, %jit3A_223 : i32
        %rem3A_228 = arith.remsi %add3A_201, %select_n3A_227 : i32
        %ne3A_229 = arith.constant 0 : i32
        %ne3A_230 = arith.cmpi ne, %rem3A_228, %ne3A_229 : i32
        %lt3A_231 = arith.constant 0 : i32
        %lt3A_232 = arith.cmpi slt, %rem3A_228, %lt3A_231 : i32
        %lt3A_233 = arith.constant 0 : i32
        %lt3A_234 = arith.cmpi slt, %select_n3A_227, %lt3A_233 : i32
        %ne3A_235 = arith.xori %lt3A_232, %lt3A_234 : i1
        %and3A_236 = arith.andi %ne3A_235, %ne3A_230 : i1
        %add3A_237 = arith.addi %rem3A_228, %select_n3A_227 : i32
        %select_n3A_238 = arith.select %and3A_236, %add3A_237, %rem3A_228 : i32
        %jit3A_239 = arith.constant 2 : i32
        %eq3A_240 = arith.constant 0 : i32
        %eq3A_241 = arith.cmpi eq, %jit3A_239, %eq3A_240 : i32
        %jit3A_242 = arith.constant 1 : i32
        %select_n3A_243 = arith.select %eq3A_241, %jit3A_242, %jit3A_239 : i32
        %rem3A_244 = arith.remsi %add3A_201, %select_n3A_243 : i32
        %ne3A_245 = arith.constant 0 : i32
        %ne3A_246 = arith.cmpi ne, %rem3A_244, %ne3A_245 : i32
        %lt3A_247 = arith.constant 0 : i32
        %lt3A_248 = arith.cmpi slt, %rem3A_244, %lt3A_247 : i32
        %lt3A_249 = arith.constant 0 : i32
        %lt3A_250 = arith.cmpi slt, %select_n3A_243, %lt3A_249 : i32
        %ne3A_251 = arith.xori %lt3A_248, %lt3A_250 : i1
        %and3A_252 = arith.andi %ne3A_251, %ne3A_246 : i1
        %add3A_253 = arith.addi %rem3A_244, %select_n3A_243 : i32
        %select_n3A_254 = arith.select %and3A_252, %add3A_253, %rem3A_244 : i32
        %jit3A_255 = arith.constant 2 : i32
        %eq3A_256 = arith.constant 0 : i32
        %eq3A_257 = arith.cmpi eq, %jit3A_255, %eq3A_256 : i32
        %jit3A_258 = arith.constant 1 : i32
        %select_n3A_259 = arith.select %eq3A_257, %jit3A_258, %jit3A_255 : i32
        %rem3A_260 = arith.remsi %add3A_201, %select_n3A_259 : i32
        %ne3A_261 = arith.constant 0 : i32
        %ne3A_262 = arith.cmpi ne, %rem3A_260, %ne3A_261 : i32
        %lt3A_263 = arith.constant 0 : i32
        %lt3A_264 = arith.cmpi slt, %rem3A_260, %lt3A_263 : i32
        %lt3A_265 = arith.constant 0 : i32
        %lt3A_266 = arith.cmpi slt, %select_n3A_259, %lt3A_265 : i32
        %ne3A_267 = arith.xori %lt3A_264, %lt3A_266 : i1
        %and3A_268 = arith.andi %ne3A_267, %ne3A_262 : i1
        %add3A_269 = arith.addi %rem3A_260, %select_n3A_259 : i32
        %select_n3A_270 = arith.select %and3A_268, %add3A_269, %rem3A_260 : i32
        %dma_start3A_271 = arith.constant 0 : i32
        %dma_start3A_272 = arith.constant 0 : i32
        %dma_start3A_273 = tpu.memref_slice %arg8[%select_n3A_254, %dma_start3A_271, %dma_start3A_272] : memref<2x125x128xf32, #tpu.memory_space<vmem>> -> memref<1x125x128xf32, #tpu.memory_space<vmem>>
        %dma_start3A_274 = tpu.memref_squeeze %dma_start3A_273 : memref<1x125x128xf32, #tpu.memory_space<vmem>> -> memref<125x128xf32, #tpu.memory_space<vmem>>
        %dma_start3A_275 = arith.constant 0 : i32
        %dma_start3A_276 = tpu.memref_slice %arg6[%select_n3A_238, %dma_start3A_275] : memref<16x125xi32, #tpu.memory_space<vmem>> -> memref<1x125xi32, #tpu.memory_space<vmem>>
        %dma_start3A_277 = tpu.memref_squeeze %dma_start3A_276 : memref<1x125xi32, #tpu.memory_space<vmem>> -> memref<125xi32, #tpu.memory_space<vmem>>
        %dma_start3A_278 = arith.constant 0 : i32
        %dma_start3A_279 = arith.constant 0 : i32
        %dma_start3A_280 = tpu.memref_slice %arg2[%dma_start3A_278, %dma_start3A_279] : memref<10000x128xf32, #tpu.memory_space<hbm>> -> memref<10000x128xf32, #tpu.memory_space<hbm>>
        %dma_start3A_281 = tpu.memref_slice %arg10[%select_n3A_270] : memref<2x!tpu.dma_semaphore, #tpu.memory_space<semaphore_mem>> -> memref<1x!tpu.dma_semaphore, #tpu.memory_space<semaphore_mem>>
        %dma_start3A_282 = tpu.memref_squeeze %dma_start3A_281 : memref<1x!tpu.dma_semaphore, #tpu.memory_space<semaphore_mem>> -> memref<!tpu.dma_semaphore, #tpu.memory_space<semaphore_mem>>
        tpu.enqueue_indirect_dma source(%dma_start3A_280 : memref<10000x128xf32, #tpu.memory_space<hbm>>) target(%dma_start3A_274 : memref<125x128xf32, #tpu.memory_space<vmem>>) offsets(%dma_start3A_277 : memref<125xi32, #tpu.memory_space<vmem>>) semaphore(%dma_start3A_282 : memref<!tpu.dma_semaphore, #tpu.memory_space<semaphore_mem>>)
      } else {
      }
      %jit3A_117 = arith.constant 16 : i32
      %eq3A_118 = arith.constant 0 : i32
      %eq3A_119 = arith.cmpi eq, %jit3A_117, %eq3A_118 : i32
      %jit3A_120 = arith.constant 1 : i32
      %select_n3A_121 = arith.select %eq3A_119, %jit3A_120, %jit3A_117 : i32
      %rem3A_122 = arith.remsi %add3A_53, %select_n3A_121 : i32
      %ne3A_123 = arith.constant 0 : i32
      %ne3A_124 = arith.cmpi ne, %rem3A_122, %ne3A_123 : i32
      %lt3A_125 = arith.constant 0 : i32
      %lt3A_126 = arith.cmpi slt, %rem3A_122, %lt3A_125 : i32
      %lt3A_127 = arith.constant 0 : i32
      %lt3A_128 = arith.cmpi slt, %select_n3A_121, %lt3A_127 : i32
      %ne3A_129 = arith.xori %lt3A_126, %lt3A_128 : i1
      %and3A_130 = arith.andi %ne3A_129, %ne3A_124 : i1
      %add3A_131 = arith.addi %rem3A_122, %select_n3A_121 : i32
      %select_n3A_132 = arith.select %and3A_130, %add3A_131, %rem3A_122 : i32
      %eq3A_133 = arith.constant 0 : i32
      %eq3A_134 = arith.cmpi eq, %select_n3A_132, %eq3A_133 : i32
      %gt3A = arith.constant 0 : i32
      %gt3A_135 = arith.cmpi sgt, %add3A_53, %gt3A : i32
      %and3A_136 = arith.andi %eq3A_134, %gt3A_135 : i1
      %convert_element_type3A_137 = arith.extui %and3A_136 : i1 to i32
      %cond3A_138 = arith.constant 0 : i32
      %cond3A_139 = arith.cmpi ne, %convert_element_type3A_137, %cond3A_138 : i32
      scf.if %cond3A_139 {
        %mul3A_200 = arith.constant 80 : i32
        %mul3A_201 = arith.muli %add3A, %mul3A_200 : i32
        %add3A_202 = arith.addi %mul3A_201, %add3A_53 : i32
        %multiple_of3A = tpu.assume_multiple %add3A_202, 8 : i32
        "tpu.region"() ({
          %run_scoped3A = tpu.sem_alloc : memref<!tpu.dma_semaphore, #tpu.memory_space<semaphore_mem>>
          %dma_start3A_203 = arith.constant 0 : i32
          %dma_start3A_204 = tpu.memref_slice %arg4[%multiple_of3A, %dma_start3A_203] : memref<2560x125xi32, #tpu.memory_space<hbm>> -> memref<16x125xi32, #tpu.memory_space<hbm>>
          %dma_start3A_205 = arith.constant 0 : i32
          %dma_start3A_206 = tpu.memref_slice %arg4[%multiple_of3A, %dma_start3A_205] : memref<2560x125xi32, #tpu.memory_space<hbm>> -> memref<16x125xi32, #tpu.memory_space<hbm>>
          tpu.enqueue_dma source(%dma_start3A_206 : memref<16x125xi32, #tpu.memory_space<hbm>>) target(%arg7 : memref<16x125xi32, #tpu.memory_space<vmem>>) target_semaphore(%run_scoped3A : memref<!tpu.dma_semaphore, #tpu.memory_space<semaphore_mem>>)
          %dma_wait3A_207 = arith.constant 0 : i32
          %dma_wait3A_208 = tpu.memref_slice %arg4[%multiple_of3A, %dma_wait3A_207] : memref<2560x125xi32, #tpu.memory_space<hbm>> -> memref<16x125xi32, #tpu.memory_space<hbm>>
          %dma_wait3A_209 = arith.constant 0 : i32
          %dma_wait3A_210 = tpu.memref_slice %arg4[%multiple_of3A, %dma_wait3A_209] : memref<2560x125xi32, #tpu.memory_space<hbm>> -> memref<16x125xi32, #tpu.memory_space<hbm>>
          tpu.wait_dma2 semaphore(%run_scoped3A : memref<!tpu.dma_semaphore, #tpu.memory_space<semaphore_mem>>) src(%dma_wait3A_210 : memref<16x125xi32, #tpu.memory_space<hbm>>) dst(%arg7 : memref<16x125xi32, #tpu.memory_space<vmem>>)
          tpu.yield
        }) : () -> ()
      } else {
      }
      %jit3A_140 = arith.constant 2 : i32
      %eq3A_141 = arith.constant 0 : i32
      %eq3A_142 = arith.cmpi eq, %jit3A_140, %eq3A_141 : i32
      %jit3A_143 = arith.constant 1 : i32
      %select_n3A_144 = arith.select %eq3A_142, %jit3A_143, %jit3A_140 : i32
      %rem3A_145 = arith.remsi %add3A_53, %select_n3A_144 : i32
      %ne3A_146 = arith.constant 0 : i32
      %ne3A_147 = arith.cmpi ne, %rem3A_145, %ne3A_146 : i32
      %lt3A_148 = arith.constant 0 : i32
      %lt3A_149 = arith.cmpi slt, %rem3A_145, %lt3A_148 : i32
      %lt3A_150 = arith.constant 0 : i32
      %lt3A_151 = arith.cmpi slt, %select_n3A_144, %lt3A_150 : i32
      %ne3A_152 = arith.xori %lt3A_149, %lt3A_151 : i1
      %and3A_153 = arith.andi %ne3A_152, %ne3A_147 : i1
      %add3A_154 = arith.addi %rem3A_145, %select_n3A_144 : i32
      %select_n3A_155 = arith.select %and3A_153, %add3A_154, %rem3A_145 : i32
      %jit3A_156 = arith.constant 16 : i32
      %eq3A_157 = arith.constant 0 : i32
      %eq3A_158 = arith.cmpi eq, %jit3A_156, %eq3A_157 : i32
      %jit3A_159 = arith.constant 1 : i32
      %select_n3A_160 = arith.select %eq3A_158, %jit3A_159, %jit3A_156 : i32
      %rem3A_161 = arith.remsi %add3A_53, %select_n3A_160 : i32
      %ne3A_162 = arith.constant 0 : i32
      %ne3A_163 = arith.cmpi ne, %rem3A_161, %ne3A_162 : i32
      %lt3A_164 = arith.constant 0 : i32
      %lt3A_165 = arith.cmpi slt, %rem3A_161, %lt3A_164 : i32
      %lt3A_166 = arith.constant 0 : i32
      %lt3A_167 = arith.cmpi slt, %select_n3A_160, %lt3A_166 : i32
      %ne3A_168 = arith.xori %lt3A_165, %lt3A_167 : i1
      %and3A_169 = arith.andi %ne3A_168, %ne3A_163 : i1
      %add3A_170 = arith.addi %rem3A_161, %select_n3A_160 : i32
      %select_n3A_171 = arith.select %and3A_169, %add3A_170, %rem3A_161 : i32
      %jit3A_172 = arith.constant 2 : i32
      %eq3A_173 = arith.constant 0 : i32
      %eq3A_174 = arith.cmpi eq, %jit3A_172, %eq3A_173 : i32
      %jit3A_175 = arith.constant 1 : i32
      %select_n3A_176 = arith.select %eq3A_174, %jit3A_175, %jit3A_172 : i32
      %rem3A_177 = arith.remsi %add3A_53, %select_n3A_176 : i32
      %ne3A_178 = arith.constant 0 : i32
      %ne3A_179 = arith.cmpi ne, %rem3A_177, %ne3A_178 : i32
      %lt3A_180 = arith.constant 0 : i32
      %lt3A_181 = arith.cmpi slt, %rem3A_177, %lt3A_180 : i32
      %lt3A_182 = arith.constant 0 : i32
      %lt3A_183 = arith.cmpi slt, %select_n3A_176, %lt3A_182 : i32
      %ne3A_184 = arith.xori %lt3A_181, %lt3A_183 : i1
      %and3A_185 = arith.andi %ne3A_184, %ne3A_179 : i1
      %add3A_186 = arith.addi %rem3A_177, %select_n3A_176 : i32
      %select_n3A_187 = arith.select %and3A_185, %add3A_186, %rem3A_177 : i32
      %dma_start3A_188 = arith.constant 0 : i32
      %dma_start3A_189 = arith.constant 0 : i32
      %dma_start3A_190 = tpu.memref_slice %arg8[%select_n3A_155, %dma_start3A_188, %dma_start3A_189] : memref<2x125x128xf32, #tpu.memory_space<vmem>> -> memref<1x125x128xf32, #tpu.memory_space<vmem>>
      %dma_start3A_191 = tpu.memref_squeeze %dma_start3A_190 : memref<1x125x128xf32, #tpu.memory_space<vmem>> -> memref<125x128xf32, #tpu.memory_space<vmem>>
      %dma_start3A_192 = arith.constant 0 : i32
      %dma_start3A_193 = tpu.memref_slice %arg7[%select_n3A_171, %dma_start3A_192] : memref<16x125xi32, #tpu.memory_space<vmem>> -> memref<1x125xi32, #tpu.memory_space<vmem>>
      %dma_start3A_194 = tpu.memref_squeeze %dma_start3A_193 : memref<1x125xi32, #tpu.memory_space<vmem>> -> memref<125xi32, #tpu.memory_space<vmem>>
      %dma_start3A_195 = arith.constant 0 : i32
      %dma_start3A_196 = arith.constant 0 : i32
      %dma_start3A_197 = tpu.memref_slice %arg9[%dma_start3A_195, %dma_start3A_196] : memref<10000x128xf32, #tpu.memory_space<vmem_shared>> -> memref<10000x128xf32, #tpu.memory_space<vmem_shared>>
      %dma_start3A_198 = tpu.memref_slice %arg11[%select_n3A_187] : memref<2x!tpu.dma_semaphore, #tpu.memory_space<semaphore_mem>> -> memref<1x!tpu.dma_semaphore, #tpu.memory_space<semaphore_mem>>
      %dma_start3A_199 = tpu.memref_squeeze %dma_start3A_198 : memref<1x!tpu.dma_semaphore, #tpu.memory_space<semaphore_mem>> -> memref<!tpu.dma_semaphore, #tpu.memory_space<semaphore_mem>>
      tpu.enqueue_indirect_dma source(%dma_start3A_191 : memref<125x128xf32, #tpu.memory_space<vmem>>) target(%dma_start3A_197 : memref<10000x128xf32, #tpu.memory_space<vmem_shared>>) offsets(%dma_start3A_194 : memref<125xi32, #tpu.memory_space<vmem>>) semaphore(%dma_start3A_199 : memref<!tpu.dma_semaphore, #tpu.memory_space<semaphore_mem>>) {add = true}
    }
    %scan3A_26 = arith.constant 80 : i32
    %dma_wait3A = arith.constant 1 : i32
    %dma_wait3A_27 = arith.constant 15 : i32
    %dma_wait3A_28 = arith.constant 1 : i32
    %dma_wait3A_29 = arith.constant 0 : i32
    %dma_wait3A_30 = arith.constant 0 : i32
    %dma_wait3A_31 = tpu.memref_slice %arg8[%dma_wait3A, %dma_wait3A_29, %dma_wait3A_30] : memref<2x125x128xf32, #tpu.memory_space<vmem>> -> memref<1x125x128xf32, #tpu.memory_space<vmem>>
    %dma_wait3A_32 = tpu.memref_squeeze %dma_wait3A_31 : memref<1x125x128xf32, #tpu.memory_space<vmem>> -> memref<125x128xf32, #tpu.memory_space<vmem>>
    %dma_wait3A_33 = arith.constant 0 : i32
    %dma_wait3A_34 = tpu.memref_slice %arg7[%dma_wait3A_27, %dma_wait3A_33] : memref<16x125xi32, #tpu.memory_space<vmem>> -> memref<1x125xi32, #tpu.memory_space<vmem>>
    %dma_wait3A_35 = tpu.memref_squeeze %dma_wait3A_34 : memref<1x125xi32, #tpu.memory_space<vmem>> -> memref<125xi32, #tpu.memory_space<vmem>>
    %dma_wait3A_36 = arith.constant 0 : i32
    %dma_wait3A_37 = arith.constant 0 : i32
    %dma_wait3A_38 = tpu.memref_slice %arg9[%dma_wait3A_36, %dma_wait3A_37] : memref<10000x128xf32, #tpu.memory_space<vmem_shared>> -> memref<10000x128xf32, #tpu.memory_space<vmem_shared>>
    %dma_wait3A_39 = tpu.memref_slice %arg11[%dma_wait3A_28] : memref<2x!tpu.dma_semaphore, #tpu.memory_space<semaphore_mem>> -> memref<1x!tpu.dma_semaphore, #tpu.memory_space<semaphore_mem>>
    %dma_wait3A_40 = tpu.memref_squeeze %dma_wait3A_39 : memref<1x!tpu.dma_semaphore, #tpu.memory_space<semaphore_mem>> -> memref<!tpu.dma_semaphore, #tpu.memory_space<semaphore_mem>>
    tpu.wait_indirect_dma semaphore(%dma_wait3A_40 : memref<!tpu.dma_semaphore, #tpu.memory_space<semaphore_mem>>) src(%dma_wait3A_32 : memref<125x128xf32, #tpu.memory_space<vmem>>) dst(%dma_wait3A_38 : memref<10000x128xf32, #tpu.memory_space<vmem_shared>>)
    %barrier3A_41 = arith.constant 0 : index
    tpu.barrier barrier_id(%barrier3A_41)
    %mul3A_42 = arith.constant 624 : i32
    %mul3A_43 = arith.muli %arg1, %mul3A_42 : i32
    "tpu.region"() ({
      %run_scoped3A = tpu.sem_alloc : memref<!tpu.dma_semaphore, #tpu.memory_space<semaphore_mem>>
      %dma_start3A_49 = arith.constant 0 : i32
      %dma_start3A_50 = tpu.memref_slice %arg5[%arg0, %mul3A_43, %dma_start3A_49] : memref<2x10000x128xf32, #tpu.memory_space<hbm>> -> memref<1x624x128xf32, #tpu.memory_space<hbm>>
      %dma_start3A_51 = tpu.memref_squeeze %dma_start3A_50 : memref<1x624x128xf32, #tpu.memory_space<hbm>> -> memref<624x128xf32, #tpu.memory_space<hbm>>
      %dma_start3A_52 = arith.constant 0 : i32
      %dma_start3A_53 = tpu.memref_slice %arg9[%mul3A_43, %dma_start3A_52] : memref<10000x128xf32, #tpu.memory_space<vmem_shared>> -> memref<624x128xf32, #tpu.memory_space<vmem_shared>>
      tpu.enqueue_dma source(%dma_start3A_53 : memref<624x128xf32, #tpu.memory_space<vmem_shared>>) target(%dma_start3A_51 : memref<624x128xf32, #tpu.memory_space<hbm>>) target_semaphore(%run_scoped3A : memref<!tpu.dma_semaphore, #tpu.memory_space<semaphore_mem>>)
      %dma_wait3A_54 = arith.constant 0 : i32
      %dma_wait3A_55 = tpu.memref_slice %arg5[%arg0, %mul3A_43, %dma_wait3A_54] : memref<2x10000x128xf32, #tpu.memory_space<hbm>> -> memref<1x624x128xf32, #tpu.memory_space<hbm>>
      %dma_wait3A_56 = tpu.memref_squeeze %dma_wait3A_55 : memref<1x624x128xf32, #tpu.memory_space<hbm>> -> memref<624x128xf32, #tpu.memory_space<hbm>>
      %dma_wait3A_57 = arith.constant 0 : i32
      %dma_wait3A_58 = tpu.memref_slice %arg9[%mul3A_43, %dma_wait3A_57] : memref<10000x128xf32, #tpu.memory_space<vmem_shared>> -> memref<624x128xf32, #tpu.memory_space<vmem_shared>>
      tpu.wait_dma2 semaphore(%run_scoped3A : memref<!tpu.dma_semaphore, #tpu.memory_space<semaphore_mem>>) src(%dma_wait3A_58 : memref<624x128xf32, #tpu.memory_space<vmem_shared>>) dst(%dma_wait3A_56 : memref<624x128xf32, #tpu.memory_space<hbm>>)
      tpu.yield
    }) : () -> ()
    %lt3A_44 = arith.constant 2 : i32
    %lt3A_45 = arith.cmpi slt, %arg1, %lt3A_44 : i32
    %convert_element_type3A_46 = arith.extui %lt3A_45 : i1 to i32
    %cond3A_47 = arith.constant 0 : i32
    %cond3A_48 = arith.cmpi ne, %convert_element_type3A_46, %cond3A_47 : i32
    scf.if %cond3A_48 {
      %mul3A_49 = arith.constant 8 : i32
      %mul3A_50 = arith.muli %arg1, %mul3A_49 : i32
      %add3A_51 = arith.constant 9984 : i32
      %add3A_52 = arith.addi %add3A_51, %mul3A_50 : i32
      "tpu.region"() ({
        %run_scoped3A = tpu.sem_alloc : memref<!tpu.dma_semaphore, #tpu.memory_space<semaphore_mem>>
        %dma_start3A_53 = arith.constant 0 : i32
        %dma_start3A_54 = tpu.memref_slice %arg5[%arg0, %add3A_52, %dma_start3A_53] : memref<2x10000x128xf32, #tpu.memory_space<hbm>> -> memref<1x8x128xf32, #tpu.memory_space<hbm>>
        %dma_start3A_55 = tpu.memref_squeeze %dma_start3A_54 : memref<1x8x128xf32, #tpu.memory_space<hbm>> -> memref<8x128xf32, #tpu.memory_space<hbm>>
        %dma_start3A_56 = arith.constant 0 : i32
        %dma_start3A_57 = tpu.memref_slice %arg9[%add3A_52, %dma_start3A_56] : memref<10000x128xf32, #tpu.memory_space<vmem_shared>> -> memref<8x128xf32, #tpu.memory_space<vmem_shared>>
        tpu.enqueue_dma source(%dma_start3A_57 : memref<8x128xf32, #tpu.memory_space<vmem_shared>>) target(%dma_start3A_55 : memref<8x128xf32, #tpu.memory_space<hbm>>) target_semaphore(%run_scoped3A : memref<!tpu.dma_semaphore, #tpu.memory_space<semaphore_mem>>)
        %dma_wait3A_58 = arith.constant 0 : i32
        %dma_wait3A_59 = tpu.memref_slice %arg5[%arg0, %add3A_52, %dma_wait3A_58] : memref<2x10000x128xf32, #tpu.memory_space<hbm>> -> memref<1x8x128xf32, #tpu.memory_space<hbm>>
        %dma_wait3A_60 = tpu.memref_squeeze %dma_wait3A_59 : memref<1x8x128xf32, #tpu.memory_space<hbm>> -> memref<8x128xf32, #tpu.memory_space<hbm>>
        %dma_wait3A_61 = arith.constant 0 : i32
        %dma_wait3A_62 = tpu.memref_slice %arg9[%add3A_52, %dma_wait3A_61] : memref<10000x128xf32, #tpu.memory_space<vmem_shared>> -> memref<8x128xf32, #tpu.memory_space<vmem_shared>>
        tpu.wait_dma2 semaphore(%run_scoped3A : memref<!tpu.dma_semaphore, #tpu.memory_space<semaphore_mem>>) src(%dma_wait3A_62 : memref<8x128xf32, #tpu.memory_space<vmem_shared>>) dst(%dma_wait3A_60 : memref<8x128xf32, #tpu.memory_space<hbm>>)
        tpu.yield
      }) : () -> ()
    } else {
    }
    return
  }
}

#map = affine_map<(d0, d1) -> (0)>
#map1 = affine_map<(d0, d1) -> (0, 0, 0)>
module attributes {stable_mosaic.version = 14 : i64} {
  func.func @k(%arg0: i32, %arg1: i32, %arg2: memref<320000xi32, #tpu.memory_space<hbm>>, %arg3: memref<2x80x128xf32, #tpu.memory_space<hbm>>, %arg4: memref<10000xi32, #tpu.memory_space<vmem>>, %arg5: memref<8x80x128xf32, #tpu.memory_space<vmem>>, %arg6: memref<1x80xi32, #tpu.memory_space<vmem>>, %arg7: memref<80x128xf32, #tpu.memory_space<vmem_shared>>) attributes {dimension_semantics = [#tpu.dimension_semantics<core_parallel>, #tpu.dimension_semantics<subcore_parallel>], iteration_bounds = array<i64: 2, 16>, scalar_prefetch = 0 : i64, scratch_operands = 4 : i64, tpu.core_type = #tpu.core_type<sc_vector_subcore>, window_params = [{transform_indices = #map}, {transform_indices = #map1}]} {
    %mul3A = arith.constant 2 : i32
    %mul3A_0 = arith.muli %arg1, %mul3A : i32
    %add3A = arith.addi %mul3A_0, %arg0 : i32
    %mul3A_1 = arith.constant 10000 : i32
    %mul3A_2 = arith.muli %add3A, %mul3A_1 : i32
    "tpu.region"() ({
      %run_scoped3A = tpu.sem_alloc : memref<!tpu.dma_semaphore, #tpu.memory_space<semaphore_mem>>
      %dma_start3A = tpu.memref_slice %arg2[%mul3A_2] : memref<320000xi32, #tpu.memory_space<hbm>> -> memref<10000xi32, #tpu.memory_space<hbm>>
      %dma_start3A_39 = tpu.memref_slice %arg2[%mul3A_2] : memref<320000xi32, #tpu.memory_space<hbm>> -> memref<10000xi32, #tpu.memory_space<hbm>>
      tpu.enqueue_dma source(%dma_start3A_39 : memref<10000xi32, #tpu.memory_space<hbm>>) target(%arg4 : memref<10000xi32, #tpu.memory_space<vmem>>) target_semaphore(%run_scoped3A : memref<!tpu.dma_semaphore, #tpu.memory_space<semaphore_mem>>)
      %dma_wait3A = tpu.memref_slice %arg2[%mul3A_2] : memref<320000xi32, #tpu.memory_space<hbm>> -> memref<10000xi32, #tpu.memory_space<hbm>>
      %dma_wait3A_40 = tpu.memref_slice %arg2[%mul3A_2] : memref<320000xi32, #tpu.memory_space<hbm>> -> memref<10000xi32, #tpu.memory_space<hbm>>
      tpu.wait_dma2 semaphore(%run_scoped3A : memref<!tpu.dma_semaphore, #tpu.memory_space<semaphore_mem>>) src(%dma_wait3A_40 : memref<10000xi32, #tpu.memory_space<hbm>>) dst(%arg4 : memref<10000xi32, #tpu.memory_space<vmem>>)
      tpu.yield
    }) : () -> ()
    %broadcast_in_dim3A = arith.constant 0.000000e+00 : f32
    %broadcast_in_dim3A_3 = vector.broadcast %broadcast_in_dim3A : f32 to vector<16xf32>
    %iota3A = tpu.iota {dimensions = array<i32: 0>} : vector<16xi32>
    %scan3A = arith.constant 0 : i32
    %scan3A_4 = arith.constant 8 : i32
    %scan3A_5 = arith.addi %scan3A, %scan3A_4 : i32
    %scan3A_6 = arith.constant 1 : i32
    scf.for %scan3A_39 = %scan3A to %scan3A_5 step %scan3A_6  : i32 {
      %mul3A_40 = arith.constant 1 : i32
      %mul3A_41 = arith.muli %scan3A_39, %mul3A_40 : i32
      %add3A_42 = arith.constant 0 : i32
      %add3A_43 = arith.addi %add3A_42, %mul3A_41 : i32
      %scan3A_44 = arith.constant 0 : i32
      %scan3A_45 = arith.constant 80 : i32
      %scan3A_46 = arith.addi %scan3A_44, %scan3A_45 : i32
      %scan3A_47 = arith.constant 1 : i32
      scf.for %scan3A_49 = %scan3A_44 to %scan3A_46 step %scan3A_47  : i32 {
        %mul3A_50 = arith.constant 1 : i32
        %mul3A_51 = arith.muli %scan3A_49, %mul3A_50 : i32
        %add3A_52 = arith.constant 0 : i32
        %add3A_53 = arith.addi %add3A_52, %mul3A_51 : i32
        %scan3A_54 = arith.constant 0 : i32
        %scan3A_55 = arith.constant 8 : i32
        %scan3A_56 = arith.addi %scan3A_54, %scan3A_55 : i32
        %scan3A_57 = arith.constant 1 : i32
        scf.for %scan3A_59 = %scan3A_54 to %scan3A_56 step %scan3A_57  : i32 {
          %mul3A_60 = arith.constant 1 : i32
          %mul3A_61 = arith.muli %scan3A_59, %mul3A_60 : i32
          %add3A_62 = arith.constant 0 : i32
          %add3A_63 = arith.addi %add3A_62, %mul3A_61 : i32
          %mul3A_64 = arith.constant 16 : i32
          %mul3A_65 = arith.muli %add3A_63, %mul3A_64 : i32
          %swap3A = arith.index_cast %add3A_43 : i32 to index
          %swap3A_66 = arith.index_cast %add3A_53 : i32 to index
          %swap3A_67 = arith.index_cast %mul3A_65 : i32 to index
          %swap3A_68 = tpu.vector_load %arg5[%swap3A, %swap3A_66, %swap3A_67] {strides = array<i32>} : memref<8x80x128xf32, #tpu.memory_space<vmem>>, vector<16xf32>,
          tpu.vector_store %arg5[%swap3A, %swap3A_66, %swap3A_67], %broadcast_in_dim3A_3 {strides = array<i32>} : memref<8x80x128xf32, #tpu.memory_space<vmem>>, vector<16xf32>,
        }
        %scan3A_58 = arith.constant 8 : i32
      }
      %scan3A_48 = arith.constant 80 : i32
    }
    %scan3A_7 = arith.constant 8 : i32
    %scan3A_8 = arith.constant 0 : i32
    %scan3A_9 = arith.constant 5 : i32
    %scan3A_10 = arith.addi %scan3A_8, %scan3A_9 : i32
    %scan3A_11 = arith.constant 1 : i32
    scf.for %scan3A_39 = %scan3A_8 to %scan3A_10 step %scan3A_11  : i32 {
      %mul3A_40 = arith.constant 1 : i32
      %mul3A_41 = arith.muli %scan3A_39, %mul3A_40 : i32
      %add3A_42 = arith.constant 0 : i32
      %add3A_43 = arith.addi %add3A_42, %mul3A_41 : i32
      %mul3A_44 = arith.constant 16 : i32
      %mul3A_45 = arith.muli %add3A_43, %mul3A_44 : i32
      %add3A_46 = vector.broadcast %mul3A_45 : i32 to vector<16xi32>
      %add3A_47 = arith.addi %iota3A, %add3A_46 : vector<16xi32>
      %mul3A_48 = arith.constant 16 : i32
      %mul3A_49 = arith.muli %add3A_43, %mul3A_48 : i32
      %swap3A = arith.constant 0 : i32
      %swap3A_50 = arith.index_cast %swap3A : i32 to index
      %swap3A_51 = arith.index_cast %mul3A_49 : i32 to index
      %swap3A_52 = tpu.vector_load %arg6[%swap3A_50, %swap3A_51] {strides = array<i32>} : memref<1x80xi32, #tpu.memory_space<vmem>>, vector<16xi32>,
      tpu.vector_store %arg6[%swap3A_50, %swap3A_51], %add3A_47 {strides = array<i32>} : memref<1x80xi32, #tpu.memory_space<vmem>>, vector<16xi32>,
    }
    %scan3A_12 = arith.constant 5 : i32
    %eq3A = arith.constant 0 : i32
    %eq3A_13 = arith.cmpi eq, %arg1, %eq3A : i32
    %convert_element_type3A = arith.extui %eq3A_13 : i1 to i32
    %cond3A = arith.constant 0 : i32
    %cond3A_14 = arith.cmpi ne, %convert_element_type3A, %cond3A : i32
    scf.if %cond3A_14 {
      %run_scoped3A = arith.constant 0 : i32
      "tpu.region"() ({
        %run_scoped3A_39 = tpu.sem_alloc : memref<!tpu.dma_semaphore, #tpu.memory_space<semaphore_mem>>
        %dma_start3A = arith.constant 0 : i32
        %dma_start3A_40 = arith.constant 0 : i32
        %dma_start3A_41 = tpu.memref_slice %arg5[%run_scoped3A, %dma_start3A, %dma_start3A_40] : memref<8x80x128xf32, #tpu.memory_space<vmem>> -> memref<1x80x128xf32, #tpu.memory_space<vmem>>
        %dma_start3A_42 = tpu.memref_squeeze %dma_start3A_41 : memref<1x80x128xf32, #tpu.memory_space<vmem>> -> memref<80x128xf32, #tpu.memory_space<vmem>>
        %dma_start3A_43 = arith.constant 0 : i32
        %dma_start3A_44 = arith.constant 0 : i32
        %dma_start3A_45 = tpu.memref_slice %arg5[%run_scoped3A, %dma_start3A_43, %dma_start3A_44] : memref<8x80x128xf32, #tpu.memory_space<vmem>> -> memref<1x80x128xf32, #tpu.memory_space<vmem>>
        %dma_start3A_46 = tpu.memref_squeeze %dma_start3A_45 : memref<1x80x128xf32, #tpu.memory_space<vmem>> -> memref<80x128xf32, #tpu.memory_space<vmem>>
        tpu.enqueue_dma source(%dma_start3A_46 : memref<80x128xf32, #tpu.memory_space<vmem>>) target(%arg7 : memref<80x128xf32, #tpu.memory_space<vmem_shared>>) target_semaphore(%run_scoped3A_39 : memref<!tpu.dma_semaphore, #tpu.memory_space<semaphore_mem>>)
        %dma_wait3A = arith.constant 0 : i32
        %dma_wait3A_47 = arith.constant 0 : i32
        %dma_wait3A_48 = tpu.memref_slice %arg5[%run_scoped3A, %dma_wait3A, %dma_wait3A_47] : memref<8x80x128xf32, #tpu.memory_space<vmem>> -> memref<1x80x128xf32, #tpu.memory_space<vmem>>
        %dma_wait3A_49 = tpu.memref_squeeze %dma_wait3A_48 : memref<1x80x128xf32, #tpu.memory_space<vmem>> -> memref<80x128xf32, #tpu.memory_space<vmem>>
        %dma_wait3A_50 = arith.constant 0 : i32
        %dma_wait3A_51 = arith.constant 0 : i32
        %dma_wait3A_52 = tpu.memref_slice %arg5[%run_scoped3A, %dma_wait3A_50, %dma_wait3A_51] : memref<8x80x128xf32, #tpu.memory_space<vmem>> -> memref<1x80x128xf32, #tpu.memory_space<vmem>>
        %dma_wait3A_53 = tpu.memref_squeeze %dma_wait3A_52 : memref<1x80x128xf32, #tpu.memory_space<vmem>> -> memref<80x128xf32, #tpu.memory_space<vmem>>
        tpu.wait_dma2 semaphore(%run_scoped3A_39 : memref<!tpu.dma_semaphore, #tpu.memory_space<semaphore_mem>>) src(%dma_wait3A_53 : memref<80x128xf32, #tpu.memory_space<vmem>>) dst(%arg7 : memref<80x128xf32, #tpu.memory_space<vmem_shared>>)
        tpu.yield
      }) : () -> ()
    } else {
    }
    %and3A = arith.constant 7 : i32
    %and3A_15 = vector.broadcast %and3A : i32 to vector<16xi32>
    %and3A_16 = arith.andi %iota3A, %and3A_15 : vector<16xi32>
    %lt3A = arith.constant 8 : i32
    %lt3A_17 = vector.broadcast %lt3A : i32 to vector<16xi32>
    %lt3A_18 = arith.cmpi slt, %iota3A, %lt3A_17 : vector<16xi32>
    %ge3A = arith.constant 8 : i32
    %ge3A_19 = vector.broadcast %ge3A : i32 to vector<16xi32>
    %ge3A_20 = arith.cmpi sge, %iota3A, %ge3A_19 : vector<16xi32>
    %broadcast_in_dim3A_21 = arith.constant 1.000000e+00 : f32
    %broadcast_in_dim3A_22 = vector.broadcast %broadcast_in_dim3A_21 : f32 to vector<16xf32>
    %scan3A_23 = arith.constant 0 : i32
    %scan3A_24 = arith.constant 625 : i32
    %scan3A_25 = arith.addi %scan3A_23, %scan3A_24 : i32
    %scan3A_26 = arith.constant 1 : i32
    scf.for %scan3A_39 = %scan3A_23 to %scan3A_25 step %scan3A_26  : i32 {
      %mul3A_40 = arith.constant 1 : i32
      %mul3A_41 = arith.muli %scan3A_39, %mul3A_40 : i32
      %add3A_42 = arith.constant 0 : i32
      %add3A_43 = arith.addi %add3A_42, %mul3A_41 : i32
      %mul3A_44 = arith.constant 16 : i32
      %mul3A_45 = arith.muli %add3A_43, %mul3A_44 : i32
      %get3A = arith.index_cast %mul3A_45 : i32 to index
      %get3A_46 = tpu.vector_load %arg4[%get3A] {strides = array<i32>} : memref<10000xi32, #tpu.memory_space<vmem>>, vector<16xi32>,
      %shift_right_logical3A = arith.constant 7 : i32
      %shift_right_logical3A_47 = vector.broadcast %shift_right_logical3A : i32 to vector<16xi32>
      %shift_right_logical3A_48 = arith.shrui %get3A_46, %shift_right_logical3A_47 : vector<16xi32>
      %and3A_49 = arith.constant 127 : i32
      %and3A_50 = vector.broadcast %and3A_49 : i32 to vector<16xi32>
      %and3A_51 = arith.andi %get3A_46, %and3A_50 : vector<16xi32>
      tpu.vector_store_idx %arg5[%and3A_16, %shift_right_logical3A_48, %and3A_51], %broadcast_in_dim3A_22 masked %lt3A_18 {add = true} : memref<8x80x128xf32, #tpu.memory_space<vmem>>[vector<16xi32>, vector<16xi32>, vector<16xi32>], vector<16xf32>, vector<16xi1>
      tpu.vector_store_idx %arg5[%and3A_16, %shift_right_logical3A_48, %and3A_51], %broadcast_in_dim3A_22 masked %ge3A_20 {add = true} : memref<8x80x128xf32, #tpu.memory_space<vmem>>[vector<16xi32>, vector<16xi32>, vector<16xi32>], vector<16xf32>, vector<16xi1>
    }
    %scan3A_27 = arith.constant 625 : i32
    %barrier3A = arith.constant 0 : index
    tpu.barrier barrier_id(%barrier3A)
    %scan3A_28 = arith.constant 0 : i32
    %scan3A_29 = arith.constant 8 : i32
    %scan3A_30 = arith.addi %scan3A_28, %scan3A_29 : i32
    %scan3A_31 = arith.constant 1 : i32
    scf.for %scan3A_39 = %scan3A_28 to %scan3A_30 step %scan3A_31  : i32 {
      %mul3A_40 = arith.constant 1 : i32
      %mul3A_41 = arith.muli %scan3A_39, %mul3A_40 : i32
      %add3A_42 = arith.constant 0 : i32
      %add3A_43 = arith.addi %add3A_42, %mul3A_41 : i32
      %run_scoped3A = arith.constant 0 : i32
      "tpu.region"() ({
        %run_scoped3A_44 = tpu.sem_alloc : memref<!tpu.dma_semaphore, #tpu.memory_space<semaphore_mem>>
        %dma_start3A = arith.constant 0 : i32
        %dma_start3A_45 = arith.constant 0 : i32
        %dma_start3A_46 = tpu.memref_slice %arg5[%add3A_43, %dma_start3A, %dma_start3A_45] : memref<8x80x128xf32, #tpu.memory_space<vmem>> -> memref<1x80x128xf32, #tpu.memory_space<vmem>>
        %dma_start3A_47 = tpu.memref_squeeze %dma_start3A_46 : memref<1x80x128xf32, #tpu.memory_space<vmem>> -> memref<80x128xf32, #tpu.memory_space<vmem>>
        %dma_start3A_48 = arith.constant 0 : i32
        %dma_start3A_49 = tpu.memref_slice %arg6[%run_scoped3A, %dma_start3A_48] : memref<1x80xi32, #tpu.memory_space<vmem>> -> memref<1x80xi32, #tpu.memory_space<vmem>>
        %dma_start3A_50 = tpu.memref_squeeze %dma_start3A_49 : memref<1x80xi32, #tpu.memory_space<vmem>> -> memref<80xi32, #tpu.memory_space<vmem>>
        %dma_start3A_51 = arith.constant 0 : i32
        %dma_start3A_52 = arith.constant 0 : i32
        %dma_start3A_53 = tpu.memref_slice %arg7[%dma_start3A_51, %dma_start3A_52] : memref<80x128xf32, #tpu.memory_space<vmem_shared>> -> memref<80x128xf32, #tpu.memory_space<vmem_shared>>
        tpu.enqueue_indirect_dma source(%dma_start3A_47 : memref<80x128xf32, #tpu.memory_space<vmem>>) target(%dma_start3A_53 : memref<80x128xf32, #tpu.memory_space<vmem_shared>>) offsets(%dma_start3A_50 : memref<80xi32, #tpu.memory_space<vmem>>) semaphore(%run_scoped3A_44 : memref<!tpu.dma_semaphore, #tpu.memory_space<semaphore_mem>>) {add = true}
        %dma_wait3A = arith.constant 0 : i32
        %dma_wait3A_54 = arith.constant 0 : i32
        %dma_wait3A_55 = tpu.memref_slice %arg5[%add3A_43, %dma_wait3A, %dma_wait3A_54] : memref<8x80x128xf32, #tpu.memory_space<vmem>> -> memref<1x80x128xf32, #tpu.memory_space<vmem>>
        %dma_wait3A_56 = tpu.memref_squeeze %dma_wait3A_55 : memref<1x80x128xf32, #tpu.memory_space<vmem>> -> memref<80x128xf32, #tpu.memory_space<vmem>>
        %dma_wait3A_57 = arith.constant 0 : i32
        %dma_wait3A_58 = tpu.memref_slice %arg6[%run_scoped3A, %dma_wait3A_57] : memref<1x80xi32, #tpu.memory_space<vmem>> -> memref<1x80xi32, #tpu.memory_space<vmem>>
        %dma_wait3A_59 = tpu.memref_squeeze %dma_wait3A_58 : memref<1x80xi32, #tpu.memory_space<vmem>> -> memref<80xi32, #tpu.memory_space<vmem>>
        %dma_wait3A_60 = arith.constant 0 : i32
        %dma_wait3A_61 = arith.constant 0 : i32
        %dma_wait3A_62 = tpu.memref_slice %arg7[%dma_wait3A_60, %dma_wait3A_61] : memref<80x128xf32, #tpu.memory_space<vmem_shared>> -> memref<80x128xf32, #tpu.memory_space<vmem_shared>>
        tpu.wait_indirect_dma semaphore(%run_scoped3A_44 : memref<!tpu.dma_semaphore, #tpu.memory_space<semaphore_mem>>) src(%dma_wait3A_56 : memref<80x128xf32, #tpu.memory_space<vmem>>) dst(%dma_wait3A_62 : memref<80x128xf32, #tpu.memory_space<vmem_shared>>)
        tpu.yield
      }) : () -> ()
    }
    %scan3A_32 = arith.constant 8 : i32
    %barrier3A_33 = arith.constant 0 : index
    tpu.barrier barrier_id(%barrier3A_33)
    %lt3A_34 = arith.constant 10 : i32
    %lt3A_35 = arith.cmpi slt, %arg1, %lt3A_34 : i32
    %convert_element_type3A_36 = arith.extui %lt3A_35 : i1 to i32
    %cond3A_37 = arith.constant 0 : i32
    %cond3A_38 = arith.cmpi ne, %convert_element_type3A_36, %cond3A_37 : i32
    scf.if %cond3A_38 {
      %mul3A_39 = arith.constant 8 : i32
      %mul3A_40 = arith.muli %arg1, %mul3A_39 : i32
      %mul3A_41 = arith.constant 8 : i32
      %mul3A_42 = arith.muli %arg1, %mul3A_41 : i32
      "tpu.region"() ({
        %run_scoped3A = tpu.sem_alloc : memref<!tpu.dma_semaphore, #tpu.memory_space<semaphore_mem>>
        %dma_start3A = arith.constant 0 : i32
        %dma_start3A_43 = tpu.memref_slice %arg3[%arg0, %mul3A_42, %dma_start3A] : memref<2x80x128xf32, #tpu.memory_space<hbm>> -> memref<1x8x128xf32, #tpu.memory_space<hbm>>
        %dma_start3A_44 = tpu.memref_squeeze %dma_start3A_43 : memref<1x8x128xf32, #tpu.memory_space<hbm>> -> memref<8x128xf32, #tpu.memory_space<hbm>>
        %dma_start3A_45 = arith.constant 0 : i32
        %dma_start3A_46 = tpu.memref_slice %arg7[%mul3A_40, %dma_start3A_45] : memref<80x128xf32, #tpu.memory_space<vmem_shared>> -> memref<8x128xf32, #tpu.memory_space<vmem_shared>>
        tpu.enqueue_dma source(%dma_start3A_46 : memref<8x128xf32, #tpu.memory_space<vmem_shared>>) target(%dma_start3A_44 : memref<8x128xf32, #tpu.memory_space<hbm>>) target_semaphore(%run_scoped3A : memref<!tpu.dma_semaphore, #tpu.memory_space<semaphore_mem>>)
        %dma_wait3A = arith.constant 0 : i32
        %dma_wait3A_47 = tpu.memref_slice %arg3[%arg0, %mul3A_42, %dma_wait3A] : memref<2x80x128xf32, #tpu.memory_space<hbm>> -> memref<1x8x128xf32, #tpu.memory_space<hbm>>
        %dma_wait3A_48 = tpu.memref_squeeze %dma_wait3A_47 : memref<1x8x128xf32, #tpu.memory_space<hbm>> -> memref<8x128xf32, #tpu.memory_space<hbm>>
        %dma_wait3A_49 = arith.constant 0 : i32
        %dma_wait3A_50 = tpu.memref_slice %arg7[%mul3A_40, %dma_wait3A_49] : memref<80x128xf32, #tpu.memory_space<vmem_shared>> -> memref<8x128xf32, #tpu.memory_space<vmem_shared>>
        tpu.wait_dma2 semaphore(%run_scoped3A : memref<!tpu.dma_semaphore, #tpu.memory_space<semaphore_mem>>) src(%dma_wait3A_50 : memref<8x128xf32, #tpu.memory_space<vmem_shared>>) dst(%dma_wait3A_48 : memref<8x128xf32, #tpu.memory_space<hbm>>)
        tpu.yield
      }) : () -> ()
    } else {
    }
    return
  }
}

#map = affine_map<(d0, d1) -> (0, 0)>
#map1 = affine_map<(d0, d1) -> (0, 0, 0)>
module attributes {stable_mosaic.version = 14 : i64} {
  func.func @k(%arg0: i32, %arg1: i32, %arg2: memref<10000x128xf32, #tpu.memory_space<hbm>>, %arg3: memref<2560x125xi32, #tpu.memory_space<hbm>>, %arg4: memref<2560x125xi32, #tpu.memory_space<hbm>>, %arg5: memref<2x10000x128xf32, #tpu.memory_space<hbm>>, %arg6: memref<16x125xi32, #tpu.memory_space<vmem>>, %arg7: memref<16x125xi32, #tpu.memory_space<vmem>>, %arg8: memref<2x125x128xf32, #tpu.memory_space<vmem>>, %arg9: memref<10000x128xf32, #tpu.memory_space<vmem_shared>>, %arg10: memref<2x!tpu.dma_semaphore, #tpu.memory_space<semaphore_mem>>, %arg11: memref<2x!tpu.dma_semaphore, #tpu.memory_space<semaphore_mem>>) attributes {dimension_semantics = [#tpu.dimension_semantics<core_parallel>, #tpu.dimension_semantics<subcore_parallel>], iteration_bounds = array<i64: 2, 16>, scalar_prefetch = 0 : i64, scratch_operands = 6 : i64, tpu.core_type = #tpu.core_type<sc_vector_subcore>, window_params = [{transform_indices = #map}, {transform_indices = #map}, {transform_indices = #map}, {transform_indices = #map1}]} {
    %mul3A = arith.constant 2 : i32
    %mul3A_0 = arith.muli %arg1, %mul3A : i32
    %add3A = arith.addi %mul3A_0, %arg0 : i32
    %mul3A_1 = arith.constant 80 : i32
    %mul3A_2 = arith.muli %add3A, %mul3A_1 : i32
    "tpu.region"() ({
      %run_scoped3A = tpu.sem_alloc : memref<!tpu.dma_semaphore, #tpu.memory_space<semaphore_mem>>
      %dma_start3A_49 = arith.constant 0 : i32
      %dma_start3A_50 = tpu.memref_slice %arg3[%mul3A_2, %dma_start3A_49] : memref<2560x125xi32, #tpu.memory_space<hbm>> -> memref<16x125xi32, #tpu.memory_space<hbm>>
      %dma_start3A_51 = arith.constant 0 : i32
      %dma_start3A_52 = tpu.memref_slice %arg3[%mul3A_2, %dma_start3A_51] : memref<2560x125xi32, #tpu.memory_space<hbm>> -> memref<16x125xi32, #tpu.memory_space<hbm>>
      tpu.enqueue_dma source(%dma_start3A_52 : memref<16x125xi32, #tpu.memory_space<hbm>>) target(%arg6 : memref<16x125xi32, #tpu.memory_space<vmem>>) target_semaphore(%run_scoped3A : memref<!tpu.dma_semaphore, #tpu.memory_space<semaphore_mem>>)
      %dma_wait3A_53 = arith.constant 0 : i32
      %dma_wait3A_54 = tpu.memref_slice %arg3[%mul3A_2, %dma_wait3A_53] : memref<2560x125xi32, #tpu.memory_space<hbm>> -> memref<16x125xi32, #tpu.memory_space<hbm>>
      %dma_wait3A_55 = arith.constant 0 : i32
      %dma_wait3A_56 = tpu.memref_slice %arg3[%mul3A_2, %dma_wait3A_55] : memref<2560x125xi32, #tpu.memory_space<hbm>> -> memref<16x125xi32, #tpu.memory_space<hbm>>
      tpu.wait_dma2 semaphore(%run_scoped3A : memref<!tpu.dma_semaphore, #tpu.memory_space<semaphore_mem>>) src(%dma_wait3A_56 : memref<16x125xi32, #tpu.memory_space<hbm>>) dst(%arg6 : memref<16x125xi32, #tpu.memory_space<vmem>>)
      tpu.yield
    }) : () -> ()
    %mul3A_3 = arith.constant 80 : i32
    %mul3A_4 = arith.muli %add3A, %mul3A_3 : i32
    "tpu.region"() ({
      %run_scoped3A = tpu.sem_alloc : memref<!tpu.dma_semaphore, #tpu.memory_space<semaphore_mem>>
      %dma_start3A_49 = arith.constant 0 : i32
      %dma_start3A_50 = tpu.memref_slice %arg4[%mul3A_4, %dma_start3A_49] : memref<2560x125xi32, #tpu.memory_space<hbm>> -> memref<16x125xi32, #tpu.memory_space<hbm>>
      %dma_start3A_51 = arith.constant 0 : i32
      %dma_start3A_52 = tpu.memref_slice %arg4[%mul3A_4, %dma_start3A_51] : memref<2560x125xi32, #tpu.memory_space<hbm>> -> memref<16x125xi32, #tpu.memory_space<hbm>>
      tpu.enqueue_dma source(%dma_start3A_52 : memref<16x125xi32, #tpu.memory_space<hbm>>) target(%arg7 : memref<16x125xi32, #tpu.memory_space<vmem>>) target_semaphore(%run_scoped3A : memref<!tpu.dma_semaphore, #tpu.memory_space<semaphore_mem>>)
      %dma_wait3A_53 = arith.constant 0 : i32
      %dma_wait3A_54 = tpu.memref_slice %arg4[%mul3A_4, %dma_wait3A_53] : memref<2560x125xi32, #tpu.memory_space<hbm>> -> memref<16x125xi32, #tpu.memory_space<hbm>>
      %dma_wait3A_55 = arith.constant 0 : i32
      %dma_wait3A_56 = tpu.memref_slice %arg4[%mul3A_4, %dma_wait3A_55] : memref<2560x125xi32, #tpu.memory_space<hbm>> -> memref<16x125xi32, #tpu.memory_space<hbm>>
      tpu.wait_dma2 semaphore(%run_scoped3A : memref<!tpu.dma_semaphore, #tpu.memory_space<semaphore_mem>>) src(%dma_wait3A_56 : memref<16x125xi32, #tpu.memory_space<hbm>>) dst(%arg7 : memref<16x125xi32, #tpu.memory_space<vmem>>)
      tpu.yield
    }) : () -> ()
    %mul3A_5 = arith.constant 624 : i32
    %mul3A_6 = arith.muli %arg1, %mul3A_5 : i32
    "tpu.region"() ({
      %run_scoped3A = tpu.sem_alloc : memref<!tpu.dma_semaphore, #tpu.memory_space<semaphore_mem>>
      %dma_start3A_49 = arith.constant 0 : i32
      %dma_start3A_50 = tpu.memref_slice %arg9[%mul3A_6, %dma_start3A_49] : memref<10000x128xf32, #tpu.memory_space<vmem_shared>> -> memref<624x128xf32, #tpu.memory_space<vmem_shared>>
      %dma_start3A_51 = arith.constant 0 : i32
      %dma_start3A_52 = tpu.memref_slice %arg2[%mul3A_6, %dma_start3A_51] : memref<10000x128xf32, #tpu.memory_space<hbm>> -> memref<624x128xf32, #tpu.memory_space<hbm>>
      tpu.enqueue_dma source(%dma_start3A_52 : memref<624x128xf32, #tpu.memory_space<hbm>>) target(%dma_start3A_50 : memref<624x128xf32, #tpu.memory_space<vmem_shared>>) target_semaphore(%run_scoped3A : memref<!tpu.dma_semaphore, #tpu.memory_space<semaphore_mem>>)
      %dma_wait3A_53 = arith.constant 0 : i32
      %dma_wait3A_54 = tpu.memref_slice %arg9[%mul3A_6, %dma_wait3A_53] : memref<10000x128xf32, #tpu.memory_space<vmem_shared>> -> memref<624x128xf32, #tpu.memory_space<vmem_shared>>
      %dma_wait3A_55 = arith.constant 0 : i32
      %dma_wait3A_56 = tpu.memref_slice %arg2[%mul3A_6, %dma_wait3A_55] : memref<10000x128xf32, #tpu.memory_space<hbm>> -> memref<624x128xf32, #tpu.memory_space<hbm>>
      tpu.wait_dma2 semaphore(%run_scoped3A : memref<!tpu.dma_semaphore, #tpu.memory_space<semaphore_mem>>) src(%dma_wait3A_56 : memref<624x128xf32, #tpu.memory_space<hbm>>) dst(%dma_wait3A_54 : memref<624x128xf32, #tpu.memory_space<vmem_shared>>)
      tpu.yield
    }) : () -> ()
    %lt3A = arith.constant 2 : i32
    %lt3A_7 = arith.cmpi slt, %arg1, %lt3A : i32
    %convert_element_type3A = arith.extui %lt3A_7 : i1 to i32
    %cond3A = arith.constant 0 : i32
    %cond3A_8 = arith.cmpi ne, %convert_element_type3A, %cond3A : i32
    scf.if %cond3A_8 {
      %mul3A_49 = arith.constant 8 : i32
      %mul3A_50 = arith.muli %arg1, %mul3A_49 : i32
      %add3A_51 = arith.constant 9984 : i32
      %add3A_52 = arith.addi %add3A_51, %mul3A_50 : i32
      "tpu.region"() ({
        %run_scoped3A = tpu.sem_alloc : memref<!tpu.dma_semaphore, #tpu.memory_space<semaphore_mem>>
        %dma_start3A_53 = arith.constant 0 : i32
        %dma_start3A_54 = tpu.memref_slice %arg9[%add3A_52, %dma_start3A_53] : memref<10000x128xf32, #tpu.memory_space<vmem_shared>> -> memref<8x128xf32, #tpu.memory_space<vmem_shared>>
        %dma_start3A_55 = arith.constant 0 : i32
        %dma_start3A_56 = tpu.memref_slice %arg2[%add3A_52, %dma_start3A_55] : memref<10000x128xf32, #tpu.memory_space<hbm>> -> memref<8x128xf32, #tpu.memory_space<hbm>>
        tpu.enqueue_dma source(%dma_start3A_56 : memref<8x128xf32, #tpu.memory_space<hbm>>) target(%dma_start3A_54 : memref<8x128xf32, #tpu.memory_space<vmem_shared>>) target_semaphore(%run_scoped3A : memref<!tpu.dma_semaphore, #tpu.memory_space<semaphore_mem>>)
        %dma_wait3A_57 = arith.constant 0 : i32
        %dma_wait3A_58 = tpu.memref_slice %arg9[%add3A_52, %dma_wait3A_57] : memref<10000x128xf32, #tpu.memory_space<vmem_shared>> -> memref<8x128xf32, #tpu.memory_space<vmem_shared>>
        %dma_wait3A_59 = arith.constant 0 : i32
        %dma_wait3A_60 = tpu.memref_slice %arg2[%add3A_52, %dma_wait3A_59] : memref<10000x128xf32, #tpu.memory_space<hbm>> -> memref<8x128xf32, #tpu.memory_space<hbm>>
        tpu.wait_dma2 semaphore(%run_scoped3A : memref<!tpu.dma_semaphore, #tpu.memory_space<semaphore_mem>>) src(%dma_wait3A_60 : memref<8x128xf32, #tpu.memory_space<hbm>>) dst(%dma_wait3A_58 : memref<8x128xf32, #tpu.memory_space<vmem_shared>>)
        tpu.yield
      }) : () -> ()
    } else {
    }
    %barrier3A = arith.constant 0 : index
    tpu.barrier barrier_id(%barrier3A)
    %dma_start3A = arith.constant 0 : i32
    %dma_start3A_9 = arith.constant 0 : i32
    %dma_start3A_10 = arith.constant 0 : i32
    %dma_start3A_11 = arith.constant 0 : i32
    %dma_start3A_12 = arith.constant 0 : i32
    %dma_start3A_13 = tpu.memref_slice %arg8[%dma_start3A_9, %dma_start3A_11, %dma_start3A_12] : memref<2x125x128xf32, #tpu.memory_space<vmem>> -> memref<1x125x128xf32, #tpu.memory_space<vmem>>
    %dma_start3A_14 = tpu.memref_squeeze %dma_start3A_13 : memref<1x125x128xf32, #tpu.memory_space<vmem>> -> memref<125x128xf32, #tpu.memory_space<vmem>>
    %dma_start3A_15 = arith.constant 0 : i32
    %dma_start3A_16 = tpu.memref_slice %arg6[%dma_start3A, %dma_start3A_15] : memref<16x125xi32, #tpu.memory_space<vmem>> -> memref<1x125xi32, #tpu.memory_space<vmem>>
    %dma_start3A_17 = tpu.memref_squeeze %dma_start3A_16 : memref<1x125xi32, #tpu.memory_space<vmem>> -> memref<125xi32, #tpu.memory_space<vmem>>
    %dma_start3A_18 = arith.constant 0 : i32
    %dma_start3A_19 = arith.constant 0 : i32
    %dma_start3A_20 = tpu.memref_slice %arg2[%dma_start3A_18, %dma_start3A_19] : memref<10000x128xf32, #tpu.memory_space<hbm>> -> memref<10000x128xf32, #tpu.memory_space<hbm>>
    %dma_start3A_21 = tpu.memref_slice %arg10[%dma_start3A_10] : memref<2x!tpu.dma_semaphore, #tpu.memory_space<semaphore_mem>> -> memref<1x!tpu.dma_semaphore, #tpu.memory_space<semaphore_mem>>
    %dma_start3A_22 = tpu.memref_squeeze %dma_start3A_21 : memref<1x!tpu.dma_semaphore, #tpu.memory_space<semaphore_mem>> -> memref<!tpu.dma_semaphore, #tpu.memory_space<semaphore_mem>>
    tpu.enqueue_indirect_dma source(%dma_start3A_20 : memref<10000x128xf32, #tpu.memory_space<hbm>>) target(%dma_start3A_14 : memref<125x128xf32, #tpu.memory_space<vmem>>) offsets(%dma_start3A_17 : memref<125xi32, #tpu.memory_space<vmem>>) semaphore(%dma_start3A_22 : memref<!tpu.dma_semaphore, #tpu.memory_space<semaphore_mem>>)
    %scan3A = arith.constant 0 : i32
    %scan3A_23 = arith.constant 80 : i32
    %scan3A_24 = arith.addi %scan3A, %scan3A_23 : i32
    %scan3A_25 = arith.constant 1 : i32
    scf.for %scan3A_49 = %scan3A to %scan3A_24 step %scan3A_25  : i32 {
      %mul3A_50 = arith.constant 1 : i32
      %mul3A_51 = arith.muli %scan3A_49, %mul3A_50 : i32
      %add3A_52 = arith.constant 0 : i32
      %add3A_53 = arith.addi %add3A_52, %mul3A_51 : i32
      %jit3A = arith.constant 16 : i32
      %eq3A = arith.constant 0 : i32
      %eq3A_54 = arith.cmpi eq, %jit3A, %eq3A : i32
      %jit3A_55 = arith.constant 1 : i32
      %select_n3A = arith.select %eq3A_54, %jit3A_55, %jit3A : i32
      %rem3A = arith.remsi %add3A_53, %select_n3A : i32
      %ne3A = arith.constant 0 : i32
      %ne3A_56 = arith.cmpi ne, %rem3A, %ne3A : i32
      %lt3A_57 = arith.constant 0 : i32
      %lt3A_58 = arith.cmpi slt, %rem3A, %lt3A_57 : i32
      %lt3A_59 = arith.constant 0 : i32
      %lt3A_60 = arith.cmpi slt, %select_n3A, %lt3A_59 : i32
      %ne3A_61 = arith.xori %lt3A_58, %lt3A_60 : i1
      %and3A = arith.andi %ne3A_61, %ne3A_56 : i1
      %add3A_62 = arith.addi %rem3A, %select_n3A : i32
      %select_n3A_63 = arith.select %and3A, %add3A_62, %rem3A : i32
      %jit3A_64 = arith.constant 2 : i32
      %eq3A_65 = arith.constant 0 : i32
      %eq3A_66 = arith.cmpi eq, %jit3A_64, %eq3A_65 : i32
      %jit3A_67 = arith.constant 1 : i32
      %select_n3A_68 = arith.select %eq3A_66, %jit3A_67, %jit3A_64 : i32
      %rem3A_69 = arith.remsi %add3A_53, %select_n3A_68 : i32
      %ne3A_70 = arith.constant 0 : i32
      %ne3A_71 = arith.cmpi ne, %rem3A_69, %ne3A_70 : i32
      %lt3A_72 = arith.constant 0 : i32
      %lt3A_73 = arith.cmpi slt, %rem3A_69, %lt3A_72 : i32
      %lt3A_74 = arith.constant 0 : i32
      %lt3A_75 = arith.cmpi slt, %select_n3A_68, %lt3A_74 : i32
      %ne3A_76 = arith.xori %lt3A_73, %lt3A_75 : i1
      %and3A_77 = arith.andi %ne3A_76, %ne3A_71 : i1
      %add3A_78 = arith.addi %rem3A_69, %select_n3A_68 : i32
      %select_n3A_79 = arith.select %and3A_77, %add3A_78, %rem3A_69 : i32
      %jit3A_80 = arith.constant 2 : i32
      %eq3A_81 = arith.constant 0 : i32
      %eq3A_82 = arith.cmpi eq, %jit3A_80, %eq3A_81 : i32
      %jit3A_83 = arith.constant 1 : i32
      %select_n3A_84 = arith.select %eq3A_82, %jit3A_83, %jit3A_80 : i32
      %rem3A_85 = arith.remsi %add3A_53, %select_n3A_84 : i32
      %ne3A_86 = arith.constant 0 : i32
      %ne3A_87 = arith.cmpi ne, %rem3A_85, %ne3A_86 : i32
      %lt3A_88 = arith.constant 0 : i32
      %lt3A_89 = arith.cmpi slt, %rem3A_85, %lt3A_88 : i32
      %lt3A_90 = arith.constant 0 : i32
      %lt3A_91 = arith.cmpi slt, %select_n3A_84, %lt3A_90 : i32
      %ne3A_92 = arith.xori %lt3A_89, %lt3A_91 : i1
      %and3A_93 = arith.andi %ne3A_92, %ne3A_87 : i1
      %add3A_94 = arith.addi %rem3A_85, %select_n3A_84 : i32
      %select_n3A_95 = arith.select %and3A_93, %add3A_94, %rem3A_85 : i32
      %dma_wait3A_96 = arith.constant 0 : i32
      %dma_wait3A_97 = arith.constant 0 : i32
      %dma_wait3A_98 = tpu.memref_slice %arg8[%select_n3A_79, %dma_wait3A_96, %dma_wait3A_97] : memref<2x125x128xf32, #tpu.memory_space<vmem>> -> memref<1x125x128xf32, #tpu.memory_space<vmem>>
      %dma_wait3A_99 = tpu.memref_squeeze %dma_wait3A_98 : memref<1x125x128xf32, #tpu.memory_space<vmem>> -> memref<125x128xf32, #tpu.memory_space<vmem>>
      %dma_wait3A_100 = arith.constant 0 : i32
      %dma_wait3A_101 = tpu.memref_slice %arg6[%select_n3A_63, %dma_wait3A_100] : memref<16x125xi32, #tpu.memory_space<vmem>> -> memref<1x125xi32, #tpu.memory_space<vmem>>
      %dma_wait3A_102 = tpu.memref_squeeze %dma_wait3A_101 : memref<1x125xi32, #tpu.memory_space<vmem>> -> memref<125xi32, #tpu.memory_space<vmem>>
      %dma_wait3A_103 = arith.constant 0 : i32
      %dma_wait3A_104 = arith.constant 0 : i32
      %dma_wait3A_105 = tpu.memref_slice %arg2[%dma_wait3A_103, %dma_wait3A_104] : memref<10000x128xf32, #tpu.memory_space<hbm>> -> memref<10000x128xf32, #tpu.memory_space<hbm>>
      %dma_wait3A_106 = tpu.memref_slice %arg10[%select_n3A_95] : memref<2x!tpu.dma_semaphore, #tpu.memory_space<semaphore_mem>> -> memref<1x!tpu.dma_semaphore, #tpu.memory_space<semaphore_mem>>
      %dma_wait3A_107 = tpu.memref_squeeze %dma_wait3A_106 : memref<1x!tpu.dma_semaphore, #tpu.memory_space<semaphore_mem>> -> memref<!tpu.dma_semaphore, #tpu.memory_space<semaphore_mem>>
      tpu.wait_indirect_dma semaphore(%dma_wait3A_107 : memref<!tpu.dma_semaphore, #tpu.memory_space<semaphore_mem>>) src(%dma_wait3A_105 : memref<10000x128xf32, #tpu.memory_space<hbm>>) dst(%dma_wait3A_99 : memref<125x128xf32, #tpu.memory_space<vmem>>)
      %ge3A = arith.constant 1 : i32
      %ge3A_108 = arith.cmpi sge, %add3A_53, %ge3A : i32
      %convert_element_type3A_109 = arith.extui %ge3A_108 : i1 to i32
      %cond3A_110 = arith.constant 0 : i32
      %cond3A_111 = arith.cmpi ne, %convert_element_type3A_109, %cond3A_110 : i32
      scf.if %cond3A_111 {
        %sub3A = arith.constant 1 : i32
        %sub3A_200 = arith.subi %add3A_53, %sub3A : i32
        %jit3A_201 = arith.constant 2 : i32
        %eq3A_202 = arith.constant 0 : i32
        %eq3A_203 = arith.cmpi eq, %jit3A_201, %eq3A_202 : i32
        %jit3A_204 = arith.constant 1 : i32
        %select_n3A_205 = arith.select %eq3A_203, %jit3A_204, %jit3A_201 : i32
        %rem3A_206 = arith.remsi %sub3A_200, %select_n3A_205 : i32
        %ne3A_207 = arith.constant 0 : i32
        %ne3A_208 = arith.cmpi ne, %rem3A_206, %ne3A_207 : i32
        %lt3A_209 = arith.constant 0 : i32
        %lt3A_210 = arith.cmpi slt, %rem3A_206, %lt3A_209 : i32
        %lt3A_211 = arith.constant 0 : i32
        %lt3A_212 = arith.cmpi slt, %select_n3A_205, %lt3A_211 : i32
        %ne3A_213 = arith.xori %lt3A_210, %lt3A_212 : i1
        %and3A_214 = arith.andi %ne3A_213, %ne3A_208 : i1
        %add3A_215 = arith.addi %rem3A_206, %select_n3A_205 : i32
        %select_n3A_216 = arith.select %and3A_214, %add3A_215, %rem3A_206 : i32
        %jit3A_217 = arith.constant 16 : i32
        %eq3A_218 = arith.constant 0 : i32
        %eq3A_219 = arith.cmpi eq, %jit3A_217, %eq3A_218 : i32
        %jit3A_220 = arith.constant 1 : i32
        %select_n3A_221 = arith.select %eq3A_219, %jit3A_220, %jit3A_217 : i32
        %rem3A_222 = arith.remsi %sub3A_200, %select_n3A_221 : i32
        %ne3A_223 = arith.constant 0 : i32
        %ne3A_224 = arith.cmpi ne, %rem3A_222, %ne3A_223 : i32
        %lt3A_225 = arith.constant 0 : i32
        %lt3A_226 = arith.cmpi slt, %rem3A_222, %lt3A_225 : i32
        %lt3A_227 = arith.constant 0 : i32
        %lt3A_228 = arith.cmpi slt, %select_n3A_221, %lt3A_227 : i32
        %ne3A_229 = arith.xori %lt3A_226, %lt3A_228 : i1
        %and3A_230 = arith.andi %ne3A_229, %ne3A_224 : i1
        %add3A_231 = arith.addi %rem3A_222, %select_n3A_221 : i32
        %select_n3A_232 = arith.select %and3A_230, %add3A_231, %rem3A_222 : i32
        %jit3A_233 = arith.constant 2 : i32
        %eq3A_234 = arith.constant 0 : i32
        %eq3A_235 = arith.cmpi eq, %jit3A_233, %eq3A_234 : i32
        %jit3A_236 = arith.constant 1 : i32
        %select_n3A_237 = arith.select %eq3A_235, %jit3A_236, %jit3A_233 : i32
        %rem3A_238 = arith.remsi %sub3A_200, %select_n3A_237 : i32
        %ne3A_239 = arith.constant 0 : i32
        %ne3A_240 = arith.cmpi ne, %rem3A_238, %ne3A_239 : i32
        %lt3A_241 = arith.constant 0 : i32
        %lt3A_242 = arith.cmpi slt, %rem3A_238, %lt3A_241 : i32
        %lt3A_243 = arith.constant 0 : i32
        %lt3A_244 = arith.cmpi slt, %select_n3A_237, %lt3A_243 : i32
        %ne3A_245 = arith.xori %lt3A_242, %lt3A_244 : i1
        %and3A_246 = arith.andi %ne3A_245, %ne3A_240 : i1
        %add3A_247 = arith.addi %rem3A_238, %select_n3A_237 : i32
        %select_n3A_248 = arith.select %and3A_246, %add3A_247, %rem3A_238 : i32
        %dma_wait3A_249 = arith.constant 0 : i32
        %dma_wait3A_250 = arith.constant 0 : i32
        %dma_wait3A_251 = tpu.memref_slice %arg8[%select_n3A_216, %dma_wait3A_249, %dma_wait3A_250] : memref<2x125x128xf32, #tpu.memory_space<vmem>> -> memref<1x125x128xf32, #tpu.memory_space<vmem>>
        %dma_wait3A_252 = tpu.memref_squeeze %dma_wait3A_251 : memref<1x125x128xf32, #tpu.memory_space<vmem>> -> memref<125x128xf32, #tpu.memory_space<vmem>>
        %dma_wait3A_253 = arith.constant 0 : i32
        %dma_wait3A_254 = tpu.memref_slice %arg7[%select_n3A_232, %dma_wait3A_253] : memref<16x125xi32, #tpu.memory_space<vmem>> -> memref<1x125xi32, #tpu.memory_space<vmem>>
        %dma_wait3A_255 = tpu.memref_squeeze %dma_wait3A_254 : memref<1x125xi32, #tpu.memory_space<vmem>> -> memref<125xi32, #tpu.memory_space<vmem>>
        %dma_wait3A_256 = arith.constant 0 : i32
        %dma_wait3A_257 = arith.constant 0 : i32
        %dma_wait3A_258 = tpu.memref_slice %arg9[%dma_wait3A_256, %dma_wait3A_257] : memref<10000x128xf32, #tpu.memory_space<vmem_shared>> -> memref<10000x128xf32, #tpu.memory_space<vmem_shared>>
        %dma_wait3A_259 = tpu.memref_slice %arg11[%select_n3A_248] : memref<2x!tpu.dma_semaphore, #tpu.memory_space<semaphore_mem>> -> memref<1x!tpu.dma_semaphore, #tpu.memory_space<semaphore_mem>>
        %dma_wait3A_260 = tpu.memref_squeeze %dma_wait3A_259 : memref<1x!tpu.dma_semaphore, #tpu.memory_space<semaphore_mem>> -> memref<!tpu.dma_semaphore, #tpu.memory_space<semaphore_mem>>
        tpu.wait_indirect_dma semaphore(%dma_wait3A_260 : memref<!tpu.dma_semaphore, #tpu.memory_space<semaphore_mem>>) src(%dma_wait3A_252 : memref<125x128xf32, #tpu.memory_space<vmem>>) dst(%dma_wait3A_258 : memref<10000x128xf32, #tpu.memory_space<vmem_shared>>)
      } else {
      }
      %lt3A_112 = arith.constant 79 : i32
      %lt3A_113 = arith.cmpi slt, %add3A_53, %lt3A_112 : i32
      %convert_element_type3A_114 = arith.extui %lt3A_113 : i1 to i32
      %cond3A_115 = arith.constant 0 : i32
      %cond3A_116 = arith.cmpi ne, %convert_element_type3A_114, %cond3A_115 : i32
      scf.if %cond3A_116 {
        %add3A_200 = arith.constant 1 : i32
        %add3A_201 = arith.addi %add3A_53, %add3A_200 : i32
        %jit3A_202 = arith.constant 16 : i32
        %eq3A_203 = arith.constant 0 : i32
        %eq3A_204 = arith.cmpi eq, %jit3A_202, %eq3A_203 : i32
        %jit3A_205 = arith.constant 1 : i32
        %select_n3A_206 = arith.select %eq3A_204, %jit3A_205, %jit3A_202 : i32
        %rem3A_207 = arith.remsi %add3A_201, %select_n3A_206 : i32
        %ne3A_208 = arith.constant 0 : i32
        %ne3A_209 = arith.cmpi ne, %rem3A_207, %ne3A_208 : i32
        %lt3A_210 = arith.constant 0 : i32
        %lt3A_211 = arith.cmpi slt, %rem3A_207, %lt3A_210 : i32
        %lt3A_212 = arith.constant 0 : i32
        %lt3A_213 = arith.cmpi slt, %select_n3A_206, %lt3A_212 : i32
        %ne3A_214 = arith.xori %lt3A_211, %lt3A_213 : i1
        %and3A_215 = arith.andi %ne3A_214, %ne3A_209 : i1
        %add3A_216 = arith.addi %rem3A_207, %select_n3A_206 : i32
        %select_n3A_217 = arith.select %and3A_215, %add3A_216, %rem3A_207 : i32
        %eq3A_218 = arith.constant 0 : i32
        %eq3A_219 = arith.cmpi eq, %select_n3A_217, %eq3A_218 : i32
        %convert_element_type3A_220 = arith.extui %eq3A_219 : i1 to i32
        %cond3A_221 = arith.constant 0 : i32
        %cond3A_222 = arith.cmpi ne, %convert_element_type3A_220, %cond3A_221 : i32
        scf.if %cond3A_222 {
          %mul3A_283 = arith.constant 80 : i32
          %mul3A_284 = arith.muli %add3A, %mul3A_283 : i32
          %add3A_285 = arith.addi %mul3A_284, %add3A_201 : i32
          %multiple_of3A = tpu.assume_multiple %add3A_285, 8 : i32
          "tpu.region"() ({
            %run_scoped3A = tpu.sem_alloc : memref<!tpu.dma_semaphore, #tpu.memory_space<semaphore_mem>>
            %dma_start3A_286 = arith.constant 0 : i32
            %dma_start3A_287 = tpu.memref_slice %arg3[%multiple_of3A, %dma_start3A_286] : memref<2560x125xi32, #tpu.memory_space<hbm>> -> memref<16x125xi32, #tpu.memory_space<hbm>>
            %dma_start3A_288 = arith.constant 0 : i32
            %dma_start3A_289 = tpu.memref_slice %arg3[%multiple_of3A, %dma_start3A_288] : memref<2560x125xi32, #tpu.memory_space<hbm>> -> memref<16x125xi32, #tpu.memory_space<hbm>>
            tpu.enqueue_dma source(%dma_start3A_289 : memref<16x125xi32, #tpu.memory_space<hbm>>) target(%arg6 : memref<16x125xi32, #tpu.memory_space<vmem>>) target_semaphore(%run_scoped3A : memref<!tpu.dma_semaphore, #tpu.memory_space<semaphore_mem>>)
            %dma_wait3A_290 = arith.constant 0 : i32
            %dma_wait3A_291 = tpu.memref_slice %arg3[%multiple_of3A, %dma_wait3A_290] : memref<2560x125xi32, #tpu.memory_space<hbm>> -> memref<16x125xi32, #tpu.memory_space<hbm>>
            %dma_wait3A_292 = arith.constant 0 : i32
            %dma_wait3A_293 = tpu.memref_slice %arg3[%multiple_of3A, %dma_wait3A_292] : memref<2560x125xi32, #tpu.memory_space<hbm>> -> memref<16x125xi32, #tpu.memory_space<hbm>>
            tpu.wait_dma2 semaphore(%run_scoped3A : memref<!tpu.dma_semaphore, #tpu.memory_space<semaphore_mem>>) src(%dma_wait3A_293 : memref<16x125xi32, #tpu.memory_space<hbm>>) dst(%arg6 : memref<16x125xi32, #tpu.memory_space<vmem>>)
            tpu.yield
          }) : () -> ()
        } else {
        }
        %jit3A_223 = arith.constant 16 : i32
        %eq3A_224 = arith.constant 0 : i32
        %eq3A_225 = arith.cmpi eq, %jit3A_223, %eq3A_224 : i32
        %jit3A_226 = arith.constant 1 : i32
        %select_n3A_227 = arith.select %eq3A_225, %jit3A_226, %jit3A_223 : i32
        %rem3A_228 = arith.remsi %add3A_201, %select_n3A_227 : i32
        %ne3A_229 = arith.constant 0 : i32
        %ne3A_230 = arith.cmpi ne, %rem3A_228, %ne3A_229 : i32
        %lt3A_231 = arith.constant 0 : i32
        %lt3A_232 = arith.cmpi slt, %rem3A_228, %lt3A_231 : i32
        %lt3A_233 = arith.constant 0 : i32
        %lt3A_234 = arith.cmpi slt, %select_n3A_227, %lt3A_233 : i32
        %ne3A_235 = arith.xori %lt3A_232, %lt3A_234 : i1
        %and3A_236 = arith.andi %ne3A_235, %ne3A_230 : i1
        %add3A_237 = arith.addi %rem3A_228, %select_n3A_227 : i32
        %select_n3A_238 = arith.select %and3A_236, %add3A_237, %rem3A_228 : i32
        %jit3A_239 = arith.constant 2 : i32
        %eq3A_240 = arith.constant 0 : i32
        %eq3A_241 = arith.cmpi eq, %jit3A_239, %eq3A_240 : i32
        %jit3A_242 = arith.constant 1 : i32
        %select_n3A_243 = arith.select %eq3A_241, %jit3A_242, %jit3A_239 : i32
        %rem3A_244 = arith.remsi %add3A_201, %select_n3A_243 : i32
        %ne3A_245 = arith.constant 0 : i32
        %ne3A_246 = arith.cmpi ne, %rem3A_244, %ne3A_245 : i32
        %lt3A_247 = arith.constant 0 : i32
        %lt3A_248 = arith.cmpi slt, %rem3A_244, %lt3A_247 : i32
        %lt3A_249 = arith.constant 0 : i32
        %lt3A_250 = arith.cmpi slt, %select_n3A_243, %lt3A_249 : i32
        %ne3A_251 = arith.xori %lt3A_248, %lt3A_250 : i1
        %and3A_252 = arith.andi %ne3A_251, %ne3A_246 : i1
        %add3A_253 = arith.addi %rem3A_244, %select_n3A_243 : i32
        %select_n3A_254 = arith.select %and3A_252, %add3A_253, %rem3A_244 : i32
        %jit3A_255 = arith.constant 2 : i32
        %eq3A_256 = arith.constant 0 : i32
        %eq3A_257 = arith.cmpi eq, %jit3A_255, %eq3A_256 : i32
        %jit3A_258 = arith.constant 1 : i32
        %select_n3A_259 = arith.select %eq3A_257, %jit3A_258, %jit3A_255 : i32
        %rem3A_260 = arith.remsi %add3A_201, %select_n3A_259 : i32
        %ne3A_261 = arith.constant 0 : i32
        %ne3A_262 = arith.cmpi ne, %rem3A_260, %ne3A_261 : i32
        %lt3A_263 = arith.constant 0 : i32
        %lt3A_264 = arith.cmpi slt, %rem3A_260, %lt3A_263 : i32
        %lt3A_265 = arith.constant 0 : i32
        %lt3A_266 = arith.cmpi slt, %select_n3A_259, %lt3A_265 : i32
        %ne3A_267 = arith.xori %lt3A_264, %lt3A_266 : i1
        %and3A_268 = arith.andi %ne3A_267, %ne3A_262 : i1
        %add3A_269 = arith.addi %rem3A_260, %select_n3A_259 : i32
        %select_n3A_270 = arith.select %and3A_268, %add3A_269, %rem3A_260 : i32
        %dma_start3A_271 = arith.constant 0 : i32
        %dma_start3A_272 = arith.constant 0 : i32
        %dma_start3A_273 = tpu.memref_slice %arg8[%select_n3A_254, %dma_start3A_271, %dma_start3A_272] : memref<2x125x128xf32, #tpu.memory_space<vmem>> -> memref<1x125x128xf32, #tpu.memory_space<vmem>>
        %dma_start3A_274 = tpu.memref_squeeze %dma_start3A_273 : memref<1x125x128xf32, #tpu.memory_space<vmem>> -> memref<125x128xf32, #tpu.memory_space<vmem>>
        %dma_start3A_275 = arith.constant 0 : i32
        %dma_start3A_276 = tpu.memref_slice %arg6[%select_n3A_238, %dma_start3A_275] : memref<16x125xi32, #tpu.memory_space<vmem>> -> memref<1x125xi32, #tpu.memory_space<vmem>>
        %dma_start3A_277 = tpu.memref_squeeze %dma_start3A_276 : memref<1x125xi32, #tpu.memory_space<vmem>> -> memref<125xi32, #tpu.memory_space<vmem>>
        %dma_start3A_278 = arith.constant 0 : i32
        %dma_start3A_279 = arith.constant 0 : i32
        %dma_start3A_280 = tpu.memref_slice %arg2[%dma_start3A_278, %dma_start3A_279] : memref<10000x128xf32, #tpu.memory_space<hbm>> -> memref<10000x128xf32, #tpu.memory_space<hbm>>
        %dma_start3A_281 = tpu.memref_slice %arg10[%select_n3A_270] : memref<2x!tpu.dma_semaphore, #tpu.memory_space<semaphore_mem>> -> memref<1x!tpu.dma_semaphore, #tpu.memory_space<semaphore_mem>>
        %dma_start3A_282 = tpu.memref_squeeze %dma_start3A_281 : memref<1x!tpu.dma_semaphore, #tpu.memory_space<semaphore_mem>> -> memref<!tpu.dma_semaphore, #tpu.memory_space<semaphore_mem>>
        tpu.enqueue_indirect_dma source(%dma_start3A_280 : memref<10000x128xf32, #tpu.memory_space<hbm>>) target(%dma_start3A_274 : memref<125x128xf32, #tpu.memory_space<vmem>>) offsets(%dma_start3A_277 : memref<125xi32, #tpu.memory_space<vmem>>) semaphore(%dma_start3A_282 : memref<!tpu.dma_semaphore, #tpu.memory_space<semaphore_mem>>)
      } else {
      }
      %jit3A_117 = arith.constant 16 : i32
      %eq3A_118 = arith.constant 0 : i32
      %eq3A_119 = arith.cmpi eq, %jit3A_117, %eq3A_118 : i32
      %jit3A_120 = arith.constant 1 : i32
      %select_n3A_121 = arith.select %eq3A_119, %jit3A_120, %jit3A_117 : i32
      %rem3A_122 = arith.remsi %add3A_53, %select_n3A_121 : i32
      %ne3A_123 = arith.constant 0 : i32
      %ne3A_124 = arith.cmpi ne, %rem3A_122, %ne3A_123 : i32
      %lt3A_125 = arith.constant 0 : i32
      %lt3A_126 = arith.cmpi slt, %rem3A_122, %lt3A_125 : i32
      %lt3A_127 = arith.constant 0 : i32
      %lt3A_128 = arith.cmpi slt, %select_n3A_121, %lt3A_127 : i32
      %ne3A_129 = arith.xori %lt3A_126, %lt3A_128 : i1
      %and3A_130 = arith.andi %ne3A_129, %ne3A_124 : i1
      %add3A_131 = arith.addi %rem3A_122, %select_n3A_121 : i32
      %select_n3A_132 = arith.select %and3A_130, %add3A_131, %rem3A_122 : i32
      %eq3A_133 = arith.constant 0 : i32
      %eq3A_134 = arith.cmpi eq, %select_n3A_132, %eq3A_133 : i32
      %gt3A = arith.constant 0 : i32
      %gt3A_135 = arith.cmpi sgt, %add3A_53, %gt3A : i32
      %and3A_136 = arith.andi %eq3A_134, %gt3A_135 : i1
      %convert_element_type3A_137 = arith.extui %and3A_136 : i1 to i32
      %cond3A_138 = arith.constant 0 : i32
      %cond3A_139 = arith.cmpi ne, %convert_element_type3A_137, %cond3A_138 : i32
      scf.if %cond3A_139 {
        %mul3A_200 = arith.constant 80 : i32
        %mul3A_201 = arith.muli %add3A, %mul3A_200 : i32
        %add3A_202 = arith.addi %mul3A_201, %add3A_53 : i32
        %multiple_of3A = tpu.assume_multiple %add3A_202, 8 : i32
        "tpu.region"() ({
          %run_scoped3A = tpu.sem_alloc : memref<!tpu.dma_semaphore, #tpu.memory_space<semaphore_mem>>
          %dma_start3A_203 = arith.constant 0 : i32
          %dma_start3A_204 = tpu.memref_slice %arg4[%multiple_of3A, %dma_start3A_203] : memref<2560x125xi32, #tpu.memory_space<hbm>> -> memref<16x125xi32, #tpu.memory_space<hbm>>
          %dma_start3A_205 = arith.constant 0 : i32
          %dma_start3A_206 = tpu.memref_slice %arg4[%multiple_of3A, %dma_start3A_205] : memref<2560x125xi32, #tpu.memory_space<hbm>> -> memref<16x125xi32, #tpu.memory_space<hbm>>
          tpu.enqueue_dma source(%dma_start3A_206 : memref<16x125xi32, #tpu.memory_space<hbm>>) target(%arg7 : memref<16x125xi32, #tpu.memory_space<vmem>>) target_semaphore(%run_scoped3A : memref<!tpu.dma_semaphore, #tpu.memory_space<semaphore_mem>>)
          %dma_wait3A_207 = arith.constant 0 : i32
          %dma_wait3A_208 = tpu.memref_slice %arg4[%multiple_of3A, %dma_wait3A_207] : memref<2560x125xi32, #tpu.memory_space<hbm>> -> memref<16x125xi32, #tpu.memory_space<hbm>>
          %dma_wait3A_209 = arith.constant 0 : i32
          %dma_wait3A_210 = tpu.memref_slice %arg4[%multiple_of3A, %dma_wait3A_209] : memref<2560x125xi32, #tpu.memory_space<hbm>> -> memref<16x125xi32, #tpu.memory_space<hbm>>
          tpu.wait_dma2 semaphore(%run_scoped3A : memref<!tpu.dma_semaphore, #tpu.memory_space<semaphore_mem>>) src(%dma_wait3A_210 : memref<16x125xi32, #tpu.memory_space<hbm>>) dst(%arg7 : memref<16x125xi32, #tpu.memory_space<vmem>>)
          tpu.yield
        }) : () -> ()
      } else {
      }
      %jit3A_140 = arith.constant 2 : i32
      %eq3A_141 = arith.constant 0 : i32
      %eq3A_142 = arith.cmpi eq, %jit3A_140, %eq3A_141 : i32
      %jit3A_143 = arith.constant 1 : i32
      %select_n3A_144 = arith.select %eq3A_142, %jit3A_143, %jit3A_140 : i32
      %rem3A_145 = arith.remsi %add3A_53, %select_n3A_144 : i32
      %ne3A_146 = arith.constant 0 : i32
      %ne3A_147 = arith.cmpi ne, %rem3A_145, %ne3A_146 : i32
      %lt3A_148 = arith.constant 0 : i32
      %lt3A_149 = arith.cmpi slt, %rem3A_145, %lt3A_148 : i32
      %lt3A_150 = arith.constant 0 : i32
      %lt3A_151 = arith.cmpi slt, %select_n3A_144, %lt3A_150 : i32
      %ne3A_152 = arith.xori %lt3A_149, %lt3A_151 : i1
      %and3A_153 = arith.andi %ne3A_152, %ne3A_147 : i1
      %add3A_154 = arith.addi %rem3A_145, %select_n3A_144 : i32
      %select_n3A_155 = arith.select %and3A_153, %add3A_154, %rem3A_145 : i32
      %jit3A_156 = arith.constant 16 : i32
      %eq3A_157 = arith.constant 0 : i32
      %eq3A_158 = arith.cmpi eq, %jit3A_156, %eq3A_157 : i32
      %jit3A_159 = arith.constant 1 : i32
      %select_n3A_160 = arith.select %eq3A_158, %jit3A_159, %jit3A_156 : i32
      %rem3A_161 = arith.remsi %add3A_53, %select_n3A_160 : i32
      %ne3A_162 = arith.constant 0 : i32
      %ne3A_163 = arith.cmpi ne, %rem3A_161, %ne3A_162 : i32
      %lt3A_164 = arith.constant 0 : i32
      %lt3A_165 = arith.cmpi slt, %rem3A_161, %lt3A_164 : i32
      %lt3A_166 = arith.constant 0 : i32
      %lt3A_167 = arith.cmpi slt, %select_n3A_160, %lt3A_166 : i32
      %ne3A_168 = arith.xori %lt3A_165, %lt3A_167 : i1
      %and3A_169 = arith.andi %ne3A_168, %ne3A_163 : i1
      %add3A_170 = arith.addi %rem3A_161, %select_n3A_160 : i32
      %select_n3A_171 = arith.select %and3A_169, %add3A_170, %rem3A_161 : i32
      %jit3A_172 = arith.constant 2 : i32
      %eq3A_173 = arith.constant 0 : i32
      %eq3A_174 = arith.cmpi eq, %jit3A_172, %eq3A_173 : i32
      %jit3A_175 = arith.constant 1 : i32
      %select_n3A_176 = arith.select %eq3A_174, %jit3A_175, %jit3A_172 : i32
      %rem3A_177 = arith.remsi %add3A_53, %select_n3A_176 : i32
      %ne3A_178 = arith.constant 0 : i32
      %ne3A_179 = arith.cmpi ne, %rem3A_177, %ne3A_178 : i32
      %lt3A_180 = arith.constant 0 : i32
      %lt3A_181 = arith.cmpi slt, %rem3A_177, %lt3A_180 : i32
      %lt3A_182 = arith.constant 0 : i32
      %lt3A_183 = arith.cmpi slt, %select_n3A_176, %lt3A_182 : i32
      %ne3A_184 = arith.xori %lt3A_181, %lt3A_183 : i1
      %and3A_185 = arith.andi %ne3A_184, %ne3A_179 : i1
      %add3A_186 = arith.addi %rem3A_177, %select_n3A_176 : i32
      %select_n3A_187 = arith.select %and3A_185, %add3A_186, %rem3A_177 : i32
      %dma_start3A_188 = arith.constant 0 : i32
      %dma_start3A_189 = arith.constant 0 : i32
      %dma_start3A_190 = tpu.memref_slice %arg8[%select_n3A_155, %dma_start3A_188, %dma_start3A_189] : memref<2x125x128xf32, #tpu.memory_space<vmem>> -> memref<1x125x128xf32, #tpu.memory_space<vmem>>
      %dma_start3A_191 = tpu.memref_squeeze %dma_start3A_190 : memref<1x125x128xf32, #tpu.memory_space<vmem>> -> memref<125x128xf32, #tpu.memory_space<vmem>>
      %dma_start3A_192 = arith.constant 0 : i32
      %dma_start3A_193 = tpu.memref_slice %arg7[%select_n3A_171, %dma_start3A_192] : memref<16x125xi32, #tpu.memory_space<vmem>> -> memref<1x125xi32, #tpu.memory_space<vmem>>
      %dma_start3A_194 = tpu.memref_squeeze %dma_start3A_193 : memref<1x125xi32, #tpu.memory_space<vmem>> -> memref<125xi32, #tpu.memory_space<vmem>>
      %dma_start3A_195 = arith.constant 0 : i32
      %dma_start3A_196 = arith.constant 0 : i32
      %dma_start3A_197 = tpu.memref_slice %arg9[%dma_start3A_195, %dma_start3A_196] : memref<10000x128xf32, #tpu.memory_space<vmem_shared>> -> memref<10000x128xf32, #tpu.memory_space<vmem_shared>>
      %dma_start3A_198 = tpu.memref_slice %arg11[%select_n3A_187] : memref<2x!tpu.dma_semaphore, #tpu.memory_space<semaphore_mem>> -> memref<1x!tpu.dma_semaphore, #tpu.memory_space<semaphore_mem>>
      %dma_start3A_199 = tpu.memref_squeeze %dma_start3A_198 : memref<1x!tpu.dma_semaphore, #tpu.memory_space<semaphore_mem>> -> memref<!tpu.dma_semaphore, #tpu.memory_space<semaphore_mem>>
      tpu.enqueue_indirect_dma source(%dma_start3A_191 : memref<125x128xf32, #tpu.memory_space<vmem>>) target(%dma_start3A_197 : memref<10000x128xf32, #tpu.memory_space<vmem_shared>>) offsets(%dma_start3A_194 : memref<125xi32, #tpu.memory_space<vmem>>) semaphore(%dma_start3A_199 : memref<!tpu.dma_semaphore, #tpu.memory_space<semaphore_mem>>) {add = true}
    }
    %scan3A_26 = arith.constant 80 : i32
    %dma_wait3A = arith.constant 1 : i32
    %dma_wait3A_27 = arith.constant 15 : i32
    %dma_wait3A_28 = arith.constant 1 : i32
    %dma_wait3A_29 = arith.constant 0 : i32
    %dma_wait3A_30 = arith.constant 0 : i32
    %dma_wait3A_31 = tpu.memref_slice %arg8[%dma_wait3A, %dma_wait3A_29, %dma_wait3A_30] : memref<2x125x128xf32, #tpu.memory_space<vmem>> -> memref<1x125x128xf32, #tpu.memory_space<vmem>>
    %dma_wait3A_32 = tpu.memref_squeeze %dma_wait3A_31 : memref<1x125x128xf32, #tpu.memory_space<vmem>> -> memref<125x128xf32, #tpu.memory_space<vmem>>
    %dma_wait3A_33 = arith.constant 0 : i32
    %dma_wait3A_34 = tpu.memref_slice %arg7[%dma_wait3A_27, %dma_wait3A_33] : memref<16x125xi32, #tpu.memory_space<vmem>> -> memref<1x125xi32, #tpu.memory_space<vmem>>
    %dma_wait3A_35 = tpu.memref_squeeze %dma_wait3A_34 : memref<1x125xi32, #tpu.memory_space<vmem>> -> memref<125xi32, #tpu.memory_space<vmem>>
    %dma_wait3A_36 = arith.constant 0 : i32
    %dma_wait3A_37 = arith.constant 0 : i32
    %dma_wait3A_38 = tpu.memref_slice %arg9[%dma_wait3A_36, %dma_wait3A_37] : memref<10000x128xf32, #tpu.memory_space<vmem_shared>> -> memref<10000x128xf32, #tpu.memory_space<vmem_shared>>
    %dma_wait3A_39 = tpu.memref_slice %arg11[%dma_wait3A_28] : memref<2x!tpu.dma_semaphore, #tpu.memory_space<semaphore_mem>> -> memref<1x!tpu.dma_semaphore, #tpu.memory_space<semaphore_mem>>
    %dma_wait3A_40 = tpu.memref_squeeze %dma_wait3A_39 : memref<1x!tpu.dma_semaphore, #tpu.memory_space<semaphore_mem>> -> memref<!tpu.dma_semaphore, #tpu.memory_space<semaphore_mem>>
    tpu.wait_indirect_dma semaphore(%dma_wait3A_40 : memref<!tpu.dma_semaphore, #tpu.memory_space<semaphore_mem>>) src(%dma_wait3A_32 : memref<125x128xf32, #tpu.memory_space<vmem>>) dst(%dma_wait3A_38 : memref<10000x128xf32, #tpu.memory_space<vmem_shared>>)
    %barrier3A_41 = arith.constant 0 : index
    tpu.barrier barrier_id(%barrier3A_41)
    %mul3A_42 = arith.constant 624 : i32
    %mul3A_43 = arith.muli %arg1, %mul3A_42 : i32
    "tpu.region"() ({
      %run_scoped3A = tpu.sem_alloc : memref<!tpu.dma_semaphore, #tpu.memory_space<semaphore_mem>>
      %dma_start3A_49 = arith.constant 0 : i32
      %dma_start3A_50 = tpu.memref_slice %arg5[%arg0, %mul3A_43, %dma_start3A_49] : memref<2x10000x128xf32, #tpu.memory_space<hbm>> -> memref<1x624x128xf32, #tpu.memory_space<hbm>>
      %dma_start3A_51 = tpu.memref_squeeze %dma_start3A_50 : memref<1x624x128xf32, #tpu.memory_space<hbm>> -> memref<624x128xf32, #tpu.memory_space<hbm>>
      %dma_start3A_52 = arith.constant 0 : i32
      %dma_start3A_53 = tpu.memref_slice %arg9[%mul3A_43, %dma_start3A_52] : memref<10000x128xf32, #tpu.memory_space<vmem_shared>> -> memref<624x128xf32, #tpu.memory_space<vmem_shared>>
      tpu.enqueue_dma source(%dma_start3A_53 : memref<624x128xf32, #tpu.memory_space<vmem_shared>>) target(%dma_start3A_51 : memref<624x128xf32, #tpu.memory_space<hbm>>) target_semaphore(%run_scoped3A : memref<!tpu.dma_semaphore, #tpu.memory_space<semaphore_mem>>)
      %dma_wait3A_54 = arith.constant 0 : i32
      %dma_wait3A_55 = tpu.memref_slice %arg5[%arg0, %mul3A_43, %dma_wait3A_54] : memref<2x10000x128xf32, #tpu.memory_space<hbm>> -> memref<1x624x128xf32, #tpu.memory_space<hbm>>
      %dma_wait3A_56 = tpu.memref_squeeze %dma_wait3A_55 : memref<1x624x128xf32, #tpu.memory_space<hbm>> -> memref<624x128xf32, #tpu.memory_space<hbm>>
      %dma_wait3A_57 = arith.constant 0 : i32
      %dma_wait3A_58 = tpu.memref_slice %arg9[%mul3A_43, %dma_wait3A_57] : memref<10000x128xf32, #tpu.memory_space<vmem_shared>> -> memref<624x128xf32, #tpu.memory_space<vmem_shared>>
      tpu.wait_dma2 semaphore(%run_scoped3A : memref<!tpu.dma_semaphore, #tpu.memory_space<semaphore_mem>>) src(%dma_wait3A_58 : memref<624x128xf32, #tpu.memory_space<vmem_shared>>) dst(%dma_wait3A_56 : memref<624x128xf32, #tpu.memory_space<hbm>>)
      tpu.yield
    }) : () -> ()
    %lt3A_44 = arith.constant 2 : i32
    %lt3A_45 = arith.cmpi slt, %arg1, %lt3A_44 : i32
    %convert_element_type3A_46 = arith.extui %lt3A_45 : i1 to i32
    %cond3A_47 = arith.constant 0 : i32
    %cond3A_48 = arith.cmpi ne, %convert_element_type3A_46, %cond3A_47 : i32
    scf.if %cond3A_48 {
      %mul3A_49 = arith.constant 8 : i32
      %mul3A_50 = arith.muli %arg1, %mul3A_49 : i32
      %add3A_51 = arith.constant 9984 : i32
      %add3A_52 = arith.addi %add3A_51, %mul3A_50 : i32
      "tpu.region"() ({
        %run_scoped3A = tpu.sem_alloc : memref<!tpu.dma_semaphore, #tpu.memory_space<semaphore_mem>>
        %dma_start3A_53 = arith.constant 0 : i32
        %dma_start3A_54 = tpu.memref_slice %arg5[%arg0, %add3A_52, %dma_start3A_53] : memref<2x10000x128xf32, #tpu.memory_space<hbm>> -> memref<1x8x128xf32, #tpu.memory_space<hbm>>
        %dma_start3A_55 = tpu.memref_squeeze %dma_start3A_54 : memref<1x8x128xf32, #tpu.memory_space<hbm>> -> memref<8x128xf32, #tpu.memory_space<hbm>>
        %dma_start3A_56 = arith.constant 0 : i32
        %dma_start3A_57 = tpu.memref_slice %arg9[%add3A_52, %dma_start3A_56] : memref<10000x128xf32, #tpu.memory_space<vmem_shared>> -> memref<8x128xf32, #tpu.memory_space<vmem_shared>>
        tpu.enqueue_dma source(%dma_start3A_57 : memref<8x128xf32, #tpu.memory_space<vmem_shared>>) target(%dma_start3A_55 : memref<8x128xf32, #tpu.memory_space<hbm>>) target_semaphore(%run_scoped3A : memref<!tpu.dma_semaphore, #tpu.memory_space<semaphore_mem>>)
        %dma_wait3A_58 = arith.constant 0 : i32
        %dma_wait3A_59 = tpu.memref_slice %arg5[%arg0, %add3A_52, %dma_wait3A_58] : memref<2x10000x128xf32, #tpu.memory_space<hbm>> -> memref<1x8x128xf32, #tpu.memory_space<hbm>>
        %dma_wait3A_60 = tpu.memref_squeeze %dma_wait3A_59 : memref<1x8x128xf32, #tpu.memory_space<hbm>> -> memref<8x128xf32, #tpu.memory_space<hbm>>
        %dma_wait3A_61 = arith.constant 0 : i32
        %dma_wait3A_62 = tpu.memref_slice %arg9[%add3A_52, %dma_wait3A_61] : memref<10000x128xf32, #tpu.memory_space<vmem_shared>> -> memref<8x128xf32, #tpu.memory_space<vmem_shared>>
        tpu.wait_dma2 semaphore(%run_scoped3A : memref<!tpu.dma_semaphore, #tpu.memory_space<semaphore_mem>>) src(%dma_wait3A_62 : memref<8x128xf32, #tpu.memory_space<vmem_shared>>) dst(%dma_wait3A_60 : memref<8x128xf32, #tpu.memory_space<hbm>>)
        tpu.yield
      }) : () -> ()
    } else {
    }
    return
  }
}

#map = affine_map<(d0, d1) -> (0, 0)>
#map1 = affine_map<(d0, d1) -> (0, 0, 0)>
module attributes {stable_mosaic.version = 14 : i64} {
  func.func @k(%arg0: i32, %arg1: i32, %arg2: memref<10000x128xf32, #tpu.memory_space<hbm>>, %arg3: memref<2560x125xi32, #tpu.memory_space<hbm>>, %arg4: memref<2560x125xi32, #tpu.memory_space<hbm>>, %arg5: memref<2x10000x128xf32, #tpu.memory_space<hbm>>, %arg6: memref<16x125xi32, #tpu.memory_space<vmem>>, %arg7: memref<16x125xi32, #tpu.memory_space<vmem>>, %arg8: memref<2x125x128xf32, #tpu.memory_space<vmem>>, %arg9: memref<10000x128xf32, #tpu.memory_space<vmem_shared>>, %arg10: memref<2x!tpu.dma_semaphore, #tpu.memory_space<semaphore_mem>>, %arg11: memref<2x!tpu.dma_semaphore, #tpu.memory_space<semaphore_mem>>) attributes {dimension_semantics = [#tpu.dimension_semantics<core_parallel>, #tpu.dimension_semantics<subcore_parallel>], iteration_bounds = array<i64: 2, 16>, scalar_prefetch = 0 : i64, scratch_operands = 6 : i64, tpu.core_type = #tpu.core_type<sc_vector_subcore>, window_params = [{transform_indices = #map}, {transform_indices = #map}, {transform_indices = #map}, {transform_indices = #map1}]} {
    %mul3A = arith.constant 2 : i32
    %mul3A_0 = arith.muli %arg1, %mul3A : i32
    %add3A = arith.addi %mul3A_0, %arg0 : i32
    %mul3A_1 = arith.constant 80 : i32
    %mul3A_2 = arith.muli %add3A, %mul3A_1 : i32
    "tpu.region"() ({
      %run_scoped3A = tpu.sem_alloc : memref<!tpu.dma_semaphore, #tpu.memory_space<semaphore_mem>>
      %dma_start3A_49 = arith.constant 0 : i32
      %dma_start3A_50 = tpu.memref_slice %arg3[%mul3A_2, %dma_start3A_49] : memref<2560x125xi32, #tpu.memory_space<hbm>> -> memref<16x125xi32, #tpu.memory_space<hbm>>
      %dma_start3A_51 = arith.constant 0 : i32
      %dma_start3A_52 = tpu.memref_slice %arg3[%mul3A_2, %dma_start3A_51] : memref<2560x125xi32, #tpu.memory_space<hbm>> -> memref<16x125xi32, #tpu.memory_space<hbm>>
      tpu.enqueue_dma source(%dma_start3A_52 : memref<16x125xi32, #tpu.memory_space<hbm>>) target(%arg6 : memref<16x125xi32, #tpu.memory_space<vmem>>) target_semaphore(%run_scoped3A : memref<!tpu.dma_semaphore, #tpu.memory_space<semaphore_mem>>)
      %dma_wait3A_53 = arith.constant 0 : i32
      %dma_wait3A_54 = tpu.memref_slice %arg3[%mul3A_2, %dma_wait3A_53] : memref<2560x125xi32, #tpu.memory_space<hbm>> -> memref<16x125xi32, #tpu.memory_space<hbm>>
      %dma_wait3A_55 = arith.constant 0 : i32
      %dma_wait3A_56 = tpu.memref_slice %arg3[%mul3A_2, %dma_wait3A_55] : memref<2560x125xi32, #tpu.memory_space<hbm>> -> memref<16x125xi32, #tpu.memory_space<hbm>>
      tpu.wait_dma2 semaphore(%run_scoped3A : memref<!tpu.dma_semaphore, #tpu.memory_space<semaphore_mem>>) src(%dma_wait3A_56 : memref<16x125xi32, #tpu.memory_space<hbm>>) dst(%arg6 : memref<16x125xi32, #tpu.memory_space<vmem>>)
      tpu.yield
    }) : () -> ()
    %mul3A_3 = arith.constant 80 : i32
    %mul3A_4 = arith.muli %add3A, %mul3A_3 : i32
    "tpu.region"() ({
      %run_scoped3A = tpu.sem_alloc : memref<!tpu.dma_semaphore, #tpu.memory_space<semaphore_mem>>
      %dma_start3A_49 = arith.constant 0 : i32
      %dma_start3A_50 = tpu.memref_slice %arg4[%mul3A_4, %dma_start3A_49] : memref<2560x125xi32, #tpu.memory_space<hbm>> -> memref<16x125xi32, #tpu.memory_space<hbm>>
      %dma_start3A_51 = arith.constant 0 : i32
      %dma_start3A_52 = tpu.memref_slice %arg4[%mul3A_4, %dma_start3A_51] : memref<2560x125xi32, #tpu.memory_space<hbm>> -> memref<16x125xi32, #tpu.memory_space<hbm>>
      tpu.enqueue_dma source(%dma_start3A_52 : memref<16x125xi32, #tpu.memory_space<hbm>>) target(%arg7 : memref<16x125xi32, #tpu.memory_space<vmem>>) target_semaphore(%run_scoped3A : memref<!tpu.dma_semaphore, #tpu.memory_space<semaphore_mem>>)
      %dma_wait3A_53 = arith.constant 0 : i32
      %dma_wait3A_54 = tpu.memref_slice %arg4[%mul3A_4, %dma_wait3A_53] : memref<2560x125xi32, #tpu.memory_space<hbm>> -> memref<16x125xi32, #tpu.memory_space<hbm>>
      %dma_wait3A_55 = arith.constant 0 : i32
      %dma_wait3A_56 = tpu.memref_slice %arg4[%mul3A_4, %dma_wait3A_55] : memref<2560x125xi32, #tpu.memory_space<hbm>> -> memref<16x125xi32, #tpu.memory_space<hbm>>
      tpu.wait_dma2 semaphore(%run_scoped3A : memref<!tpu.dma_semaphore, #tpu.memory_space<semaphore_mem>>) src(%dma_wait3A_56 : memref<16x125xi32, #tpu.memory_space<hbm>>) dst(%arg7 : memref<16x125xi32, #tpu.memory_space<vmem>>)
      tpu.yield
    }) : () -> ()
    %mul3A_5 = arith.constant 624 : i32
    %mul3A_6 = arith.muli %arg1, %mul3A_5 : i32
    "tpu.region"() ({
      %run_scoped3A = tpu.sem_alloc : memref<!tpu.dma_semaphore, #tpu.memory_space<semaphore_mem>>
      %dma_start3A_49 = arith.constant 0 : i32
      %dma_start3A_50 = tpu.memref_slice %arg9[%mul3A_6, %dma_start3A_49] : memref<10000x128xf32, #tpu.memory_space<vmem_shared>> -> memref<624x128xf32, #tpu.memory_space<vmem_shared>>
      %dma_start3A_51 = arith.constant 0 : i32
      %dma_start3A_52 = tpu.memref_slice %arg2[%mul3A_6, %dma_start3A_51] : memref<10000x128xf32, #tpu.memory_space<hbm>> -> memref<624x128xf32, #tpu.memory_space<hbm>>
      tpu.enqueue_dma source(%dma_start3A_52 : memref<624x128xf32, #tpu.memory_space<hbm>>) target(%dma_start3A_50 : memref<624x128xf32, #tpu.memory_space<vmem_shared>>) target_semaphore(%run_scoped3A : memref<!tpu.dma_semaphore, #tpu.memory_space<semaphore_mem>>)
      %dma_wait3A_53 = arith.constant 0 : i32
      %dma_wait3A_54 = tpu.memref_slice %arg9[%mul3A_6, %dma_wait3A_53] : memref<10000x128xf32, #tpu.memory_space<vmem_shared>> -> memref<624x128xf32, #tpu.memory_space<vmem_shared>>
      %dma_wait3A_55 = arith.constant 0 : i32
      %dma_wait3A_56 = tpu.memref_slice %arg2[%mul3A_6, %dma_wait3A_55] : memref<10000x128xf32, #tpu.memory_space<hbm>> -> memref<624x128xf32, #tpu.memory_space<hbm>>
      tpu.wait_dma2 semaphore(%run_scoped3A : memref<!tpu.dma_semaphore, #tpu.memory_space<semaphore_mem>>) src(%dma_wait3A_56 : memref<624x128xf32, #tpu.memory_space<hbm>>) dst(%dma_wait3A_54 : memref<624x128xf32, #tpu.memory_space<vmem_shared>>)
      tpu.yield
    }) : () -> ()
    %lt3A = arith.constant 2 : i32
    %lt3A_7 = arith.cmpi slt, %arg1, %lt3A : i32
    %convert_element_type3A = arith.extui %lt3A_7 : i1 to i32
    %cond3A = arith.constant 0 : i32
    %cond3A_8 = arith.cmpi ne, %convert_element_type3A, %cond3A : i32
    scf.if %cond3A_8 {
      %mul3A_49 = arith.constant 8 : i32
      %mul3A_50 = arith.muli %arg1, %mul3A_49 : i32
      %add3A_51 = arith.constant 9984 : i32
      %add3A_52 = arith.addi %add3A_51, %mul3A_50 : i32
      "tpu.region"() ({
        %run_scoped3A = tpu.sem_alloc : memref<!tpu.dma_semaphore, #tpu.memory_space<semaphore_mem>>
        %dma_start3A_53 = arith.constant 0 : i32
        %dma_start3A_54 = tpu.memref_slice %arg9[%add3A_52, %dma_start3A_53] : memref<10000x128xf32, #tpu.memory_space<vmem_shared>> -> memref<8x128xf32, #tpu.memory_space<vmem_shared>>
        %dma_start3A_55 = arith.constant 0 : i32
        %dma_start3A_56 = tpu.memref_slice %arg2[%add3A_52, %dma_start3A_55] : memref<10000x128xf32, #tpu.memory_space<hbm>> -> memref<8x128xf32, #tpu.memory_space<hbm>>
        tpu.enqueue_dma source(%dma_start3A_56 : memref<8x128xf32, #tpu.memory_space<hbm>>) target(%dma_start3A_54 : memref<8x128xf32, #tpu.memory_space<vmem_shared>>) target_semaphore(%run_scoped3A : memref<!tpu.dma_semaphore, #tpu.memory_space<semaphore_mem>>)
        %dma_wait3A_57 = arith.constant 0 : i32
        %dma_wait3A_58 = tpu.memref_slice %arg9[%add3A_52, %dma_wait3A_57] : memref<10000x128xf32, #tpu.memory_space<vmem_shared>> -> memref<8x128xf32, #tpu.memory_space<vmem_shared>>
        %dma_wait3A_59 = arith.constant 0 : i32
        %dma_wait3A_60 = tpu.memref_slice %arg2[%add3A_52, %dma_wait3A_59] : memref<10000x128xf32, #tpu.memory_space<hbm>> -> memref<8x128xf32, #tpu.memory_space<hbm>>
        tpu.wait_dma2 semaphore(%run_scoped3A : memref<!tpu.dma_semaphore, #tpu.memory_space<semaphore_mem>>) src(%dma_wait3A_60 : memref<8x128xf32, #tpu.memory_space<hbm>>) dst(%dma_wait3A_58 : memref<8x128xf32, #tpu.memory_space<vmem_shared>>)
        tpu.yield
      }) : () -> ()
    } else {
    }
    %barrier3A = arith.constant 0 : index
    tpu.barrier barrier_id(%barrier3A)
    %dma_start3A = arith.constant 0 : i32
    %dma_start3A_9 = arith.constant 0 : i32
    %dma_start3A_10 = arith.constant 0 : i32
    %dma_start3A_11 = arith.constant 0 : i32
    %dma_start3A_12 = arith.constant 0 : i32
    %dma_start3A_13 = tpu.memref_slice %arg8[%dma_start3A_9, %dma_start3A_11, %dma_start3A_12] : memref<2x125x128xf32, #tpu.memory_space<vmem>> -> memref<1x125x128xf32, #tpu.memory_space<vmem>>
    %dma_start3A_14 = tpu.memref_squeeze %dma_start3A_13 : memref<1x125x128xf32, #tpu.memory_space<vmem>> -> memref<125x128xf32, #tpu.memory_space<vmem>>
    %dma_start3A_15 = arith.constant 0 : i32
    %dma_start3A_16 = tpu.memref_slice %arg6[%dma_start3A, %dma_start3A_15] : memref<16x125xi32, #tpu.memory_space<vmem>> -> memref<1x125xi32, #tpu.memory_space<vmem>>
    %dma_start3A_17 = tpu.memref_squeeze %dma_start3A_16 : memref<1x125xi32, #tpu.memory_space<vmem>> -> memref<125xi32, #tpu.memory_space<vmem>>
    %dma_start3A_18 = arith.constant 0 : i32
    %dma_start3A_19 = arith.constant 0 : i32
    %dma_start3A_20 = tpu.memref_slice %arg2[%dma_start3A_18, %dma_start3A_19] : memref<10000x128xf32, #tpu.memory_space<hbm>> -> memref<10000x128xf32, #tpu.memory_space<hbm>>
    %dma_start3A_21 = tpu.memref_slice %arg10[%dma_start3A_10] : memref<2x!tpu.dma_semaphore, #tpu.memory_space<semaphore_mem>> -> memref<1x!tpu.dma_semaphore, #tpu.memory_space<semaphore_mem>>
    %dma_start3A_22 = tpu.memref_squeeze %dma_start3A_21 : memref<1x!tpu.dma_semaphore, #tpu.memory_space<semaphore_mem>> -> memref<!tpu.dma_semaphore, #tpu.memory_space<semaphore_mem>>
    tpu.enqueue_indirect_dma source(%dma_start3A_20 : memref<10000x128xf32, #tpu.memory_space<hbm>>) target(%dma_start3A_14 : memref<125x128xf32, #tpu.memory_space<vmem>>) offsets(%dma_start3A_17 : memref<125xi32, #tpu.memory_space<vmem>>) semaphore(%dma_start3A_22 : memref<!tpu.dma_semaphore, #tpu.memory_space<semaphore_mem>>)
    %scan3A = arith.constant 0 : i32
    %scan3A_23 = arith.constant 80 : i32
    %scan3A_24 = arith.addi %scan3A, %scan3A_23 : i32
    %scan3A_25 = arith.constant 1 : i32
    scf.for %scan3A_49 = %scan3A to %scan3A_24 step %scan3A_25  : i32 {
      %mul3A_50 = arith.constant 1 : i32
      %mul3A_51 = arith.muli %scan3A_49, %mul3A_50 : i32
      %add3A_52 = arith.constant 0 : i32
      %add3A_53 = arith.addi %add3A_52, %mul3A_51 : i32
      %jit3A = arith.constant 16 : i32
      %eq3A = arith.constant 0 : i32
      %eq3A_54 = arith.cmpi eq, %jit3A, %eq3A : i32
      %jit3A_55 = arith.constant 1 : i32
      %select_n3A = arith.select %eq3A_54, %jit3A_55, %jit3A : i32
      %rem3A = arith.remsi %add3A_53, %select_n3A : i32
      %ne3A = arith.constant 0 : i32
      %ne3A_56 = arith.cmpi ne, %rem3A, %ne3A : i32
      %lt3A_57 = arith.constant 0 : i32
      %lt3A_58 = arith.cmpi slt, %rem3A, %lt3A_57 : i32
      %lt3A_59 = arith.constant 0 : i32
      %lt3A_60 = arith.cmpi slt, %select_n3A, %lt3A_59 : i32
      %ne3A_61 = arith.xori %lt3A_58, %lt3A_60 : i1
      %and3A = arith.andi %ne3A_61, %ne3A_56 : i1
      %add3A_62 = arith.addi %rem3A, %select_n3A : i32
      %select_n3A_63 = arith.select %and3A, %add3A_62, %rem3A : i32
      %jit3A_64 = arith.constant 2 : i32
      %eq3A_65 = arith.constant 0 : i32
      %eq3A_66 = arith.cmpi eq, %jit3A_64, %eq3A_65 : i32
      %jit3A_67 = arith.constant 1 : i32
      %select_n3A_68 = arith.select %eq3A_66, %jit3A_67, %jit3A_64 : i32
      %rem3A_69 = arith.remsi %add3A_53, %select_n3A_68 : i32
      %ne3A_70 = arith.constant 0 : i32
      %ne3A_71 = arith.cmpi ne, %rem3A_69, %ne3A_70 : i32
      %lt3A_72 = arith.constant 0 : i32
      %lt3A_73 = arith.cmpi slt, %rem3A_69, %lt3A_72 : i32
      %lt3A_74 = arith.constant 0 : i32
      %lt3A_75 = arith.cmpi slt, %select_n3A_68, %lt3A_74 : i32
      %ne3A_76 = arith.xori %lt3A_73, %lt3A_75 : i1
      %and3A_77 = arith.andi %ne3A_76, %ne3A_71 : i1
      %add3A_78 = arith.addi %rem3A_69, %select_n3A_68 : i32
      %select_n3A_79 = arith.select %and3A_77, %add3A_78, %rem3A_69 : i32
      %jit3A_80 = arith.constant 2 : i32
      %eq3A_81 = arith.constant 0 : i32
      %eq3A_82 = arith.cmpi eq, %jit3A_80, %eq3A_81 : i32
      %jit3A_83 = arith.constant 1 : i32
      %select_n3A_84 = arith.select %eq3A_82, %jit3A_83, %jit3A_80 : i32
      %rem3A_85 = arith.remsi %add3A_53, %select_n3A_84 : i32
      %ne3A_86 = arith.constant 0 : i32
      %ne3A_87 = arith.cmpi ne, %rem3A_85, %ne3A_86 : i32
      %lt3A_88 = arith.constant 0 : i32
      %lt3A_89 = arith.cmpi slt, %rem3A_85, %lt3A_88 : i32
      %lt3A_90 = arith.constant 0 : i32
      %lt3A_91 = arith.cmpi slt, %select_n3A_84, %lt3A_90 : i32
      %ne3A_92 = arith.xori %lt3A_89, %lt3A_91 : i1
      %and3A_93 = arith.andi %ne3A_92, %ne3A_87 : i1
      %add3A_94 = arith.addi %rem3A_85, %select_n3A_84 : i32
      %select_n3A_95 = arith.select %and3A_93, %add3A_94, %rem3A_85 : i32
      %dma_wait3A_96 = arith.constant 0 : i32
      %dma_wait3A_97 = arith.constant 0 : i32
      %dma_wait3A_98 = tpu.memref_slice %arg8[%select_n3A_79, %dma_wait3A_96, %dma_wait3A_97] : memref<2x125x128xf32, #tpu.memory_space<vmem>> -> memref<1x125x128xf32, #tpu.memory_space<vmem>>
      %dma_wait3A_99 = tpu.memref_squeeze %dma_wait3A_98 : memref<1x125x128xf32, #tpu.memory_space<vmem>> -> memref<125x128xf32, #tpu.memory_space<vmem>>
      %dma_wait3A_100 = arith.constant 0 : i32
      %dma_wait3A_101 = tpu.memref_slice %arg6[%select_n3A_63, %dma_wait3A_100] : memref<16x125xi32, #tpu.memory_space<vmem>> -> memref<1x125xi32, #tpu.memory_space<vmem>>
      %dma_wait3A_102 = tpu.memref_squeeze %dma_wait3A_101 : memref<1x125xi32, #tpu.memory_space<vmem>> -> memref<125xi32, #tpu.memory_space<vmem>>
      %dma_wait3A_103 = arith.constant 0 : i32
      %dma_wait3A_104 = arith.constant 0 : i32
      %dma_wait3A_105 = tpu.memref_slice %arg2[%dma_wait3A_103, %dma_wait3A_104] : memref<10000x128xf32, #tpu.memory_space<hbm>> -> memref<10000x128xf32, #tpu.memory_space<hbm>>
      %dma_wait3A_106 = tpu.memref_slice %arg10[%select_n3A_95] : memref<2x!tpu.dma_semaphore, #tpu.memory_space<semaphore_mem>> -> memref<1x!tpu.dma_semaphore, #tpu.memory_space<semaphore_mem>>
      %dma_wait3A_107 = tpu.memref_squeeze %dma_wait3A_106 : memref<1x!tpu.dma_semaphore, #tpu.memory_space<semaphore_mem>> -> memref<!tpu.dma_semaphore, #tpu.memory_space<semaphore_mem>>
      tpu.wait_indirect_dma semaphore(%dma_wait3A_107 : memref<!tpu.dma_semaphore, #tpu.memory_space<semaphore_mem>>) src(%dma_wait3A_105 : memref<10000x128xf32, #tpu.memory_space<hbm>>) dst(%dma_wait3A_99 : memref<125x128xf32, #tpu.memory_space<vmem>>)
      %ge3A = arith.constant 1 : i32
      %ge3A_108 = arith.cmpi sge, %add3A_53, %ge3A : i32
      %convert_element_type3A_109 = arith.extui %ge3A_108 : i1 to i32
      %cond3A_110 = arith.constant 0 : i32
      %cond3A_111 = arith.cmpi ne, %convert_element_type3A_109, %cond3A_110 : i32
      scf.if %cond3A_111 {
        %sub3A = arith.constant 1 : i32
        %sub3A_200 = arith.subi %add3A_53, %sub3A : i32
        %jit3A_201 = arith.constant 2 : i32
        %eq3A_202 = arith.constant 0 : i32
        %eq3A_203 = arith.cmpi eq, %jit3A_201, %eq3A_202 : i32
        %jit3A_204 = arith.constant 1 : i32
        %select_n3A_205 = arith.select %eq3A_203, %jit3A_204, %jit3A_201 : i32
        %rem3A_206 = arith.remsi %sub3A_200, %select_n3A_205 : i32
        %ne3A_207 = arith.constant 0 : i32
        %ne3A_208 = arith.cmpi ne, %rem3A_206, %ne3A_207 : i32
        %lt3A_209 = arith.constant 0 : i32
        %lt3A_210 = arith.cmpi slt, %rem3A_206, %lt3A_209 : i32
        %lt3A_211 = arith.constant 0 : i32
        %lt3A_212 = arith.cmpi slt, %select_n3A_205, %lt3A_211 : i32
        %ne3A_213 = arith.xori %lt3A_210, %lt3A_212 : i1
        %and3A_214 = arith.andi %ne3A_213, %ne3A_208 : i1
        %add3A_215 = arith.addi %rem3A_206, %select_n3A_205 : i32
        %select_n3A_216 = arith.select %and3A_214, %add3A_215, %rem3A_206 : i32
        %jit3A_217 = arith.constant 16 : i32
        %eq3A_218 = arith.constant 0 : i32
        %eq3A_219 = arith.cmpi eq, %jit3A_217, %eq3A_218 : i32
        %jit3A_220 = arith.constant 1 : i32
        %select_n3A_221 = arith.select %eq3A_219, %jit3A_220, %jit3A_217 : i32
        %rem3A_222 = arith.remsi %sub3A_200, %select_n3A_221 : i32
        %ne3A_223 = arith.constant 0 : i32
        %ne3A_224 = arith.cmpi ne, %rem3A_222, %ne3A_223 : i32
        %lt3A_225 = arith.constant 0 : i32
        %lt3A_226 = arith.cmpi slt, %rem3A_222, %lt3A_225 : i32
        %lt3A_227 = arith.constant 0 : i32
        %lt3A_228 = arith.cmpi slt, %select_n3A_221, %lt3A_227 : i32
        %ne3A_229 = arith.xori %lt3A_226, %lt3A_228 : i1
        %and3A_230 = arith.andi %ne3A_229, %ne3A_224 : i1
        %add3A_231 = arith.addi %rem3A_222, %select_n3A_221 : i32
        %select_n3A_232 = arith.select %and3A_230, %add3A_231, %rem3A_222 : i32
        %jit3A_233 = arith.constant 2 : i32
        %eq3A_234 = arith.constant 0 : i32
        %eq3A_235 = arith.cmpi eq, %jit3A_233, %eq3A_234 : i32
        %jit3A_236 = arith.constant 1 : i32
        %select_n3A_237 = arith.select %eq3A_235, %jit3A_236, %jit3A_233 : i32
        %rem3A_238 = arith.remsi %sub3A_200, %select_n3A_237 : i32
        %ne3A_239 = arith.constant 0 : i32
        %ne3A_240 = arith.cmpi ne, %rem3A_238, %ne3A_239 : i32
        %lt3A_241 = arith.constant 0 : i32
        %lt3A_242 = arith.cmpi slt, %rem3A_238, %lt3A_241 : i32
        %lt3A_243 = arith.constant 0 : i32
        %lt3A_244 = arith.cmpi slt, %select_n3A_237, %lt3A_243 : i32
        %ne3A_245 = arith.xori %lt3A_242, %lt3A_244 : i1
        %and3A_246 = arith.andi %ne3A_245, %ne3A_240 : i1
        %add3A_247 = arith.addi %rem3A_238, %select_n3A_237 : i32
        %select_n3A_248 = arith.select %and3A_246, %add3A_247, %rem3A_238 : i32
        %dma_wait3A_249 = arith.constant 0 : i32
        %dma_wait3A_250 = arith.constant 0 : i32
        %dma_wait3A_251 = tpu.memref_slice %arg8[%select_n3A_216, %dma_wait3A_249, %dma_wait3A_250] : memref<2x125x128xf32, #tpu.memory_space<vmem>> -> memref<1x125x128xf32, #tpu.memory_space<vmem>>
        %dma_wait3A_252 = tpu.memref_squeeze %dma_wait3A_251 : memref<1x125x128xf32, #tpu.memory_space<vmem>> -> memref<125x128xf32, #tpu.memory_space<vmem>>
        %dma_wait3A_253 = arith.constant 0 : i32
        %dma_wait3A_254 = tpu.memref_slice %arg7[%select_n3A_232, %dma_wait3A_253] : memref<16x125xi32, #tpu.memory_space<vmem>> -> memref<1x125xi32, #tpu.memory_space<vmem>>
        %dma_wait3A_255 = tpu.memref_squeeze %dma_wait3A_254 : memref<1x125xi32, #tpu.memory_space<vmem>> -> memref<125xi32, #tpu.memory_space<vmem>>
        %dma_wait3A_256 = arith.constant 0 : i32
        %dma_wait3A_257 = arith.constant 0 : i32
        %dma_wait3A_258 = tpu.memref_slice %arg9[%dma_wait3A_256, %dma_wait3A_257] : memref<10000x128xf32, #tpu.memory_space<vmem_shared>> -> memref<10000x128xf32, #tpu.memory_space<vmem_shared>>
        %dma_wait3A_259 = tpu.memref_slice %arg11[%select_n3A_248] : memref<2x!tpu.dma_semaphore, #tpu.memory_space<semaphore_mem>> -> memref<1x!tpu.dma_semaphore, #tpu.memory_space<semaphore_mem>>
        %dma_wait3A_260 = tpu.memref_squeeze %dma_wait3A_259 : memref<1x!tpu.dma_semaphore, #tpu.memory_space<semaphore_mem>> -> memref<!tpu.dma_semaphore, #tpu.memory_space<semaphore_mem>>
        tpu.wait_indirect_dma semaphore(%dma_wait3A_260 : memref<!tpu.dma_semaphore, #tpu.memory_space<semaphore_mem>>) src(%dma_wait3A_252 : memref<125x128xf32, #tpu.memory_space<vmem>>) dst(%dma_wait3A_258 : memref<10000x128xf32, #tpu.memory_space<vmem_shared>>)
      } else {
      }
      %lt3A_112 = arith.constant 79 : i32
      %lt3A_113 = arith.cmpi slt, %add3A_53, %lt3A_112 : i32
      %convert_element_type3A_114 = arith.extui %lt3A_113 : i1 to i32
      %cond3A_115 = arith.constant 0 : i32
      %cond3A_116 = arith.cmpi ne, %convert_element_type3A_114, %cond3A_115 : i32
      scf.if %cond3A_116 {
        %add3A_200 = arith.constant 1 : i32
        %add3A_201 = arith.addi %add3A_53, %add3A_200 : i32
        %jit3A_202 = arith.constant 16 : i32
        %eq3A_203 = arith.constant 0 : i32
        %eq3A_204 = arith.cmpi eq, %jit3A_202, %eq3A_203 : i32
        %jit3A_205 = arith.constant 1 : i32
        %select_n3A_206 = arith.select %eq3A_204, %jit3A_205, %jit3A_202 : i32
        %rem3A_207 = arith.remsi %add3A_201, %select_n3A_206 : i32
        %ne3A_208 = arith.constant 0 : i32
        %ne3A_209 = arith.cmpi ne, %rem3A_207, %ne3A_208 : i32
        %lt3A_210 = arith.constant 0 : i32
        %lt3A_211 = arith.cmpi slt, %rem3A_207, %lt3A_210 : i32
        %lt3A_212 = arith.constant 0 : i32
        %lt3A_213 = arith.cmpi slt, %select_n3A_206, %lt3A_212 : i32
        %ne3A_214 = arith.xori %lt3A_211, %lt3A_213 : i1
        %and3A_215 = arith.andi %ne3A_214, %ne3A_209 : i1
        %add3A_216 = arith.addi %rem3A_207, %select_n3A_206 : i32
        %select_n3A_217 = arith.select %and3A_215, %add3A_216, %rem3A_207 : i32
        %eq3A_218 = arith.constant 0 : i32
        %eq3A_219 = arith.cmpi eq, %select_n3A_217, %eq3A_218 : i32
        %convert_element_type3A_220 = arith.extui %eq3A_219 : i1 to i32
        %cond3A_221 = arith.constant 0 : i32
        %cond3A_222 = arith.cmpi ne, %convert_element_type3A_220, %cond3A_221 : i32
        scf.if %cond3A_222 {
          %mul3A_283 = arith.constant 80 : i32
          %mul3A_284 = arith.muli %add3A, %mul3A_283 : i32
          %add3A_285 = arith.addi %mul3A_284, %add3A_201 : i32
          %multiple_of3A = tpu.assume_multiple %add3A_285, 8 : i32
          "tpu.region"() ({
            %run_scoped3A = tpu.sem_alloc : memref<!tpu.dma_semaphore, #tpu.memory_space<semaphore_mem>>
            %dma_start3A_286 = arith.constant 0 : i32
            %dma_start3A_287 = tpu.memref_slice %arg3[%multiple_of3A, %dma_start3A_286] : memref<2560x125xi32, #tpu.memory_space<hbm>> -> memref<16x125xi32, #tpu.memory_space<hbm>>
            %dma_start3A_288 = arith.constant 0 : i32
            %dma_start3A_289 = tpu.memref_slice %arg3[%multiple_of3A, %dma_start3A_288] : memref<2560x125xi32, #tpu.memory_space<hbm>> -> memref<16x125xi32, #tpu.memory_space<hbm>>
            tpu.enqueue_dma source(%dma_start3A_289 : memref<16x125xi32, #tpu.memory_space<hbm>>) target(%arg6 : memref<16x125xi32, #tpu.memory_space<vmem>>) target_semaphore(%run_scoped3A : memref<!tpu.dma_semaphore, #tpu.memory_space<semaphore_mem>>)
            %dma_wait3A_290 = arith.constant 0 : i32
            %dma_wait3A_291 = tpu.memref_slice %arg3[%multiple_of3A, %dma_wait3A_290] : memref<2560x125xi32, #tpu.memory_space<hbm>> -> memref<16x125xi32, #tpu.memory_space<hbm>>
            %dma_wait3A_292 = arith.constant 0 : i32
            %dma_wait3A_293 = tpu.memref_slice %arg3[%multiple_of3A, %dma_wait3A_292] : memref<2560x125xi32, #tpu.memory_space<hbm>> -> memref<16x125xi32, #tpu.memory_space<hbm>>
            tpu.wait_dma2 semaphore(%run_scoped3A : memref<!tpu.dma_semaphore, #tpu.memory_space<semaphore_mem>>) src(%dma_wait3A_293 : memref<16x125xi32, #tpu.memory_space<hbm>>) dst(%arg6 : memref<16x125xi32, #tpu.memory_space<vmem>>)
            tpu.yield
          }) : () -> ()
        } else {
        }
        %jit3A_223 = arith.constant 16 : i32
        %eq3A_224 = arith.constant 0 : i32
        %eq3A_225 = arith.cmpi eq, %jit3A_223, %eq3A_224 : i32
        %jit3A_226 = arith.constant 1 : i32
        %select_n3A_227 = arith.select %eq3A_225, %jit3A_226, %jit3A_223 : i32
        %rem3A_228 = arith.remsi %add3A_201, %select_n3A_227 : i32
        %ne3A_229 = arith.constant 0 : i32
        %ne3A_230 = arith.cmpi ne, %rem3A_228, %ne3A_229 : i32
        %lt3A_231 = arith.constant 0 : i32
        %lt3A_232 = arith.cmpi slt, %rem3A_228, %lt3A_231 : i32
        %lt3A_233 = arith.constant 0 : i32
        %lt3A_234 = arith.cmpi slt, %select_n3A_227, %lt3A_233 : i32
        %ne3A_235 = arith.xori %lt3A_232, %lt3A_234 : i1
        %and3A_236 = arith.andi %ne3A_235, %ne3A_230 : i1
        %add3A_237 = arith.addi %rem3A_228, %select_n3A_227 : i32
        %select_n3A_238 = arith.select %and3A_236, %add3A_237, %rem3A_228 : i32
        %jit3A_239 = arith.constant 2 : i32
        %eq3A_240 = arith.constant 0 : i32
        %eq3A_241 = arith.cmpi eq, %jit3A_239, %eq3A_240 : i32
        %jit3A_242 = arith.constant 1 : i32
        %select_n3A_243 = arith.select %eq3A_241, %jit3A_242, %jit3A_239 : i32
        %rem3A_244 = arith.remsi %add3A_201, %select_n3A_243 : i32
        %ne3A_245 = arith.constant 0 : i32
        %ne3A_246 = arith.cmpi ne, %rem3A_244, %ne3A_245 : i32
        %lt3A_247 = arith.constant 0 : i32
        %lt3A_248 = arith.cmpi slt, %rem3A_244, %lt3A_247 : i32
        %lt3A_249 = arith.constant 0 : i32
        %lt3A_250 = arith.cmpi slt, %select_n3A_243, %lt3A_249 : i32
        %ne3A_251 = arith.xori %lt3A_248, %lt3A_250 : i1
        %and3A_252 = arith.andi %ne3A_251, %ne3A_246 : i1
        %add3A_253 = arith.addi %rem3A_244, %select_n3A_243 : i32
        %select_n3A_254 = arith.select %and3A_252, %add3A_253, %rem3A_244 : i32
        %jit3A_255 = arith.constant 2 : i32
        %eq3A_256 = arith.constant 0 : i32
        %eq3A_257 = arith.cmpi eq, %jit3A_255, %eq3A_256 : i32
        %jit3A_258 = arith.constant 1 : i32
        %select_n3A_259 = arith.select %eq3A_257, %jit3A_258, %jit3A_255 : i32
        %rem3A_260 = arith.remsi %add3A_201, %select_n3A_259 : i32
        %ne3A_261 = arith.constant 0 : i32
        %ne3A_262 = arith.cmpi ne, %rem3A_260, %ne3A_261 : i32
        %lt3A_263 = arith.constant 0 : i32
        %lt3A_264 = arith.cmpi slt, %rem3A_260, %lt3A_263 : i32
        %lt3A_265 = arith.constant 0 : i32
        %lt3A_266 = arith.cmpi slt, %select_n3A_259, %lt3A_265 : i32
        %ne3A_267 = arith.xori %lt3A_264, %lt3A_266 : i1
        %and3A_268 = arith.andi %ne3A_267, %ne3A_262 : i1
        %add3A_269 = arith.addi %rem3A_260, %select_n3A_259 : i32
        %select_n3A_270 = arith.select %and3A_268, %add3A_269, %rem3A_260 : i32
        %dma_start3A_271 = arith.constant 0 : i32
        %dma_start3A_272 = arith.constant 0 : i32
        %dma_start3A_273 = tpu.memref_slice %arg8[%select_n3A_254, %dma_start3A_271, %dma_start3A_272] : memref<2x125x128xf32, #tpu.memory_space<vmem>> -> memref<1x125x128xf32, #tpu.memory_space<vmem>>
        %dma_start3A_274 = tpu.memref_squeeze %dma_start3A_273 : memref<1x125x128xf32, #tpu.memory_space<vmem>> -> memref<125x128xf32, #tpu.memory_space<vmem>>
        %dma_start3A_275 = arith.constant 0 : i32
        %dma_start3A_276 = tpu.memref_slice %arg6[%select_n3A_238, %dma_start3A_275] : memref<16x125xi32, #tpu.memory_space<vmem>> -> memref<1x125xi32, #tpu.memory_space<vmem>>
        %dma_start3A_277 = tpu.memref_squeeze %dma_start3A_276 : memref<1x125xi32, #tpu.memory_space<vmem>> -> memref<125xi32, #tpu.memory_space<vmem>>
        %dma_start3A_278 = arith.constant 0 : i32
        %dma_start3A_279 = arith.constant 0 : i32
        %dma_start3A_280 = tpu.memref_slice %arg2[%dma_start3A_278, %dma_start3A_279] : memref<10000x128xf32, #tpu.memory_space<hbm>> -> memref<10000x128xf32, #tpu.memory_space<hbm>>
        %dma_start3A_281 = tpu.memref_slice %arg10[%select_n3A_270] : memref<2x!tpu.dma_semaphore, #tpu.memory_space<semaphore_mem>> -> memref<1x!tpu.dma_semaphore, #tpu.memory_space<semaphore_mem>>
        %dma_start3A_282 = tpu.memref_squeeze %dma_start3A_281 : memref<1x!tpu.dma_semaphore, #tpu.memory_space<semaphore_mem>> -> memref<!tpu.dma_semaphore, #tpu.memory_space<semaphore_mem>>
        tpu.enqueue_indirect_dma source(%dma_start3A_280 : memref<10000x128xf32, #tpu.memory_space<hbm>>) target(%dma_start3A_274 : memref<125x128xf32, #tpu.memory_space<vmem>>) offsets(%dma_start3A_277 : memref<125xi32, #tpu.memory_space<vmem>>) semaphore(%dma_start3A_282 : memref<!tpu.dma_semaphore, #tpu.memory_space<semaphore_mem>>)
      } else {
      }
      %jit3A_117 = arith.constant 16 : i32
      %eq3A_118 = arith.constant 0 : i32
      %eq3A_119 = arith.cmpi eq, %jit3A_117, %eq3A_118 : i32
      %jit3A_120 = arith.constant 1 : i32
      %select_n3A_121 = arith.select %eq3A_119, %jit3A_120, %jit3A_117 : i32
      %rem3A_122 = arith.remsi %add3A_53, %select_n3A_121 : i32
      %ne3A_123 = arith.constant 0 : i32
      %ne3A_124 = arith.cmpi ne, %rem3A_122, %ne3A_123 : i32
      %lt3A_125 = arith.constant 0 : i32
      %lt3A_126 = arith.cmpi slt, %rem3A_122, %lt3A_125 : i32
      %lt3A_127 = arith.constant 0 : i32
      %lt3A_128 = arith.cmpi slt, %select_n3A_121, %lt3A_127 : i32
      %ne3A_129 = arith.xori %lt3A_126, %lt3A_128 : i1
      %and3A_130 = arith.andi %ne3A_129, %ne3A_124 : i1
      %add3A_131 = arith.addi %rem3A_122, %select_n3A_121 : i32
      %select_n3A_132 = arith.select %and3A_130, %add3A_131, %rem3A_122 : i32
      %eq3A_133 = arith.constant 0 : i32
      %eq3A_134 = arith.cmpi eq, %select_n3A_132, %eq3A_133 : i32
      %gt3A = arith.constant 0 : i32
      %gt3A_135 = arith.cmpi sgt, %add3A_53, %gt3A : i32
      %and3A_136 = arith.andi %eq3A_134, %gt3A_135 : i1
      %convert_element_type3A_137 = arith.extui %and3A_136 : i1 to i32
      %cond3A_138 = arith.constant 0 : i32
      %cond3A_139 = arith.cmpi ne, %convert_element_type3A_137, %cond3A_138 : i32
      scf.if %cond3A_139 {
        %mul3A_200 = arith.constant 80 : i32
        %mul3A_201 = arith.muli %add3A, %mul3A_200 : i32
        %add3A_202 = arith.addi %mul3A_201, %add3A_53 : i32
        %multiple_of3A = tpu.assume_multiple %add3A_202, 8 : i32
        "tpu.region"() ({
          %run_scoped3A = tpu.sem_alloc : memref<!tpu.dma_semaphore, #tpu.memory_space<semaphore_mem>>
          %dma_start3A_203 = arith.constant 0 : i32
          %dma_start3A_204 = tpu.memref_slice %arg4[%multiple_of3A, %dma_start3A_203] : memref<2560x125xi32, #tpu.memory_space<hbm>> -> memref<16x125xi32, #tpu.memory_space<hbm>>
          %dma_start3A_205 = arith.constant 0 : i32
          %dma_start3A_206 = tpu.memref_slice %arg4[%multiple_of3A, %dma_start3A_205] : memref<2560x125xi32, #tpu.memory_space<hbm>> -> memref<16x125xi32, #tpu.memory_space<hbm>>
          tpu.enqueue_dma source(%dma_start3A_206 : memref<16x125xi32, #tpu.memory_space<hbm>>) target(%arg7 : memref<16x125xi32, #tpu.memory_space<vmem>>) target_semaphore(%run_scoped3A : memref<!tpu.dma_semaphore, #tpu.memory_space<semaphore_mem>>)
          %dma_wait3A_207 = arith.constant 0 : i32
          %dma_wait3A_208 = tpu.memref_slice %arg4[%multiple_of3A, %dma_wait3A_207] : memref<2560x125xi32, #tpu.memory_space<hbm>> -> memref<16x125xi32, #tpu.memory_space<hbm>>
          %dma_wait3A_209 = arith.constant 0 : i32
          %dma_wait3A_210 = tpu.memref_slice %arg4[%multiple_of3A, %dma_wait3A_209] : memref<2560x125xi32, #tpu.memory_space<hbm>> -> memref<16x125xi32, #tpu.memory_space<hbm>>
          tpu.wait_dma2 semaphore(%run_scoped3A : memref<!tpu.dma_semaphore, #tpu.memory_space<semaphore_mem>>) src(%dma_wait3A_210 : memref<16x125xi32, #tpu.memory_space<hbm>>) dst(%arg7 : memref<16x125xi32, #tpu.memory_space<vmem>>)
          tpu.yield
        }) : () -> ()
      } else {
      }
      %jit3A_140 = arith.constant 2 : i32
      %eq3A_141 = arith.constant 0 : i32
      %eq3A_142 = arith.cmpi eq, %jit3A_140, %eq3A_141 : i32
      %jit3A_143 = arith.constant 1 : i32
      %select_n3A_144 = arith.select %eq3A_142, %jit3A_143, %jit3A_140 : i32
      %rem3A_145 = arith.remsi %add3A_53, %select_n3A_144 : i32
      %ne3A_146 = arith.constant 0 : i32
      %ne3A_147 = arith.cmpi ne, %rem3A_145, %ne3A_146 : i32
      %lt3A_148 = arith.constant 0 : i32
      %lt3A_149 = arith.cmpi slt, %rem3A_145, %lt3A_148 : i32
      %lt3A_150 = arith.constant 0 : i32
      %lt3A_151 = arith.cmpi slt, %select_n3A_144, %lt3A_150 : i32
      %ne3A_152 = arith.xori %lt3A_149, %lt3A_151 : i1
      %and3A_153 = arith.andi %ne3A_152, %ne3A_147 : i1
      %add3A_154 = arith.addi %rem3A_145, %select_n3A_144 : i32
      %select_n3A_155 = arith.select %and3A_153, %add3A_154, %rem3A_145 : i32
      %jit3A_156 = arith.constant 16 : i32
      %eq3A_157 = arith.constant 0 : i32
      %eq3A_158 = arith.cmpi eq, %jit3A_156, %eq3A_157 : i32
      %jit3A_159 = arith.constant 1 : i32
      %select_n3A_160 = arith.select %eq3A_158, %jit3A_159, %jit3A_156 : i32
      %rem3A_161 = arith.remsi %add3A_53, %select_n3A_160 : i32
      %ne3A_162 = arith.constant 0 : i32
      %ne3A_163 = arith.cmpi ne, %rem3A_161, %ne3A_162 : i32
      %lt3A_164 = arith.constant 0 : i32
      %lt3A_165 = arith.cmpi slt, %rem3A_161, %lt3A_164 : i32
      %lt3A_166 = arith.constant 0 : i32
      %lt3A_167 = arith.cmpi slt, %select_n3A_160, %lt3A_166 : i32
      %ne3A_168 = arith.xori %lt3A_165, %lt3A_167 : i1
      %and3A_169 = arith.andi %ne3A_168, %ne3A_163 : i1
      %add3A_170 = arith.addi %rem3A_161, %select_n3A_160 : i32
      %select_n3A_171 = arith.select %and3A_169, %add3A_170, %rem3A_161 : i32
      %jit3A_172 = arith.constant 2 : i32
      %eq3A_173 = arith.constant 0 : i32
      %eq3A_174 = arith.cmpi eq, %jit3A_172, %eq3A_173 : i32
      %jit3A_175 = arith.constant 1 : i32
      %select_n3A_176 = arith.select %eq3A_174, %jit3A_175, %jit3A_172 : i32
      %rem3A_177 = arith.remsi %add3A_53, %select_n3A_176 : i32
      %ne3A_178 = arith.constant 0 : i32
      %ne3A_179 = arith.cmpi ne, %rem3A_177, %ne3A_178 : i32
      %lt3A_180 = arith.constant 0 : i32
      %lt3A_181 = arith.cmpi slt, %rem3A_177, %lt3A_180 : i32
      %lt3A_182 = arith.constant 0 : i32
      %lt3A_183 = arith.cmpi slt, %select_n3A_176, %lt3A_182 : i32
      %ne3A_184 = arith.xori %lt3A_181, %lt3A_183 : i1
      %and3A_185 = arith.andi %ne3A_184, %ne3A_179 : i1
      %add3A_186 = arith.addi %rem3A_177, %select_n3A_176 : i32
      %select_n3A_187 = arith.select %and3A_185, %add3A_186, %rem3A_177 : i32
      %dma_start3A_188 = arith.constant 0 : i32
      %dma_start3A_189 = arith.constant 0 : i32
      %dma_start3A_190 = tpu.memref_slice %arg8[%select_n3A_155, %dma_start3A_188, %dma_start3A_189] : memref<2x125x128xf32, #tpu.memory_space<vmem>> -> memref<1x125x128xf32, #tpu.memory_space<vmem>>
      %dma_start3A_191 = tpu.memref_squeeze %dma_start3A_190 : memref<1x125x128xf32, #tpu.memory_space<vmem>> -> memref<125x128xf32, #tpu.memory_space<vmem>>
      %dma_start3A_192 = arith.constant 0 : i32
      %dma_start3A_193 = tpu.memref_slice %arg7[%select_n3A_171, %dma_start3A_192] : memref<16x125xi32, #tpu.memory_space<vmem>> -> memref<1x125xi32, #tpu.memory_space<vmem>>
      %dma_start3A_194 = tpu.memref_squeeze %dma_start3A_193 : memref<1x125xi32, #tpu.memory_space<vmem>> -> memref<125xi32, #tpu.memory_space<vmem>>
      %dma_start3A_195 = arith.constant 0 : i32
      %dma_start3A_196 = arith.constant 0 : i32
      %dma_start3A_197 = tpu.memref_slice %arg9[%dma_start3A_195, %dma_start3A_196] : memref<10000x128xf32, #tpu.memory_space<vmem_shared>> -> memref<10000x128xf32, #tpu.memory_space<vmem_shared>>
      %dma_start3A_198 = tpu.memref_slice %arg11[%select_n3A_187] : memref<2x!tpu.dma_semaphore, #tpu.memory_space<semaphore_mem>> -> memref<1x!tpu.dma_semaphore, #tpu.memory_space<semaphore_mem>>
      %dma_start3A_199 = tpu.memref_squeeze %dma_start3A_198 : memref<1x!tpu.dma_semaphore, #tpu.memory_space<semaphore_mem>> -> memref<!tpu.dma_semaphore, #tpu.memory_space<semaphore_mem>>
      tpu.enqueue_indirect_dma source(%dma_start3A_191 : memref<125x128xf32, #tpu.memory_space<vmem>>) target(%dma_start3A_197 : memref<10000x128xf32, #tpu.memory_space<vmem_shared>>) offsets(%dma_start3A_194 : memref<125xi32, #tpu.memory_space<vmem>>) semaphore(%dma_start3A_199 : memref<!tpu.dma_semaphore, #tpu.memory_space<semaphore_mem>>) {add = true}
    }
    %scan3A_26 = arith.constant 80 : i32
    %dma_wait3A = arith.constant 1 : i32
    %dma_wait3A_27 = arith.constant 15 : i32
    %dma_wait3A_28 = arith.constant 1 : i32
    %dma_wait3A_29 = arith.constant 0 : i32
    %dma_wait3A_30 = arith.constant 0 : i32
    %dma_wait3A_31 = tpu.memref_slice %arg8[%dma_wait3A, %dma_wait3A_29, %dma_wait3A_30] : memref<2x125x128xf32, #tpu.memory_space<vmem>> -> memref<1x125x128xf32, #tpu.memory_space<vmem>>
    %dma_wait3A_32 = tpu.memref_squeeze %dma_wait3A_31 : memref<1x125x128xf32, #tpu.memory_space<vmem>> -> memref<125x128xf32, #tpu.memory_space<vmem>>
    %dma_wait3A_33 = arith.constant 0 : i32
    %dma_wait3A_34 = tpu.memref_slice %arg7[%dma_wait3A_27, %dma_wait3A_33] : memref<16x125xi32, #tpu.memory_space<vmem>> -> memref<1x125xi32, #tpu.memory_space<vmem>>
    %dma_wait3A_35 = tpu.memref_squeeze %dma_wait3A_34 : memref<1x125xi32, #tpu.memory_space<vmem>> -> memref<125xi32, #tpu.memory_space<vmem>>
    %dma_wait3A_36 = arith.constant 0 : i32
    %dma_wait3A_37 = arith.constant 0 : i32
    %dma_wait3A_38 = tpu.memref_slice %arg9[%dma_wait3A_36, %dma_wait3A_37] : memref<10000x128xf32, #tpu.memory_space<vmem_shared>> -> memref<10000x128xf32, #tpu.memory_space<vmem_shared>>
    %dma_wait3A_39 = tpu.memref_slice %arg11[%dma_wait3A_28] : memref<2x!tpu.dma_semaphore, #tpu.memory_space<semaphore_mem>> -> memref<1x!tpu.dma_semaphore, #tpu.memory_space<semaphore_mem>>
    %dma_wait3A_40 = tpu.memref_squeeze %dma_wait3A_39 : memref<1x!tpu.dma_semaphore, #tpu.memory_space<semaphore_mem>> -> memref<!tpu.dma_semaphore, #tpu.memory_space<semaphore_mem>>
    tpu.wait_indirect_dma semaphore(%dma_wait3A_40 : memref<!tpu.dma_semaphore, #tpu.memory_space<semaphore_mem>>) src(%dma_wait3A_32 : memref<125x128xf32, #tpu.memory_space<vmem>>) dst(%dma_wait3A_38 : memref<10000x128xf32, #tpu.memory_space<vmem_shared>>)
    %barrier3A_41 = arith.constant 0 : index
    tpu.barrier barrier_id(%barrier3A_41)
    %mul3A_42 = arith.constant 624 : i32
    %mul3A_43 = arith.muli %arg1, %mul3A_42 : i32
    "tpu.region"() ({
      %run_scoped3A = tpu.sem_alloc : memref<!tpu.dma_semaphore, #tpu.memory_space<semaphore_mem>>
      %dma_start3A_49 = arith.constant 0 : i32
      %dma_start3A_50 = tpu.memref_slice %arg5[%arg0, %mul3A_43, %dma_start3A_49] : memref<2x10000x128xf32, #tpu.memory_space<hbm>> -> memref<1x624x128xf32, #tpu.memory_space<hbm>>
      %dma_start3A_51 = tpu.memref_squeeze %dma_start3A_50 : memref<1x624x128xf32, #tpu.memory_space<hbm>> -> memref<624x128xf32, #tpu.memory_space<hbm>>
      %dma_start3A_52 = arith.constant 0 : i32
      %dma_start3A_53 = tpu.memref_slice %arg9[%mul3A_43, %dma_start3A_52] : memref<10000x128xf32, #tpu.memory_space<vmem_shared>> -> memref<624x128xf32, #tpu.memory_space<vmem_shared>>
      tpu.enqueue_dma source(%dma_start3A_53 : memref<624x128xf32, #tpu.memory_space<vmem_shared>>) target(%dma_start3A_51 : memref<624x128xf32, #tpu.memory_space<hbm>>) target_semaphore(%run_scoped3A : memref<!tpu.dma_semaphore, #tpu.memory_space<semaphore_mem>>)
      %dma_wait3A_54 = arith.constant 0 : i32
      %dma_wait3A_55 = tpu.memref_slice %arg5[%arg0, %mul3A_43, %dma_wait3A_54] : memref<2x10000x128xf32, #tpu.memory_space<hbm>> -> memref<1x624x128xf32, #tpu.memory_space<hbm>>
      %dma_wait3A_56 = tpu.memref_squeeze %dma_wait3A_55 : memref<1x624x128xf32, #tpu.memory_space<hbm>> -> memref<624x128xf32, #tpu.memory_space<hbm>>
      %dma_wait3A_57 = arith.constant 0 : i32
      %dma_wait3A_58 = tpu.memref_slice %arg9[%mul3A_43, %dma_wait3A_57] : memref<10000x128xf32, #tpu.memory_space<vmem_shared>> -> memref<624x128xf32, #tpu.memory_space<vmem_shared>>
      tpu.wait_dma2 semaphore(%run_scoped3A : memref<!tpu.dma_semaphore, #tpu.memory_space<semaphore_mem>>) src(%dma_wait3A_58 : memref<624x128xf32, #tpu.memory_space<vmem_shared>>) dst(%dma_wait3A_56 : memref<624x128xf32, #tpu.memory_space<hbm>>)
      tpu.yield
    }) : () -> ()
    %lt3A_44 = arith.constant 2 : i32
    %lt3A_45 = arith.cmpi slt, %arg1, %lt3A_44 : i32
    %convert_element_type3A_46 = arith.extui %lt3A_45 : i1 to i32
    %cond3A_47 = arith.constant 0 : i32
    %cond3A_48 = arith.cmpi ne, %convert_element_type3A_46, %cond3A_47 : i32
    scf.if %cond3A_48 {
      %mul3A_49 = arith.constant 8 : i32
      %mul3A_50 = arith.muli %arg1, %mul3A_49 : i32
      %add3A_51 = arith.constant 9984 : i32
      %add3A_52 = arith.addi %add3A_51, %mul3A_50 : i32
      "tpu.region"() ({
        %run_scoped3A = tpu.sem_alloc : memref<!tpu.dma_semaphore, #tpu.memory_space<semaphore_mem>>
        %dma_start3A_53 = arith.constant 0 : i32
        %dma_start3A_54 = tpu.memref_slice %arg5[%arg0, %add3A_52, %dma_start3A_53] : memref<2x10000x128xf32, #tpu.memory_space<hbm>> -> memref<1x8x128xf32, #tpu.memory_space<hbm>>
        %dma_start3A_55 = tpu.memref_squeeze %dma_start3A_54 : memref<1x8x128xf32, #tpu.memory_space<hbm>> -> memref<8x128xf32, #tpu.memory_space<hbm>>
        %dma_start3A_56 = arith.constant 0 : i32
        %dma_start3A_57 = tpu.memref_slice %arg9[%add3A_52, %dma_start3A_56] : memref<10000x128xf32, #tpu.memory_space<vmem_shared>> -> memref<8x128xf32, #tpu.memory_space<vmem_shared>>
        tpu.enqueue_dma source(%dma_start3A_57 : memref<8x128xf32, #tpu.memory_space<vmem_shared>>) target(%dma_start3A_55 : memref<8x128xf32, #tpu.memory_space<hbm>>) target_semaphore(%run_scoped3A : memref<!tpu.dma_semaphore, #tpu.memory_space<semaphore_mem>>)
        %dma_wait3A_58 = arith.constant 0 : i32
        %dma_wait3A_59 = tpu.memref_slice %arg5[%arg0, %add3A_52, %dma_wait3A_58] : memref<2x10000x128xf32, #tpu.memory_space<hbm>> -> memref<1x8x128xf32, #tpu.memory_space<hbm>>
        %dma_wait3A_60 = tpu.memref_squeeze %dma_wait3A_59 : memref<1x8x128xf32, #tpu.memory_space<hbm>> -> memref<8x128xf32, #tpu.memory_space<hbm>>
        %dma_wait3A_61 = arith.constant 0 : i32
        %dma_wait3A_62 = tpu.memref_slice %arg9[%add3A_52, %dma_wait3A_61] : memref<10000x128xf32, #tpu.memory_space<vmem_shared>> -> memref<8x128xf32, #tpu.memory_space<vmem_shared>>
        tpu.wait_dma2 semaphore(%run_scoped3A : memref<!tpu.dma_semaphore, #tpu.memory_space<semaphore_mem>>) src(%dma_wait3A_62 : memref<8x128xf32, #tpu.memory_space<vmem_shared>>) dst(%dma_wait3A_60 : memref<8x128xf32, #tpu.memory_space<hbm>>)
        tpu.yield
      }) : () -> ()
    } else {
    }
    return
  }
}

module attributes {stable_mosaic.version = 14 : i64} {
  func.func @body(%arg0: memref<10000x128xf32, #tpu.memory_space<vmem>>, %arg1: memref<128x128xf32, #tpu.memory_space<vmem>>, %arg2: memref<2x10000x1xf32, #tpu.memory_space<vmem>>, %arg3: memref<10000x128xf32, #tpu.memory_space<vmem>>, %arg4: memref<10000x128xf32, #tpu.memory_space<vmem>>) attributes {dimension_semantics = [], scalar_prefetch = 0 : i64, scratch_operands = 0 : i64, tpu.core_type = #tpu.core_type<tc>} {
    %get3A = arith.constant 0 : index
    %get3A_0 = arith.constant 0 : index
    %get3A_1 = arith.constant 0 : index
    %get3A_2 = vector.load %arg2[%get3A, %get3A_0, %get3A_1] : memref<2x10000x1xf32, #tpu.memory_space<vmem>>, vector<1x10000x1xf32>
    %get3A_3 = vector.shape_cast %get3A_2 : vector<1x10000x1xf32> to vector<10000x1xf32>
    %get3A_4 = arith.constant 1 : index
    %get3A_5 = arith.constant 0 : index
    %get3A_6 = arith.constant 0 : index
    %get3A_7 = vector.load %arg2[%get3A_4, %get3A_5, %get3A_6] : memref<2x10000x1xf32, #tpu.memory_space<vmem>>, vector<1x10000x1xf32>
    %get3A_8 = vector.shape_cast %get3A_7 : vector<1x10000x1xf32> to vector<10000x1xf32>
    %add3A = arith.addf %get3A_3, %get3A_8 : vector<10000x1xf32>
    %add3A_9 = arith.constant 1.000000e+00 : f32
    %add3A_10 = vector.broadcast %add3A_9 : f32 to vector<10000x1xf32>
    %add3A_11 = arith.addf %add3A, %add3A_10 : vector<10000x1xf32>
    %rsqrt3A = math.rsqrt %add3A_11 : vector<10000x1xf32>
    %broadcast_in_dim3A = vector.shape_cast %rsqrt3A : vector<10000x1xf32> to vector<10000x1xf32>
    %broadcast_in_dim3A_12 = vector.broadcast %broadcast_in_dim3A : vector<10000x1xf32> to vector<10000x128xf32>
    %swap3A = arith.constant 0 : index
    %swap3A_13 = arith.constant 0 : index
    %swap3A_14 = vector.load %arg4[%swap3A, %swap3A_13] : memref<10000x128xf32, #tpu.memory_space<vmem>>, vector<10000x128xf32>
    tpu.vector_store %arg4[%swap3A, %swap3A_13], %broadcast_in_dim3A_12 {strides = array<i32>} : memref<10000x128xf32, #tpu.memory_space<vmem>>, vector<10000x128xf32>,
    %get3A_15 = arith.constant 0 : index
    %get3A_16 = arith.constant 0 : index
    %get3A_17 = vector.load %arg0[%get3A_15, %get3A_16] : memref<10000x128xf32, #tpu.memory_space<vmem>>, vector<10000x128xf32>
    %get3A_18 = arith.constant 0 : index
    %get3A_19 = arith.constant 0 : index
    %get3A_20 = vector.load %arg1[%get3A_18, %get3A_19] : memref<128x128xf32, #tpu.memory_space<vmem>>, vector<128x128xf32>
    %dot_general3A = arith.constant dense<0.000000e+00> : vector<10000x128xf32>
    %dot_general3A_21 = tpu.matmul %get3A_17, %get3A_20, %dot_general3A {dimension_numbers = #tpu.dot_dimension_numbers<[1], [0], [0], [1], [0, 0, 1, 1], [], []>, transpose_lhs_hint = false} : vector<10000x128xf32>, vector<128x128xf32>, vector<10000x128xf32> -> vector<10000x128xf32>
    %mul3A = arith.mulf %broadcast_in_dim3A_12, %dot_general3A_21 : vector<10000x128xf32>
    %swap3A_22 = arith.constant 0 : index
    %swap3A_23 = arith.constant 0 : index
    %swap3A_24 = vector.load %arg3[%swap3A_22, %swap3A_23] : memref<10000x128xf32, #tpu.memory_space<vmem>>, vector<10000x128xf32>
    tpu.vector_store %arg3[%swap3A_22, %swap3A_23], %mul3A {strides = array<i32>} : memref<10000x128xf32, #tpu.memory_space<vmem>>, vector<10000x128xf32>,
    return
  }
}

module attributes {stable_mosaic.version = 14 : i64} {
  func.func @body(%arg0: memref<2x10000x128xf32, #tpu.memory_space<vmem>>, %arg1: memref<10000x128xf32, #tpu.memory_space<vmem>>, %arg2: memref<10000x128xf32, #tpu.memory_space<vmem>>, %arg3: memref<1x128xf32, #tpu.memory_space<vmem>>, %arg4: memref<1x128xf32, #tpu.memory_space<vmem>>, %arg5: memref<1x128xf32, #tpu.memory_space<vmem>>, %arg6: memref<128x128xf32, #tpu.memory_space<vmem>>, %arg7: memref<10000x128xf32, #tpu.memory_space<vmem>>) attributes {dimension_semantics = [], scalar_prefetch = 0 : i64, scratch_operands = 0 : i64, tpu.core_type = #tpu.core_type<tc>} {
    %get3A = arith.constant 0 : index
    %get3A_0 = arith.constant 0 : index
    %get3A_1 = vector.load %arg2[%get3A, %get3A_0] : memref<10000x128xf32, #tpu.memory_space<vmem>>, vector<10000x128xf32>
    %get3A_2 = arith.constant 0 : index
    %get3A_3 = arith.constant 0 : index
    %get3A_4 = arith.constant 0 : index
    %get3A_5 = vector.load %arg0[%get3A_2, %get3A_3, %get3A_4] : memref<2x10000x128xf32, #tpu.memory_space<vmem>>, vector<1x10000x128xf32>
    %get3A_6 = vector.shape_cast %get3A_5 : vector<1x10000x128xf32> to vector<10000x128xf32>
    %get3A_7 = arith.constant 1 : index
    %get3A_8 = arith.constant 0 : index
    %get3A_9 = arith.constant 0 : index
    %get3A_10 = vector.load %arg0[%get3A_7, %get3A_8, %get3A_9] : memref<2x10000x128xf32, #tpu.memory_space<vmem>>, vector<1x10000x128xf32>
    %get3A_11 = vector.shape_cast %get3A_10 : vector<1x10000x128xf32> to vector<10000x128xf32>
    %add3A = arith.addf %get3A_6, %get3A_11 : vector<10000x128xf32>
    %get3A_12 = arith.constant 0 : index
    %get3A_13 = arith.constant 0 : index
    %get3A_14 = vector.load %arg1[%get3A_12, %get3A_13] : memref<10000x128xf32, #tpu.memory_space<vmem>>, vector<10000x128xf32>
    %sub3A = arith.subf %add3A, %get3A_14 : vector<10000x128xf32>
    %mul3A = arith.mulf %get3A_1, %sub3A : vector<10000x128xf32>
    %get3A_15 = arith.constant 0 : index
    %get3A_16 = arith.constant 0 : index
    %get3A_17 = vector.load %arg3[%get3A_15, %get3A_16] : memref<1x128xf32, #tpu.memory_space<vmem>>, vector<1x128xf32>
    %add3A_18 = vector.broadcast %get3A_17 : vector<1x128xf32> to vector<10000x128xf32>
    %add3A_19 = arith.addf %mul3A, %add3A_18 : vector<10000x128xf32>
    %reduce_sum3A = arith.constant dense<0.000000e+00> : vector<128xf32>
    %reduce_sum3A_20 = vector.multi_reduction <add>, %add3A_19, %reduce_sum3A [0] : vector<10000x128xf32> to vector<128xf32>
    %broadcast_in_dim3A = vector.shape_cast %reduce_sum3A_20 : vector<128xf32> to vector<1x128xf32>
    %div3A = arith.constant 1.000000e+04 : f32
    %div3A_21 = vector.broadcast %div3A : f32 to vector<1x128xf32>
    %div3A_22 = arith.divf %broadcast_in_dim3A, %div3A_21 : vector<1x128xf32>
    %sub3A_23 = vector.broadcast %div3A_22 : vector<1x128xf32> to vector<10000x128xf32>
    %sub3A_24 = arith.subf %add3A_19, %sub3A_23 : vector<10000x128xf32>
    %integer_pow3A = arith.mulf %sub3A_24, %sub3A_24 : vector<10000x128xf32>
    %reduce_sum3A_25 = arith.constant dense<0.000000e+00> : vector<128xf32>
    %reduce_sum3A_26 = vector.multi_reduction <add>, %integer_pow3A, %reduce_sum3A_25 [0] : vector<10000x128xf32> to vector<128xf32>
    %broadcast_in_dim3A_27 = vector.shape_cast %reduce_sum3A_26 : vector<128xf32> to vector<1x128xf32>
    %div3A_28 = arith.constant 1.000000e+04 : f32
    %div3A_29 = vector.broadcast %div3A_28 : f32 to vector<1x128xf32>
    %div3A_30 = arith.divf %broadcast_in_dim3A_27, %div3A_29 : vector<1x128xf32>
    %sub3A_31 = vector.broadcast %div3A_22 : vector<1x128xf32> to vector<10000x128xf32>
    %sub3A_32 = arith.subf %add3A_19, %sub3A_31 : vector<10000x128xf32>
    %add3A_33 = arith.constant 9.99999974E-6 : f32
    %add3A_34 = vector.broadcast %add3A_33 : f32 to vector<1x128xf32>
    %add3A_35 = arith.addf %div3A_30, %add3A_34 : vector<1x128xf32>
    %rsqrt3A = math.rsqrt %add3A_35 : vector<1x128xf32>
    %mul3A_36 = vector.broadcast %rsqrt3A : vector<1x128xf32> to vector<10000x128xf32>
    %mul3A_37 = arith.mulf %sub3A_32, %mul3A_36 : vector<10000x128xf32>
    %get3A_38 = arith.constant 0 : index
    %get3A_39 = arith.constant 0 : index
    %get3A_40 = vector.load %arg4[%get3A_38, %get3A_39] : memref<1x128xf32, #tpu.memory_space<vmem>>, vector<1x128xf32>
    %mul3A_41 = vector.broadcast %get3A_40 : vector<1x128xf32> to vector<10000x128xf32>
    %mul3A_42 = arith.mulf %mul3A_37, %mul3A_41 : vector<10000x128xf32>
    %get3A_43 = arith.constant 0 : index
    %get3A_44 = arith.constant 0 : index
    %get3A_45 = vector.load %arg5[%get3A_43, %get3A_44] : memref<1x128xf32, #tpu.memory_space<vmem>>, vector<1x128xf32>
    %add3A_46 = vector.broadcast %get3A_45 : vector<1x128xf32> to vector<10000x128xf32>
    %add3A_47 = arith.addf %mul3A_42, %add3A_46 : vector<10000x128xf32>
    %max3A = arith.constant 0.000000e+00 : f32
    %max3A_48 = vector.broadcast %max3A : f32 to vector<10000x128xf32>
    %max3A_49 = arith.maximumf %add3A_47, %max3A_48 : vector<10000x128xf32>
    %get3A_50 = arith.constant 0 : index
    %get3A_51 = arith.constant 0 : index
    %get3A_52 = vector.load %arg6[%get3A_50, %get3A_51] : memref<128x128xf32, #tpu.memory_space<vmem>>, vector<128x128xf32>
    %dot_general3A = arith.constant dense<0.000000e+00> : vector<10000x128xf32>
    %dot_general3A_53 = tpu.matmul %max3A_49, %get3A_52, %dot_general3A {dimension_numbers = #tpu.dot_dimension_numbers<[1], [0], [0], [1], [0, 0, 1, 1], [], []>, transpose_lhs_hint = false} : vector<10000x128xf32>, vector<128x128xf32>, vector<10000x128xf32> -> vector<10000x128xf32>
    %mul3A_54 = arith.mulf %get3A_1, %dot_general3A_53 : vector<10000x128xf32>
    %swap3A = arith.constant 0 : index
    %swap3A_55 = arith.constant 0 : index
    %swap3A_56 = vector.load %arg7[%swap3A, %swap3A_55] : memref<10000x128xf32, #tpu.memory_space<vmem>>, vector<10000x128xf32>
    tpu.vector_store %arg7[%swap3A, %swap3A_55], %mul3A_54 {strides = array<i32>} : memref<10000x128xf32, #tpu.memory_space<vmem>>, vector<10000x128xf32>,
    return
  }
}

module attributes {stable_mosaic.version = 14 : i64} {
  func.func @body(%arg0: memref<2x10000x128xf32, #tpu.memory_space<vmem>>, %arg1: memref<10000x128xf32, #tpu.memory_space<vmem>>, %arg2: memref<10000x128xf32, #tpu.memory_space<vmem>>, %arg3: memref<1x128xf32, #tpu.memory_space<vmem>>, %arg4: memref<128x128xf32, #tpu.memory_space<vmem>>, %arg5: memref<10000x128xf32, #tpu.memory_space<vmem>>) attributes {dimension_semantics = [], scalar_prefetch = 0 : i64, scratch_operands = 0 : i64, tpu.core_type = #tpu.core_type<tc>} {
    %get3A = arith.constant 0 : index
    %get3A_0 = arith.constant 0 : index
    %get3A_1 = vector.load %arg2[%get3A, %get3A_0] : memref<10000x128xf32, #tpu.memory_space<vmem>>, vector<10000x128xf32>
    %get3A_2 = arith.constant 0 : index
    %get3A_3 = arith.constant 0 : index
    %get3A_4 = arith.constant 0 : index
    %get3A_5 = vector.load %arg0[%get3A_2, %get3A_3, %get3A_4] : memref<2x10000x128xf32, #tpu.memory_space<vmem>>, vector<1x10000x128xf32>
    %get3A_6 = vector.shape_cast %get3A_5 : vector<1x10000x128xf32> to vector<10000x128xf32>
    %get3A_7 = arith.constant 1 : index
    %get3A_8 = arith.constant 0 : index
    %get3A_9 = arith.constant 0 : index
    %get3A_10 = vector.load %arg0[%get3A_7, %get3A_8, %get3A_9] : memref<2x10000x128xf32, #tpu.memory_space<vmem>>, vector<1x10000x128xf32>
    %get3A_11 = vector.shape_cast %get3A_10 : vector<1x10000x128xf32> to vector<10000x128xf32>
    %add3A = arith.addf %get3A_6, %get3A_11 : vector<10000x128xf32>
    %get3A_12 = arith.constant 0 : index
    %get3A_13 = arith.constant 0 : index
    %get3A_14 = vector.load %arg1[%get3A_12, %get3A_13] : memref<10000x128xf32, #tpu.memory_space<vmem>>, vector<10000x128xf32>
    %sub3A = arith.subf %add3A, %get3A_14 : vector<10000x128xf32>
    %mul3A = arith.mulf %get3A_1, %sub3A : vector<10000x128xf32>
    %get3A_15 = arith.constant 0 : index
    %get3A_16 = arith.constant 0 : index
    %get3A_17 = vector.load %arg3[%get3A_15, %get3A_16] : memref<1x128xf32, #tpu.memory_space<vmem>>, vector<1x128xf32>
    %add3A_18 = vector.broadcast %get3A_17 : vector<1x128xf32> to vector<10000x128xf32>
    %add3A_19 = arith.addf %mul3A, %add3A_18 : vector<10000x128xf32>
    %get3A_20 = arith.constant 0 : index
    %get3A_21 = arith.constant 0 : index
    %get3A_22 = vector.load %arg4[%get3A_20, %get3A_21] : memref<128x128xf32, #tpu.memory_space<vmem>>, vector<128x128xf32>
    %dot_general3A = arith.constant dense<0.000000e+00> : vector<10000x128xf32>
    %dot_general3A_23 = tpu.matmul %add3A_19, %get3A_22, %dot_general3A {dimension_numbers = #tpu.dot_dimension_numbers<[1], [0], [0], [1], [0, 0, 1, 1], [], []>, transpose_lhs_hint = false} : vector<10000x128xf32>, vector<128x128xf32>, vector<10000x128xf32> -> vector<10000x128xf32>
    %mul3A_24 = arith.mulf %get3A_1, %dot_general3A_23 : vector<10000x128xf32>
    %swap3A = arith.constant 0 : index
    %swap3A_25 = arith.constant 0 : index
    %swap3A_26 = vector.load %arg5[%swap3A, %swap3A_25] : memref<10000x128xf32, #tpu.memory_space<vmem>>, vector<10000x128xf32>
    tpu.vector_store %arg5[%swap3A, %swap3A_25], %mul3A_24 {strides = array<i32>} : memref<10000x128xf32, #tpu.memory_space<vmem>>, vector<10000x128xf32>,
    return
  }
}

module attributes {stable_mosaic.version = 14 : i64} {
  func.func @body(%arg0: memref<2x10000x128xf32, #tpu.memory_space<vmem>>, %arg1: memref<10000x128xf32, #tpu.memory_space<vmem>>, %arg2: memref<10000x128xf32, #tpu.memory_space<vmem>>, %arg3: memref<1x128xf32, #tpu.memory_space<vmem>>, %arg4: memref<10000x128xf32, #tpu.memory_space<vmem>>) attributes {dimension_semantics = [], scalar_prefetch = 0 : i64, scratch_operands = 0 : i64, tpu.core_type = #tpu.core_type<tc>} {
    %get3A = arith.constant 0 : index
    %get3A_0 = arith.constant 0 : index
    %get3A_1 = arith.constant 0 : index
    %get3A_2 = vector.load %arg0[%get3A, %get3A_0, %get3A_1] : memref<2x10000x128xf32, #tpu.memory_space<vmem>>, vector<1x10000x128xf32>
    %get3A_3 = vector.shape_cast %get3A_2 : vector<1x10000x128xf32> to vector<10000x128xf32>
    %get3A_4 = arith.constant 1 : index
    %get3A_5 = arith.constant 0 : index
    %get3A_6 = arith.constant 0 : index
    %get3A_7 = vector.load %arg0[%get3A_4, %get3A_5, %get3A_6] : memref<2x10000x128xf32, #tpu.memory_space<vmem>>, vector<1x10000x128xf32>
    %get3A_8 = vector.shape_cast %get3A_7 : vector<1x10000x128xf32> to vector<10000x128xf32>
    %add3A = arith.addf %get3A_3, %get3A_8 : vector<10000x128xf32>
    %get3A_9 = arith.constant 0 : index
    %get3A_10 = arith.constant 0 : index
    %get3A_11 = vector.load %arg1[%get3A_9, %get3A_10] : memref<10000x128xf32, #tpu.memory_space<vmem>>, vector<10000x128xf32>
    %sub3A = arith.subf %add3A, %get3A_11 : vector<10000x128xf32>
    %get3A_12 = arith.constant 0 : index
    %get3A_13 = arith.constant 0 : index
    %get3A_14 = vector.load %arg2[%get3A_12, %get3A_13] : memref<10000x128xf32, #tpu.memory_space<vmem>>, vector<10000x128xf32>
    %mul3A = arith.mulf %get3A_14, %sub3A : vector<10000x128xf32>
    %get3A_15 = arith.constant 0 : index
    %get3A_16 = arith.constant 0 : index
    %get3A_17 = vector.load %arg3[%get3A_15, %get3A_16] : memref<1x128xf32, #tpu.memory_space<vmem>>, vector<1x128xf32>
    %add3A_18 = vector.broadcast %get3A_17 : vector<1x128xf32> to vector<10000x128xf32>
    %add3A_19 = arith.addf %mul3A, %add3A_18 : vector<10000x128xf32>
    %reduce_max3A = arith.constant dense<0xFF800000> : vector<10000xf32>
    %reduce_max3A_20 = vector.multi_reduction <maximumf>, %add3A_19, %reduce_max3A [1] : vector<10000x128xf32> to vector<10000xf32>
    %broadcast_in_dim3A = vector.shape_cast %reduce_max3A_20 : vector<10000xf32> to vector<10000x1xf32>
    %sub3A_21 = vector.broadcast %broadcast_in_dim3A : vector<10000x1xf32> to vector<10000x128xf32>
    %sub3A_22 = arith.subf %add3A_19, %sub3A_21 : vector<10000x128xf32>
    %exp3A = math.exp %sub3A_22 : vector<10000x128xf32>
    %reduce_sum3A = arith.constant dense<0.000000e+00> : vector<10000xf32>
    %reduce_sum3A_23 = vector.multi_reduction <add>, %exp3A, %reduce_sum3A [1] : vector<10000x128xf32> to vector<10000xf32>
    %broadcast_in_dim3A_24 = vector.shape_cast %reduce_sum3A_23 : vector<10000xf32> to vector<10000x1xf32>
    %log3A = math.log %broadcast_in_dim3A_24 : vector<10000x1xf32>
    %add3A_25 = arith.addf %log3A, %broadcast_in_dim3A : vector<10000x1xf32>
    %sub3A_26 = vector.broadcast %add3A_25 : vector<10000x1xf32> to vector<10000x128xf32>
    %sub3A_27 = arith.subf %add3A_19, %sub3A_26 : vector<10000x128xf32>
    %swap3A = arith.constant 0 : index
    %swap3A_28 = arith.constant 0 : index
    %swap3A_29 = vector.load %arg4[%swap3A, %swap3A_28] : memref<10000x128xf32, #tpu.memory_space<vmem>>, vector<10000x128xf32>
    tpu.vector_store %arg4[%swap3A, %swap3A_28], %sub3A_27 {strides = array<i32>} : memref<10000x128xf32, #tpu.memory_space<vmem>>, vector<10000x128xf32>,
    return
  }
}

</mosaic_0001>

<sc_bundles>
// kernel: kernel.10.cloned.1.call-start
scs
__scs_entry_jumppad:
0x0: {  	(pc) =	sbr.rel $0x88, $3  }
0x1: {  	(tag) =	ssettag $0x0;
	lr =	simm.s32 $0x1  }
0x2: {  	[smem:$0x3F97] =	sst lr;
	_ =	strace $0xD0000000  }
0x3: {  	_ = 	snop  }
0x4: {  	_ = 	snop  }
0x5: {  	_ = 	snop  }
0x6: {  	_ = 	snop  }
0x7: {  	_ = 	snop  }
__scs_overlays_trampoline_lowered:
0x8: {  	[smem:$0x3FA6] =	sst s0  }
0x9: {  	[smem:$0x3FA7] =	sst s1  }
0xa: {  	[smem:$0x3FA8] =	sst s2  }
0xb: {  	[smem:$0x3FA9] =	sst s3  }
0xc: {  	[smem:$0x3FAA] =	sst s4  }
0xd: {  	[smem:$0x3FAB] =	sst s5  }
0xe: {  	[smem:$0x3FAC] =	sst s6  }
0xf: {  	[smem:$0x3FAD] =	sst s7  }
0x10: {  	[smem:$0x3FAE] =	sst s8  }
0x11: {  	[smem:$0x3FAF] =	sst s9;
	s0 =	simm.s32 @!p0 $0x0  }
0x12: {  	s1 =	sld [smem:$0x3F95];
	s0 =	simm.s32 @p0 $0x1  }
0x13: {  	[smem:$0x3FB0] =	sst s0;
	s0 =	simm.s32 @!p1 $0x0  }
0x14: {  	s2 =	sld [smem:$0x3F94];
	s0 =	simm.s32 @p1 $0x1  }
0x15: {  	[smem:$0x3FB1] =	sst s0;
	s0 =	simm.s32 @!p2 $0x0  }
0x16: {  	s3 =	sld [smem:$0x3FDB];
	s0 =	simm.s32 @p2 $0x1  }
0x17: {  	s4 =	simm.s32 $0x1BF5;
	[smem:$0x3FB3] =	sst s0  }
0x18: {  	s0 =	sld [smem:$0x3F96];
	_ =	swait.ge [sflag:s4], $0x0  }
0x19: {  	s7 =	sld [smem:$0x3F97]  }
0x1a: {  	s8 =	sadd.s32 $0xFFFFE003, lr  }
0x1b: {  	s9 =	sadd.s32 $0xFFFFFEF7, lr;
	s5 =	simm.s32 $0xFFFFFFFF;
	p2 =	slt.u32 s8, $0xFFFFF086  }
0x1c: {  	p1 =	slt.u32 s9, $0xF7A;
	s5 =	simm.s32 @!p2 $0x0  }
0x1d: {  	s5 =	simm.s32 @p1 $0x1;
	p0 =	seq.s32 s7, s2  }
0x1e: {  	s7 =	smul.u32 @!p0 $0xF7A, s2;
	p2 =	seq.s32 @!p0 s5, $0x0  }
0x1f: {  	s9 =	smul.u32 $0xF7A, s1;
	s8 =	simm.s32 @!p0 $0x1BF5;
	p2 =	por !p2, p0  }
0x20: {  	[sflag:s8] =	ssyncset.s32 @!p0 $0xFFFFF086;
	s6 =	sadd.s32 @!p0 s3, s7;
	s7 =	simm.s32 @!p0 $0x108  }
0x21: {  	s3 =	sadd.s32 s3, s9;
	s6 =	sadd.s32 @!p0 $0x88, s6;
	s7 =	simm.s32 @p2 $0x1082  }
0x22: {  	[simem:s7], [sflag:s8] =	dma.local @!p0 [hbm:s6], $0xF7A  }
0x23: {  	s9 =	sor.u32 $0xD0000000, s2;
	s6 =	simm.s32 $0x108;
	_ =	swait.ge @!p0 [sflag:s8], $0x0  }
0x24: {  	s3 =	sadd.s32 $0x88, s3;
	s6 =	simm.s32 @!p1 $0x1082;
	[sflag:s4] =	ssyncset.s32 $0xFFFFF086  }
0x25: {  	[simem:s6], [sflag:s4] =	dma.local [hbm:s3], $0xF7A  }
0x26: {  	[smem:$0x3F97] =	sst s1;
	(tag) =	ssettag s2;
	_ =	strace s9  }
0x27: {  	s1 =	sld [smem:$0x3FA7]  }
0x28: {  	s2 =	sld [smem:$0x3FA8]  }
0x29: {  	s4 =	sld [smem:$0x3FAA]  }
0x2a: {  	p0 =	seq.s32 s5, $0x0;
	s5 =	sld [smem:$0x3FAB]  }
0x2b: {  	s6 =	sld [smem:$0x3FAC]  }
0x2c: {  	s7 =	sld [smem:$0x3FAD]  }
0x2d: {  	s3 =	simm.s32 $0x108;
	s8 =	sld [smem:$0x3FAE]  }
0x2e: {  	s3 =	simm.s32 @!p0 $0x1082;
	s9 =	sld [smem:$0x3FAF]  }
0x2f: {  	lr =	sadd.s32 s0, s3;
	s0 =	sld [smem:$0x3FA6]  }
0x30: {  	s3 =	sld [smem:$0x3FA9]  }
0x31: {  	[smem:$0x3FB2] =	sst s10  }
0x32: {  	s10 =	sld [smem:$0x3FB0];
	_ =	sdelay $0x3  }
0x33: {  	p0 =	seq.s32 s10, $0x1;
	s10 =	sld [smem:$0x3FB2];
	_ =	sdelay $0x3  }
0x34: {  	[smem:$0x3FB2] =	sst s10  }
0x35: {  	s10 =	sld [smem:$0x3FB1];
	_ =	sdelay $0x3  }
0x36: {  	p1 =	seq.s32 s10, $0x1;
	s10 =	sld [smem:$0x3FB2];
	_ =	sdelay $0x3  }
0x37: {  	[smem:$0x3FB2] =	sst s10  }
0x38: {  	s10 =	sld [smem:$0x3FB3]  }
0x39: {  	_ = 	snop;
	(pc) =	sbr.ind lr, $3  }
0x3a: {  	_ = 	snop  }
0x3b: {  	_ = 	snop  }
0x3c: {  	p2 =	seq.s32 s10, $0x1;
	s10 =	sld [smem:$0x3FB2]  }
0x3d: {  	_ =	shalt  }
0x3e: {  	_ =	shalt  }
0x3f: {  	_ =	shalt  }
0x40: {  	_ =	shalt  }
0x41: {  	_ =	shalt  }
0x42: {  	_ =	shalt  }
0x43: {  	_ =	shalt  }
0x44: {  	_ =	shalt  }
0x45: {  	_ =	shalt  }
0x46: {  	_ =	shalt  }
0x47: {  	_ =	shalt  }
0x48: {  	_ =	shalt  }
0x49: {  	_ =	shalt  }
0x4a: {  	_ =	shalt  }
0x4b: {  	_ =	shalt  }
0x4c: {  	_ =	shalt  }
0x4d: {  	_ =	shalt  }
0x4e: {  	_ =	shalt  }
0x4f: {  	_ =	shalt  }
0x50: {  	_ =	shalt  }
0x51: {  	_ =	shalt  }
0x52: {  	_ =	shalt  }
0x53: {  	_ =	shalt  }
0x54: {  	_ =	shalt  }
0x55: {  	_ =	shalt  }
0x56: {  	_ =	shalt  }
0x57: {  	_ =	shalt  }
0x58: {  	_ =	shalt  }
0x59: {  	_ =	shalt  }
0x5a: {  	_ =	shalt  }
0x5b: {  	_ =	shalt  }
0x5c: {  	_ =	shalt  }
0x5d: {  	_ =	shalt  }
0x5e: {  	_ =	shalt  }
0x5f: {  	_ =	shalt  }
0x60: {  	_ =	shalt  }
0x61: {  	_ =	shalt  }
0x62: {  	_ =	shalt  }
0x63: {  	_ =	shalt  }
0x64: {  	_ =	shalt  }
0x65: {  	_ =	shalt  }
0x66: {  	_ =	shalt  }
0x67: {  	_ =	shalt  }
0x68: {  	_ =	shalt  }
0x69: {  	_ =	shalt  }
0x6a: {  	_ =	shalt  }
0x6b: {  	_ =	shalt  }
0x6c: {  	_ =	shalt  }
0x6d: {  	_ =	shalt  }
0x6e: {  	_ =	shalt  }
0x6f: {  	_ =	shalt  }
0x70: {  	_ =	shalt  }
0x71: {  	_ =	shalt  }
0x72: {  	_ =	shalt  }
0x73: {  	_ =	shalt  }
0x74: {  	_ =	shalt  }
0x75: {  	_ =	shalt  }
0x76: {  	_ =	shalt  }
0x77: {  	_ =	shalt  }
0x78: {  	_ =	shalt  }
0x79: {  	_ =	shalt  }
0x7a: {  	_ =	shalt  }
0x7b: {  	_ =	shalt  }
0x7c: {  	_ =	shalt  }
0x7d: {  	_ =	shalt  }
0x7e: {  	_ =	shalt  }
0x7f: {  	_ =	shalt  }
0x80: {  	_ =	shalt  }
0x81: {  	_ =	shalt  }
0x82: {  	_ =	shalt  }
0x83: {  	_ =	shalt  }
0x84: {  	_ =	shalt  }
0x85: {  	_ =	shalt  }
0x86: {  	_ =	shalt  }
0x87: {  	_ =	shalt  }
.Lfunc_end0:
.L_simem_size_0:
called_computation_lowered:
.L_overlay_start_0:
0x88: {  	s2 =	sld [smem:$0x3FD9]  }
0x89: {  	s3 =	sld [smem:$0x3FFE];
	_ =	sdelay $0x1  }
0x8a: {  	s1 =	srdreg.scid  }
0x8b: {  	s0 =	sand.u32 $0x1, s1  }
0x8c: {  	s17 =	sshll.u32 s0, $0xA;
	s2 =	sadd.s32 s3, s2  }
0x8d: {  	s2 =	sadd.s32 s2, s17  }
0x8e: {  	[smem:$0x3FBE] =	sst s2  }
0x8f: {  	_ = 	snop  }
0x90: {  	s2 =	sld [smem:$0x3FD0];
	(tm) =	ssettm $0x1  }
0x91: {  	s18 =	sld [smem:$0x3FFB];
	_ =	sdelay $0x3  }
0x92: {  	_ =	strace s18  }
0x93: {  	s3 =	sld [smem:$0x3FFC];
	_ =	sdelay $0x3  }
0x94: {  	_ =	strace s3  }
0x95: {  	s3 =	sld [smem:$0x3FFD];
	_ =	sdelay $0x3  }
0x96: {  	_ =	strace s3  }
0x97: {  	_ =	strace $0x8FFFFFFF  }
0x98: {  	s19 =	sld [smem:$0x3FDB];
	_ =	sdelay $0x1  }
0x99: {  	s4 =	simm.s32 $_scs_section_size  }
0x9a: {  	s5 =	simm.s32 $_size__tile_overlayer_lowered;
	s6 =	simm.s32 $_tile_overlayer_lowered  }
0x9b: {  	s22 =	simm.s32 $0x1BFF;
	s21 =	sshll.u32 s6, $0x1;
	s3 =	sadd.s32 s4, s19  }
0x9c: {  	s7 =	simm.s32 $0x0;
	s20 =	sshll.u32 s5, $0x1;
	s5 =	sadd.s32 s21, s3  }
0x9d: {  	[timem:s7], [sflag:s22] =	dma.local [hbm:s5], s20  }
0x9e: {  	_ =	swait.ge [sflag:s22], s20  }
0x9f: {  	s4 =	ssub.s32 $0x0, s20;
	[sflag:s22] =	ssyncset.done $0x0  }
0xa0: {  	[sflag:s22] =	ssyncadd.s32 s4;
	_ =	sdelay $0x1  }
0xa1: {  	s23 =	simm.s32 $0x1B8B  }
0xa2: {  	_ =	swait.ge [sflag:s23], $0x1  }
0xa3: {  	[sflag:s23] =	ssyncset.done $0x0  }
0xa4: {  	s25 =	simm.s32 $0x1B8E;
	s24 =	sld [smem:$0x3FFE];
	[sflag:s23] =	ssyncadd.s32 $0xFFFFFFFF  }
0xa5: {  	s26 =	simm.s32 $execute0_lowered;
	[smem:$0x3FD2] =	sst s25  }
0xa6: {  	s5 =	sshll.u32 s26, $0x1;
	_ =	strace $0x80000046;
	[dreg:$0x1] =	wrdreg $0xFFFFFFFF  }
0xa7: {  	s28 =	simm.s32 $_size_execute0_lowered;
	s3 =	sadd.s32 s3, s5;
	[dreg:$0x0] =	wrdreg $0x0  }
0xa8: {  	s5 =	sshll.u32 s28, $0x1;
	[dreg:$0x2] =	wrdreg s3  }
0xa9: {  	[dreg:$0x3] =	wrdreg s5  }
0xaa: {  	[dreg:$0x4] =	wrdreg $0xC0  }
0xab: {  	_ =	task [dreg:s7], $0x5FFFF  }
0xac: {  	[dreg:$0x1] =	wrdreg $0xFFFFFFFF  }
0xad: {  	[dreg:$0x0] =	wrdreg $0x60  }
0xae: {  	[dreg:$0x2] =	wrdreg s2  }
0xaf: {  	[dreg:$0x3] =	wrdreg s24  }
0xb0: {  	[dreg:$0x4] =	wrdreg $0x168000  }
0xb1: {  	[dreg:$0x5] =	wrdreg $0x9  }
0xb2: {  	_ =	task.clear_ibuf [dreg:s7], $0x6FFFF;
	_ =	strace $0x90000046  }
0xb3: {  	s29 =	simm.s32 $0x9;
	_ =	strace $0x80000048  }
0xb4: {  	_ =	swait.ge [sflag:s29], $0x1  }
0xb5: {  	[sflag:s29] =	ssyncadd.s32 $0xFFFFFFFF  }
0xb6: {  	_ =	strace $0x90000048  }
0xb7: {  	_ =	sfence  }
0xb8: {  	s30 =	sld [smem:$0x0];
	_ =	sdelay $0x2  }
0xb9: {  	s31 =	sshll.u32 s1, $0xD;
	s1 =	sshrl.u32 s1, $0x2  }
0xba: {  	s3 =	sand.u32 $0x4000, s31;
	s1 =	sadd.s32 s1, s30  }
0xbb: {  	s0 =	sor.u32 s3, s0;
	s1 =	sshll.u32 s1, $0x11  }
0xbc: {  	s0 =	sor.u32 s1, s0  }
0xbd: {  	s0 =	sadd.s32 $0x8F2B, s0  }
0xbe: {  	[sflag:s0] =	ssyncadd.remote.s32 $0x1  }
0xbf: {  	_ =	sfence.sel $0xFFFF  }
0xc0: {  	[dreg:$0x0] =	wrdreg $0xFFFFFFFF;
	(pc) =	sbr.abs _section_cstart, $3  }
0xc1: {  	[dreg:$0x1] =	wrdreg $0xFFFFFFFF  }
0xc2: {  	_ =	task.clear_ibuf [dreg:s7], $0x2FFFF;
	_ =	strace $0x9FFFFFFF  }
0xc3: {  	(tm) =	ssettm $0x7FFFFFFF  }
tec
execute0_lowered:
.L_overlay_start_1:
0x0: {  	(tag) =	ssettag $0x1  }
0x1: {  	s4 =	rddreg [dreg:$0x0]  }
0x2: {  	s5 =	rddreg [dreg:$0x1]  }
0x3: {  	s1 =	rddreg [dreg:$0x2];
	s3 =	srdreg.scid  }
0x4: {  	s0 =	rddreg [dreg:$0x3];
	s2 =	stileid.u32;
	s11 =	simm.s32 $0x4F80  }
0x5: {  	s12 =	simm.s32 $0x7780;
	s13 =	simm.s32 $0x9F80;
	s14 =	simm.s32 $0xC780  }
0x6: {  	s15 =	simm.s32 $0xEF80;
	s16 =	simm.s32 $0x11780;
	s17 =	simm.s32 $0x13F80  }
0x7: {  	s19 =	simm.s32 $0x0;
	s6 =	sand.u32 $0x1, s3;
	s3 =	simm.s32 $0x0  }
0x8: {  	s8 =	sshll.u32 s2, $0x1;
	s9 =	sshll.u32 s2, $0xA;
	p0 =	sne.s32 s2, $0x0  }
0x9: {  	p1 =	sgt.u32 s2, $0x9;
	s7 =	smul.u32 $0x2800, s6;
	[smem:$0x7FF] =	sst s3  }
0xa: {  	s8 =	sor.u32 s6, s8;
	s6 =	ssub.s32 $0x2, s6;
	s18 =	sadd.s32 s9, s1  }
0xb: {  	s8 =	smul.u32 $0x4E2, s8;
	_ =	strace $0x80000047;
	s10 =	sshrl.u32 s6, $0x1  }
0xc: {  	v0 =	vlaneseq.u32;
	s18 =	sshrl.u32 @!p1 s18, $0x3;
	s7 =	sadd.s32 s9, s7;
	s6 =	ssub.s32 s6, s10  }
0xd: {  	v1 =	vimm.f32 $0.0e+00;
	v7 =	vimm.f32 $1.000000000e+00;
	vm0 =	vcmask $0x3F20;
	s9 =	simm.s32 $0x50;
	s10 =	simm.s32 $0x16780;
	s7 =	sshrl.u32 s7, $0x3  }
0xe: {  	v2 =	vor.u32 $0x10, v0;
	v3 =	vor.u32 $0x20, v0;
	v6 =	vand.u32 $0x7, v0;
	s4 =	sadd.s32 s4, s8;
	s6 =	smax.u32 s6, $0x1;
	s5 =	sadd.s32 s7, s5  }
0xf: {  	v4 =	vor.u32 $0x30, v0;
	v5 =	vor.u32 $0x40, v0;
	v6 =	vmul.u32 $0x2800, v6;
	s8 =	simm.s32 $0x2780;
	s7 =	simm.s32 $0x1;
	s5 =	sadd.s32 $0x3000, s5  }
.LBB2_1:
0x10: {  	[tilespmem:s3], [sflag:$0x1] =	stream.linear.gather [hbm4b:s4+s3], $0x2710, $0x38;
	[tilespmem:$0x16A80] =	vst v63  }
0x11: {  	_ =	swait.ge [sflag:s7], $0x2710  }
0x12: {  	[sflag:s7] =	ssyncset.done $0x0  }
0x13: {  	s20 =	simm.s32 $0x70;
	s21 =	simm.s32 $0x3C0;
	[sflag:s7] =	ssyncadd.s32 $0xFFFFD8F0  }
.LBB2_2:
0x14: {  	p2 =	sne.s32 s21, $0x9FC0;
	[tilespmem:s20+$0x2780] =	vst v1  }
0x15: {  	[tilespmem:s20+$0x2710] =	vst v1  }
0x16: {  	[tilespmem:s20+$0x2720] =	vst v1  }
.Ltmp0:
0x17: {  	[tilespmem:s20+$0x2730] =	vst v1;
	(pc) =	sbr.rel @p2 .LBB2_2-.Ltmp0, $4  }
0x18: {  	[tilespmem:s20+$0x2740] =	vst v1  }
0x19: {  	[tilespmem:s20+$0x2750] =	vst v1  }
0x1a: {  	[tilespmem:s20+$0x2760] =	vst v1  }
0x1b: {  	[tilespmem:s20+$0x2770] =	vst v1;
	s20 =	sshra.s32 s21, $0x2;
	s21 =	sadd.s32 $0x200, s21  }
0x1c: {  	[tilespmem:s20+$0x2780] =	vst v1  }
0x1d: {  	[tilespmem:s20+$0x2710] =	vst v1  }
0x1e: {  	[tilespmem:s20+$0x2720] =	vst v1  }
0x1f: {  	[tilespmem:s20+$0x2730] =	vst v1  }
0x20: {  	[tilespmem:s20+$0x2740] =	vst v1  }
0x21: {  	[tilespmem:s20+$0x2750] =	vst v1  }
0x22: {  	[tilespmem:s20+$0x2760] =	vst v1  }
0x23: {  	[tilespmem:s20+$0x2770] =	vst v1;
	s20 =	simm.s32 $0x0;
	s21 =	simm.s32 $0x200  }
.LBB2_4:
0x24: {  	p2 =	sne.s32 s21, $0x9E00;
	[tilespmem:s20+$0x4FF0] =	vst v1  }
0x25: {  	[tilespmem:s20+$0x4F80] =	vst v1  }
0x26: {  	[tilespmem:s20+$0x4F90] =	vst v1  }
.Ltmp1:
0x27: {  	[tilespmem:s20+$0x4FA0] =	vst v1;
	(pc) =	sbr.rel @p2 .LBB2_4-.Ltmp1, $4  }
0x28: {  	[tilespmem:s20+$0x4FB0] =	vst v1  }
0x29: {  	[tilespmem:s20+$0x4FC0] =	vst v1  }
0x2a: {  	[tilespmem:s20+$0x4FD0] =	vst v1  }
0x2b: {  	[tilespmem:s20+$0x4FE0] =	vst v1;
	s20 =	sshra.s32 s21, $0x2;
	s21 =	sadd.s32 $0x200, s21  }
0x2c: {  	[tilespmem:s20+$0x4FF0] =	vst v1  }
0x2d: {  	[tilespmem:s20+$0x4F80] =	vst v1  }
0x2e: {  	[tilespmem:s20+$0x4F90] =	vst v1  }
0x2f: {  	[tilespmem:s20+$0x4FA0] =	vst v1  }
0x30: {  	[tilespmem:s20+$0x4FB0] =	vst v1  }
0x31: {  	[tilespmem:s20+$0x4FC0] =	vst v1  }
0x32: {  	[tilespmem:s20+$0x4FD0] =	vst v1  }
0x33: {  	[tilespmem:s20+$0x4FE0] =	vst v1;
	s20 =	simm.s32 $0x0;
	s21 =	simm.s32 $0x200  }
.LBB2_6:
0x34: {  	p2 =	sne.s32 s21, $0x9E00;
	[tilespmem:s20+$0x77F0] =	vst v1  }
0x35: {  	[tilespmem:s20+$0x7780] =	vst v1  }
0x36: {  	[tilespmem:s20+$0x7790] =	vst v1  }
.Ltmp2:
0x37: {  	[tilespmem:s20+$0x77A0] =	vst v1;
	(pc) =	sbr.rel @p2 .LBB2_6-.Ltmp2, $4  }
0x38: {  	[tilespmem:s20+$0x77B0] =	vst v1  }
0x39: {  	[tilespmem:s20+$0x77C0] =	vst v1  }
0x3a: {  	[tilespmem:s20+$0x77D0] =	vst v1  }
0x3b: {  	[tilespmem:s20+$0x77E0] =	vst v1;
	s20 =	sshra.s32 s21, $0x2;
	s21 =	sadd.s32 $0x200, s21  }
0x3c: {  	[tilespmem:s20+$0x77F0] =	vst v1  }
0x3d: {  	[tilespmem:s20+$0x7780] =	vst v1  }
0x3e: {  	[tilespmem:s20+$0x7790] =	vst v1  }
0x3f: {  	[tilespmem:s20+$0x77A0] =	vst v1  }
0x40: {  	[tilespmem:s20+$0x77B0] =	vst v1  }
0x41: {  	[tilespmem:s20+$0x77C0] =	vst v1  }
0x42: {  	[tilespmem:s20+$0x77D0] =	vst v1  }
0x43: {  	[tilespmem:s20+$0x77E0] =	vst v1;
	s20 =	simm.s32 $0x0;
	s21 =	simm.s32 $0x200  }
.LBB2_8:
0x44: {  	p2 =	sne.s32 s21, $0x9E00;
	[tilespmem:s20+$0x9FF0] =	vst v1  }
0x45: {  	[tilespmem:s20+$0x9F80] =	vst v1  }
0x46: {  	[tilespmem:s20+$0x9F90] =	vst v1  }
.Ltmp3:
0x47: {  	[tilespmem:s20+$0x9FA0] =	vst v1;
	(pc) =	sbr.rel @p2 .LBB2_8-.Ltmp3, $4  }
0x48: {  	[tilespmem:s20+$0x9FB0] =	vst v1  }
0x49: {  	[tilespmem:s20+$0x9FC0] =	vst v1  }
0x4a: {  	[tilespmem:s20+$0x9FD0] =	vst v1  }
0x4b: {  	[tilespmem:s20+$0x9FE0] =	vst v1;
	s20 =	sshra.s32 s21, $0x2;
	s21 =	sadd.s32 $0x200, s21  }
0x4c: {  	[tilespmem:s20+$0x9FF0] =	vst v1  }
0x4d: {  	[tilespmem:s20+$0x9F80] =	vst v1  }
0x4e: {  	[tilespmem:s20+$0x9F90] =	vst v1  }
0x4f: {  	[tilespmem:s20+$0x9FA0] =	vst v1  }
0x50: {  	[tilespmem:s20+$0x9FB0] =	vst v1  }
0x51: {  	[tilespmem:s20+$0x9FC0] =	vst v1  }
0x52: {  	[tilespmem:s20+$0x9FD0] =	vst v1  }
0x53: {  	[tilespmem:s20+$0x9FE0] =	vst v1;
	s20 =	simm.s32 $0x0;
	s21 =	simm.s32 $0x200  }
.LBB2_10:
0x54: {  	p2 =	sne.s32 s21, $0x9E00;
	[tilespmem:s20+$0xC7F0] =	vst v1  }
0x55: {  	[tilespmem:s20+$0xC780] =	vst v1  }
0x56: {  	[tilespmem:s20+$0xC790] =	vst v1  }
.Ltmp4:
0x57: {  	[tilespmem:s20+$0xC7A0] =	vst v1;
	(pc) =	sbr.rel @p2 .LBB2_10-.Ltmp4, $4  }
0x58: {  	[tilespmem:s20+$0xC7B0] =	vst v1  }
0x59: {  	[tilespmem:s20+$0xC7C0] =	vst v1  }
0x5a: {  	[tilespmem:s20+$0xC7D0] =	vst v1  }
0x5b: {  	[tilespmem:s20+$0xC7E0] =	vst v1;
	s20 =	sshra.s32 s21, $0x2;
	s21 =	sadd.s32 $0x200, s21  }
0x5c: {  	[tilespmem:s20+$0xC7F0] =	vst v1  }
0x5d: {  	[tilespmem:s20+$0xC780] =	vst v1  }
0x5e: {  	[tilespmem:s20+$0xC790] =	vst v1  }
0x5f: {  	[tilespmem:s20+$0xC7A0] =	vst v1  }
0x60: {  	[tilespmem:s20+$0xC7B0] =	vst v1  }
0x61: {  	[tilespmem:s20+$0xC7C0] =	vst v1  }
0x62: {  	[tilespmem:s20+$0xC7D0] =	vst v1  }
0x63: {  	[tilespmem:s20+$0xC7E0] =	vst v1;
	s20 =	simm.s32 $0x0;
	s21 =	simm.s32 $0x200  }
.LBB2_12:
0x64: {  	p2 =	sne.s32 s21, $0x9E00;
	[tilespmem:s20+$0xEFF0] =	vst v1  }
0x65: {  	[tilespmem:s20+$0xEF80] =	vst v1  }
0x66: {  	[tilespmem:s20+$0xEF90] =	vst v1  }
.Ltmp5:
0x67: {  	[tilespmem:s20+$0xEFA0] =	vst v1;
	(pc) =	sbr.rel @p2 .LBB2_12-.Ltmp5, $4  }
0x68: {  	[tilespmem:s20+$0xEFB0] =	vst v1  }
0x69: {  	[tilespmem:s20+$0xEFC0] =	vst v1  }
0x6a: {  	[tilespmem:s20+$0xEFD0] =	vst v1  }
0x6b: {  	[tilespmem:s20+$0xEFE0] =	vst v1;
	s20 =	sshra.s32 s21, $0x2;
	s21 =	sadd.s32 $0x200, s21  }
0x6c: {  	[tilespmem:s20+$0xEFF0] =	vst v1  }
0x6d: {  	[tilespmem:s20+$0xEF80] =	vst v1  }
0x6e: {  	[tilespmem:s20+$0xEF90] =	vst v1  }
0x6f: {  	[tilespmem:s20+$0xEFA0] =	vst v1  }
0x70: {  	[tilespmem:s20+$0xEFB0] =	vst v1  }
0x71: {  	[tilespmem:s20+$0xEFC0] =	vst v1  }
0x72: {  	[tilespmem:s20+$0xEFD0] =	vst v1  }
0x73: {  	[tilespmem:s20+$0xEFE0] =	vst v1;
	s20 =	simm.s32 $0x0;
	s21 =	simm.s32 $0x200  }
.LBB2_14:
0x74: {  	p2 =	sne.s32 s21, $0x9E00;
	[tilespmem:s20+$0x117F0] =	vst v1  }
0x75: {  	[tilespmem:s20+$0x11780] =	vst v1  }
0x76: {  	[tilespmem:s20+$0x11790] =	vst v1  }
.Ltmp6:
0x77: {  	[tilespmem:s20+$0x117A0] =	vst v1;
	(pc) =	sbr.rel @p2 .LBB2_14-.Ltmp6, $4  }
0x78: {  	[tilespmem:s20+$0x117B0] =	vst v1  }
0x79: {  	[tilespmem:s20+$0x117C0] =	vst v1  }
0x7a: {  	[tilespmem:s20+$0x117D0] =	vst v1  }
0x7b: {  	[tilespmem:s20+$0x117E0] =	vst v1;
	s20 =	sshra.s32 s21, $0x2;
	s21 =	sadd.s32 $0x200, s21  }
0x7c: {  	[tilespmem:s20+$0x117F0] =	vst v1  }
0x7d: {  	[tilespmem:s20+$0x11780] =	vst v1  }
0x7e: {  	[tilespmem:s20+$0x11790] =	vst v1  }
0x7f: {  	[tilespmem:s20+$0x117A0] =	vst v1  }
0x80: {  	[tilespmem:s20+$0x117B0] =	vst v1  }
0x81: {  	[tilespmem:s20+$0x117C0] =	vst v1  }
0x82: {  	[tilespmem:s20+$0x117D0] =	vst v1  }
0x83: {  	[tilespmem:s20+$0x117E0] =	vst v1;
	s20 =	simm.s32 $0x0;
	s21 =	simm.s32 $0x200  }
.LBB2_16:
0x84: {  	p2 =	sne.s32 s21, $0x9E00;
	[tilespmem:s20+$0x13FF0] =	vst v1  }
0x85: {  	[tilespmem:s20+$0x13F80] =	vst v1  }
0x86: {  	[tilespmem:s20+$0x13F90] =	vst v1  }
.Ltmp7:
0x87: {  	[tilespmem:s20+$0x13FA0] =	vst v1;
	(pc) =	sbr.rel @p2 .LBB2_16-.Ltmp7, $4  }
0x88: {  	[tilespmem:s20+$0x13FB0] =	vst v1  }
0x89: {  	[tilespmem:s20+$0x13FC0] =	vst v1  }
0x8a: {  	[tilespmem:s20+$0x13FD0] =	vst v1  }
0x8b: {  	[tilespmem:s20+$0x13FE0] =	vst v1;
	s20 =	sshra.s32 s21, $0x2;
	s21 =	sadd.s32 $0x200, s21  }
0x8c: {  	[tilespmem:s20+$0x13FF0] =	vst v1  }
0x8d: {  	[tilespmem:s20+$0x13F80] =	vst v1  }
0x8e: {  	[tilespmem:s20+$0x13F90] =	vst v1  }
0x8f: {  	[tilespmem:s20+$0x13FA0] =	vst v1  }
0x90: {  	[tilespmem:s20+$0x13FB0] =	vst v1  }
0x91: {  	[tilespmem:s20+$0x13FC0] =	vst v1  }
0x92: {  	[tilespmem:s20+$0x13FD0] =	vst v1  }
0x93: {  	[tilespmem:s20+$0x13FE0] =	vst v1  }
0x94: {  	[tilespmem:$0x16780] =	vst v0  }
0x95: {  	[tilespmem:$0x16790] =	vst v2  }
0x96: {  	[tilespmem:$0x167A0] =	vst v3  }
0x97: {  	[tilespmem:$0x167B0] =	vst v4  }
0x98: {  	s20 =	simm.s32 @!p0 $0x2780;
	[tilespmem:$0x167C0] =	vst v5  }
0x99: {  	[spmem:s1] =	stream.linear.scatter @!p0 [tilespmem:s20], [sflag:$0x1], $0x2800, $0x38;
	[tilespmem:$0x16A80] =	vst v63  }
0x9a: {  	s20 =	simm.s32 @!p0 $0x1  }
0x9b: {  	_ =	swait.ge @!p0 [sflag:s20], $0x2800  }
0x9c: {  	[sflag:s20] =	ssyncset.done @!p0 $0x0  }
0x9d: {  	s31 =	simm.s32 $0x0;
	[sflag:s20] =	ssyncadd.s32 @!p0 $0xFFFFD800  }
0x9e: {  	s20 =	simm.s32 $0x40;
	v8 =	vld [tilespmem:s31+$0x0]  }
.LBB2_18:
0x9f: {  	p2 =	sne.s32 s20, $0x9C00;
	_ =	sdelay $0x3  }
0xa0: {  	v8 =	vadd.s32 v6, v8;
	_ =	sdelay $0x2  }
.Ltmp8:
0xa1: {  	(pc) =	sbr.rel @p2 .LBB2_18-.Ltmp8, $4  }
0xa2: {  	_ = 	snop  }
0xa3: {  	[tilespmem:v8+s8+$0x0] =	vst.idx.add.f32.msk $0xff, v7  }
0xa4: {  	s21 =	sshra.s32 s20, $0x2;
	[tilespmem:v8+s8+$0x0] =	vst.idx.add.f32.msk vm0, v7  }
0xa5: {  	s20 =	sadd.s32 $0x40, s20;
	v8 =	vld [tilespmem:s21+$0x0]  }
0xa6: {  	_ =	sdelay $0x3  }
0xa7: {  	v8 =	vadd.s32 v6, v8;
	_ =	sdelay $0x4  }
0xa8: {  	[tilespmem:v8+s8+$0x0] =	vst.idx.add.f32.msk $0xff, v7  }
0xa9: {  	[tilespmem:v8+s8+$0x0] =	vst.idx.add.f32.msk vm0, v7  }
0xaa: {  	[bflag:$0x0] =	sbarrier.arrive $0xFFFF  }
0xab: {  	[spmem:s1] =	stream.indirect.scatter.add.f32 [tilespmem:s8], [sflag:$0x1], $0x80, s10, s9, $0xb8;
	[tilespmem:$0x16A80] =	vst v63  }
0xac: {  	_ =	swait.ge [sflag:s7], $0x2800  }
0xad: {  	[sflag:s7] =	ssyncset.done $0x0  }
0xae: {  	[sflag:s7] =	ssyncadd.s32 $0xFFFFD800  }
0xaf: {  	[spmem:s1] =	stream.indirect.scatter.add.f32 [tilespmem:s11], [sflag:$0x1], $0x80, s10, s9, $0xb8;
	[tilespmem:$0x16A80] =	vst v63  }
0xb0: {  	_ =	swait.ge [sflag:s7], $0x2800  }
0xb1: {  	[sflag:s7] =	ssyncset.done $0x0  }
0xb2: {  	[sflag:s7] =	ssyncadd.s32 $0xFFFFD800  }
0xb3: {  	[spmem:s1] =	stream.indirect.scatter.add.f32 [tilespmem:s12], [sflag:$0x1], $0x80, s10, s9, $0xb8;
	[tilespmem:$0x16A80] =	vst v63  }
0xb4: {  	_ =	swait.ge [sflag:s7], $0x2800  }
0xb5: {  	[sflag:s7] =	ssyncset.done $0x0  }
0xb6: {  	[sflag:s7] =	ssyncadd.s32 $0xFFFFD800  }
0xb7: {  	[spmem:s1] =	stream.indirect.scatter.add.f32 [tilespmem:s13], [sflag:$0x1], $0x80, s10, s9, $0xb8;
	[tilespmem:$0x16A80] =	vst v63  }
0xb8: {  	_ =	swait.ge [sflag:s7], $0x2800  }
0xb9: {  	[sflag:s7] =	ssyncset.done $0x0  }
0xba: {  	[sflag:s7] =	ssyncadd.s32 $0xFFFFD800  }
0xbb: {  	[spmem:s1] =	stream.indirect.scatter.add.f32 [tilespmem:s14], [sflag:$0x1], $0x80, s10, s9, $0xb8;
	[tilespmem:$0x16A80] =	vst v63  }
0xbc: {  	_ =	swait.ge [sflag:s7], $0x2800  }
0xbd: {  	[sflag:s7] =	ssyncset.done $0x0  }
0xbe: {  	[sflag:s7] =	ssyncadd.s32 $0xFFFFD800  }
0xbf: {  	[spmem:s1] =	stream.indirect.scatter.add.f32 [tilespmem:s15], [sflag:$0x1], $0x80, s10, s9, $0xb8;
	[tilespmem:$0x16A80] =	vst v63  }
0xc0: {  	_ =	swait.ge [sflag:s7], $0x2800  }
0xc1: {  	[sflag:s7] =	ssyncset.done $0x0  }
0xc2: {  	[sflag:s7] =	ssyncadd.s32 $0xFFFFD800  }
0xc3: {  	[spmem:s1] =	stream.indirect.scatter.add.f32 [tilespmem:s16], [sflag:$0x1], $0x80, s10, s9, $0xb8;
	[tilespmem:$0x16A80] =	vst v63  }
0xc4: {  	_ =	swait.ge [sflag:s7], $0x2800  }
0xc5: {  	[sflag:s7] =	ssyncset.done $0x0  }
0xc6: {  	[sflag:s7] =	ssyncadd.s32 $0xFFFFD800  }
0xc7: {  	[spmem:s1] =	stream.indirect.scatter.add.f32 [tilespmem:s17], [sflag:$0x1], $0x80, s10, s9, $0xb8;
	[tilespmem:$0x16A80] =	vst v63  }
0xc8: {  	_ =	swait.ge [sflag:s7], $0x2800  }
0xc9: {  	[sflag:s7] =	ssyncset.done $0x0  }
0xca: {  	s20 =	sshll.u32 @!p1 s2, $0x6;
	s19 =	sadd.s32 $0x1, s19;
	[sflag:s7] =	ssyncadd.s32 $0xFFFFD800  }
0xcb: {  	s20 =	sor.u32 @!p1 $0x1C01, s20;
	p2 =	sne.s32 s19, s6;
	[bflag:$0x0] =	sbarrier.arrive $0xFFFF  }
0xcc: {  	[hbm:s5], [sflag:s20] =	dma.local @!p1 [spmem:s18], $0x80  }
.Ltmp9:
0xcd: {  	_ = 	snop;
	(pc) =	sbr.rel @p2 .LBB2_1-.Ltmp9, $4  }
0xce: {  	s20 =	simm.s32 @!p1 $0x1  }
0xcf: {  	_ =	swait.ge @!p1 [sflag:s20], $0x80  }
0xd0: {  	[sflag:s20] =	ssyncset.done @!p1 $0x0  }
0xd1: {  	[sflag:s20] =	ssyncadd.s32 @!p1 $0xFFFFFF80  }
0xd2: {  	_ =	sfence.sel $0x180000  }
0xd3: {  	[bflag:$0x0] =	sbarrier.arrive $0xFFFF  }
0xd4: {  	_ =	strace $0x90000047  }
0xd5: {  	s0 =	sadd.s32 @!p0 $0x100000, s0;
	[bflag:$0x2] =	sbarrier.arrive $0xFFFF  }
0xd6: {  	[sflag:s0] =	ssyncadd.tile.s32 @!p0 $0x1;
	_ =	shalt  }
.Lfunc_end2:
_tile_overlayer_lowered:
.L_overlay_start_2:
0xd7: {  	(tag) =	ssettag $0x2  }
0xd8: {  	s0 =	rddreg [dreg:$0x0];
	s2 =	stileid.u32  }
0xd9: {  	s1 =	rddreg [dreg:$0x1];
	p0 =	sne.s32 s2, $0x0  }
0xda: {  	s3 =	rddreg [dreg:$0x2];
	[bflag:$0x3] =	sbarrier.arrive $0xFFFF;
	s2 =	simm.s32 @!p0 $0x1C01  }
0xdb: {  	[timem:s3], [sflag:s2] =	dma.local @!p0 [hbm:s0], s1  }
0xdc: {  	s0 =	simm.s32 @!p0 $0x1  }
0xdd: {  	_ =	swait.ge @!p0 [sflag:s0], s1  }
0xde: {  	s1 =	ssub.s32 @!p0 $0x0, s1;
	[sflag:s0] =	ssyncset.done @!p0 $0x0  }
0xdf: {  	[sflag:s0] =	ssyncadd.s32 @!p0 s1  }
0xe0: {  	[bflag:$0x3] =	sbarrier.arrive $0xFFFF  }
0xe1: {  	_ =	shalt  }

// kernel: kernel.13.cloned.1.call-start
scs
__scs_entry_jumppad:
0x0: {  	(pc) =	sbr.rel $0x88, $3  }
0x1: {  	(tag) =	ssettag $0x0;
	lr =	simm.s32 $0x1  }
0x2: {  	[smem:$0x3F97] =	sst lr;
	_ =	strace $0xD0000000  }
0x3: {  	_ = 	snop  }
0x4: {  	_ = 	snop  }
0x5: {  	_ = 	snop  }
0x6: {  	_ = 	snop  }
0x7: {  	_ = 	snop  }
__scs_overlays_trampoline_lowered:
0x8: {  	[smem:$0x3FA6] =	sst s0  }
0x9: {  	[smem:$0x3FA7] =	sst s1  }
0xa: {  	[smem:$0x3FA8] =	sst s2  }
0xb: {  	[smem:$0x3FA9] =	sst s3  }
0xc: {  	[smem:$0x3FAA] =	sst s4  }
0xd: {  	[smem:$0x3FAB] =	sst s5  }
0xe: {  	[smem:$0x3FAC] =	sst s6  }
0xf: {  	[smem:$0x3FAD] =	sst s7  }
0x10: {  	[smem:$0x3FAE] =	sst s8  }
0x11: {  	[smem:$0x3FAF] =	sst s9;
	s0 =	simm.s32 @!p0 $0x0  }
0x12: {  	s1 =	sld [smem:$0x3F95];
	s0 =	simm.s32 @p0 $0x1  }
0x13: {  	[smem:$0x3FB0] =	sst s0;
	s0 =	simm.s32 @!p1 $0x0  }
0x14: {  	s2 =	sld [smem:$0x3F94];
	s0 =	simm.s32 @p1 $0x1  }
0x15: {  	[smem:$0x3FB1] =	sst s0;
	s0 =	simm.s32 @!p2 $0x0  }
0x16: {  	s3 =	sld [smem:$0x3FDB];
	s0 =	simm.s32 @p2 $0x1  }
0x17: {  	s4 =	simm.s32 $0x1BF5;
	[smem:$0x3FB3] =	sst s0  }
0x18: {  	s0 =	sld [smem:$0x3F96];
	_ =	swait.ge [sflag:s4], $0x0  }
0x19: {  	s7 =	sld [smem:$0x3F97]  }
0x1a: {  	s8 =	sadd.s32 $0xFFFFE003, lr  }
0x1b: {  	s9 =	sadd.s32 $0xFFFFFEF7, lr;
	s5 =	simm.s32 $0xFFFFFFFF;
	p2 =	slt.u32 s8, $0xFFFFF086  }
0x1c: {  	p1 =	slt.u32 s9, $0xF7A;
	s5 =	simm.s32 @!p2 $0x0  }
0x1d: {  	s5 =	simm.s32 @p1 $0x1;
	p0 =	seq.s32 s7, s2  }
0x1e: {  	s7 =	smul.u32 @!p0 $0xF7A, s2;
	p2 =	seq.s32 @!p0 s5, $0x0  }
0x1f: {  	s9 =	smul.u32 $0xF7A, s1;
	s8 =	simm.s32 @!p0 $0x1BF5;
	p2 =	por !p2, p0  }
0x20: {  	[sflag:s8] =	ssyncset.s32 @!p0 $0xFFFFF086;
	s6 =	sadd.s32 @!p0 s3, s7;
	s7 =	simm.s32 @!p0 $0x108  }
0x21: {  	s3 =	sadd.s32 s3, s9;
	s6 =	sadd.s32 @!p0 $0x88, s6;
	s7 =	simm.s32 @p2 $0x1082  }
0x22: {  	[simem:s7], [sflag:s8] =	dma.local @!p0 [hbm:s6], $0xF7A  }
0x23: {  	s9 =	sor.u32 $0xD0000000, s2;
	s6 =	simm.s32 $0x108;
	_ =	swait.ge @!p0 [sflag:s8], $0x0  }
0x24: {  	s3 =	sadd.s32 $0x88, s3;
	s6 =	simm.s32 @!p1 $0x1082;
	[sflag:s4] =	ssyncset.s32 $0xFFFFF086  }
0x25: {  	[simem:s6], [sflag:s4] =	dma.local [hbm:s3], $0xF7A  }
0x26: {  	[smem:$0x3F97] =	sst s1;
	(tag) =	ssettag s2;
	_ =	strace s9  }
0x27: {  	s1 =	sld [smem:$0x3FA7]  }
0x28: {  	s2 =	sld [smem:$0x3FA8]  }
0x29: {  	s4 =	sld [smem:$0x3FAA]  }
0x2a: {  	p0 =	seq.s32 s5, $0x0;
	s5 =	sld [smem:$0x3FAB]  }
0x2b: {  	s6 =	sld [smem:$0x3FAC]  }
0x2c: {  	s7 =	sld [smem:$0x3FAD]  }
0x2d: {  	s3 =	simm.s32 $0x108;
	s8 =	sld [smem:$0x3FAE]  }
0x2e: {  	s3 =	simm.s32 @!p0 $0x1082;
	s9 =	sld [smem:$0x3FAF]  }
0x2f: {  	lr =	sadd.s32 s0, s3;
	s0 =	sld [smem:$0x3FA6]  }
0x30: {  	s3 =	sld [smem:$0x3FA9]  }
0x31: {  	[smem:$0x3FB2] =	sst s10  }
0x32: {  	s10 =	sld [smem:$0x3FB0];
	_ =	sdelay $0x3  }
0x33: {  	p0 =	seq.s32 s10, $0x1;
	s10 =	sld [smem:$0x3FB2];
	_ =	sdelay $0x3  }
0x34: {  	[smem:$0x3FB2] =	sst s10  }
0x35: {  	s10 =	sld [smem:$0x3FB1];
	_ =	sdelay $0x3  }
0x36: {  	p1 =	seq.s32 s10, $0x1;
	s10 =	sld [smem:$0x3FB2];
	_ =	sdelay $0x3  }
0x37: {  	[smem:$0x3FB2] =	sst s10  }
0x38: {  	s10 =	sld [smem:$0x3FB3]  }
0x39: {  	_ = 	snop;
	(pc) =	sbr.ind lr, $3  }
0x3a: {  	_ = 	snop  }
0x3b: {  	_ = 	snop  }
0x3c: {  	p2 =	seq.s32 s10, $0x1;
	s10 =	sld [smem:$0x3FB2]  }
0x3d: {  	_ =	shalt  }
0x3e: {  	_ =	shalt  }
0x3f: {  	_ =	shalt  }
0x40: {  	_ =	shalt  }
0x41: {  	_ =	shalt  }
0x42: {  	_ =	shalt  }
0x43: {  	_ =	shalt  }
0x44: {  	_ =	shalt  }
0x45: {  	_ =	shalt  }
0x46: {  	_ =	shalt  }
0x47: {  	_ =	shalt  }
0x48: {  	_ =	shalt  }
0x49: {  	_ =	shalt  }
0x4a: {  	_ =	shalt  }
0x4b: {  	_ =	shalt  }
0x4c: {  	_ =	shalt  }
0x4d: {  	_ =	shalt  }
0x4e: {  	_ =	shalt  }
0x4f: {  	_ =	shalt  }
0x50: {  	_ =	shalt  }
0x51: {  	_ =	shalt  }
0x52: {  	_ =	shalt  }
0x53: {  	_ =	shalt  }
0x54: {  	_ =	shalt  }
0x55: {  	_ =	shalt  }
0x56: {  	_ =	shalt  }
0x57: {  	_ =	shalt  }
0x58: {  	_ =	shalt  }
0x59: {  	_ =	shalt  }
0x5a: {  	_ =	shalt  }
0x5b: {  	_ =	shalt  }
0x5c: {  	_ =	shalt  }
0x5d: {  	_ =	shalt  }
0x5e: {  	_ =	shalt  }
0x5f: {  	_ =	shalt  }
0x60: {  	_ =	shalt  }
0x61: {  	_ =	shalt  }
0x62: {  	_ =	shalt  }
0x63: {  	_ =	shalt  }
0x64: {  	_ =	shalt  }
0x65: {  	_ =	shalt  }
0x66: {  	_ =	shalt  }
0x67: {  	_ =	shalt  }
0x68: {  	_ =	shalt  }
0x69: {  	_ =	shalt  }
0x6a: {  	_ =	shalt  }
0x6b: {  	_ =	shalt  }
0x6c: {  	_ =	shalt  }
0x6d: {  	_ =	shalt  }
0x6e: {  	_ =	shalt  }
0x6f: {  	_ =	shalt  }
0x70: {  	_ =	shalt  }
0x71: {  	_ =	shalt  }
0x72: {  	_ =	shalt  }
0x73: {  	_ =	shalt  }
0x74: {  	_ =	shalt  }
0x75: {  	_ =	shalt  }
0x76: {  	_ =	shalt  }
0x77: {  	_ =	shalt  }
0x78: {  	_ =	shalt  }
0x79: {  	_ =	shalt  }
0x7a: {  	_ =	shalt  }
0x7b: {  	_ =	shalt  }
0x7c: {  	_ =	shalt  }
0x7d: {  	_ =	shalt  }
0x7e: {  	_ =	shalt  }
0x7f: {  	_ =	shalt  }
0x80: {  	_ =	shalt  }
0x81: {  	_ =	shalt  }
0x82: {  	_ =	shalt  }
0x83: {  	_ =	shalt  }
0x84: {  	_ =	shalt  }
0x85: {  	_ =	shalt  }
0x86: {  	_ =	shalt  }
0x87: {  	_ =	shalt  }
.Lfunc_end0:
.L_simem_size_0:
called_computation.1_lowered:
.L_overlay_start_0:
0x88: {  	s2 =	sld [smem:$0x3FD9]  }
0x89: {  	s3 =	sld [smem:$0x3FFE];
	_ =	sdelay $0x1  }
0x8a: {  	s1 =	srdreg.scid  }
0x8b: {  	s0 =	sand.u32 $0x1, s1  }
0x8c: {  	s17 =	sshll.u32 s0, $0xA;
	s2 =	sadd.s32 s3, s2  }
0x8d: {  	s2 =	sadd.s32 s2, s17  }
0x8e: {  	[smem:$0x3FBE] =	sst s2  }
0x8f: {  	_ = 	snop  }
0x90: {  	s2 =	sld [smem:$0x3FD0];
	(tm) =	ssettm $0x1  }
0x91: {  	s18 =	sld [smem:$0x3FFB];
	_ =	sdelay $0x3  }
0x92: {  	_ =	strace s18  }
0x93: {  	s3 =	sld [smem:$0x3FFC];
	_ =	sdelay $0x3  }
0x94: {  	_ =	strace s3  }
0x95: {  	s3 =	sld [smem:$0x3FFD];
	_ =	sdelay $0x3  }
0x96: {  	_ =	strace s3  }
0x97: {  	_ =	strace $0x8FFFFFFF  }
0x98: {  	s19 =	sld [smem:$0x3FDB];
	_ =	sdelay $0x1  }
0x99: {  	s4 =	simm.s32 $_scs_section_size  }
0x9a: {  	s5 =	simm.s32 $_size__tile_overlayer_lowered;
	s6 =	simm.s32 $_tile_overlayer_lowered  }
0x9b: {  	s22 =	simm.s32 $0x1BFF;
	s21 =	sshll.u32 s6, $0x1;
	s3 =	sadd.s32 s4, s19  }
0x9c: {  	s7 =	simm.s32 $0x0;
	s20 =	sshll.u32 s5, $0x1;
	s5 =	sadd.s32 s21, s3  }
0x9d: {  	[timem:s7], [sflag:s22] =	dma.local [hbm:s5], s20  }
0x9e: {  	_ =	swait.ge [sflag:s22], s20  }
0x9f: {  	s4 =	ssub.s32 $0x0, s20;
	[sflag:s22] =	ssyncset.done $0x0  }
0xa0: {  	[sflag:s22] =	ssyncadd.s32 s4;
	_ =	sdelay $0x1  }
0xa1: {  	s23 =	simm.s32 $0x1B8B  }
0xa2: {  	_ =	swait.ge [sflag:s23], $0x1  }
0xa3: {  	[sflag:s23] =	ssyncset.done $0x0  }
0xa4: {  	s25 =	simm.s32 $0x1B8E;
	s24 =	sld [smem:$0x3FFE];
	[sflag:s23] =	ssyncadd.s32 $0xFFFFFFFF  }
0xa5: {  	s26 =	simm.s32 $execute0_lowered;
	[smem:$0x3FD2] =	sst s25  }
0xa6: {  	s5 =	sshll.u32 s26, $0x1;
	_ =	strace $0x80000049;
	[dreg:$0x1] =	wrdreg $0xFFFFFFFF  }
0xa7: {  	s28 =	simm.s32 $_size_execute0_lowered;
	s3 =	sadd.s32 s3, s5;
	[dreg:$0x0] =	wrdreg $0x0  }
0xa8: {  	s5 =	sshll.u32 s28, $0x1;
	[dreg:$0x2] =	wrdreg s3  }
0xa9: {  	[dreg:$0x3] =	wrdreg s5  }
0xaa: {  	[dreg:$0x4] =	wrdreg $0xC0  }
0xab: {  	_ =	task [dreg:s7], $0x5FFFF  }
0xac: {  	[dreg:$0x1] =	wrdreg $0xFFFFFFFF  }
0xad: {  	[dreg:$0x0] =	wrdreg $0x60  }
0xae: {  	[dreg:$0x2] =	wrdreg s2  }
0xaf: {  	[dreg:$0x3] =	wrdreg s24  }
0xb0: {  	[dreg:$0x4] =	wrdreg $0x90000  }
0xb1: {  	[dreg:$0x5] =	wrdreg $0x9  }
0xb2: {  	_ =	task.clear_ibuf [dreg:s7], $0x6FFFF;
	_ =	strace $0x90000049  }
0xb3: {  	s29 =	simm.s32 $0x9;
	_ =	strace $0x8000004B  }
0xb4: {  	_ =	swait.ge [sflag:s29], $0x1  }
0xb5: {  	[sflag:s29] =	ssyncadd.s32 $0xFFFFFFFF  }
0xb6: {  	_ =	strace $0x9000004B  }
0xb7: {  	_ =	sfence  }
0xb8: {  	s30 =	sld [smem:$0x0];
	_ =	sdelay $0x2  }
0xb9: {  	s31 =	sshll.u32 s1, $0xD;
	s1 =	sshrl.u32 s1, $0x2  }
0xba: {  	s3 =	sand.u32 $0x4000, s31;
	s1 =	sadd.s32 s1, s30  }
0xbb: {  	s0 =	sor.u32 s3, s0;
	s1 =	sshll.u32 s1, $0x11  }
0xbc: {  	s0 =	sor.u32 s1, s0  }
0xbd: {  	s0 =	sadd.s32 $0x8F2B, s0  }
0xbe: {  	[sflag:s0] =	ssyncadd.remote.s32 $0x1  }
0xbf: {  	_ =	sfence.sel $0xFFFF  }
0xc0: {  	[dreg:$0x0] =	wrdreg $0xFFFFFFFF;
	(pc) =	sbr.abs _section_cstart, $3  }
0xc1: {  	[dreg:$0x1] =	wrdreg $0xFFFFFFFF  }
0xc2: {  	_ =	task.clear_ibuf [dreg:s7], $0x2FFFF;
	_ =	strace $0x9FFFFFFF  }
0xc3: {  	(tm) =	ssettm $0x7FFFFFFF  }
tec
execute0_lowered:
.L_overlay_start_1:
0x0: {  	(tag) =	ssettag $0x1  }
0x1: {  	s1 =	rddreg [dreg:$0x0]  }
0x2: {  	s0 =	rddreg [dreg:$0x1]  }
0x3: {  	s3 =	rddreg [dreg:$0x2];
	s4 =	simm.s32 $0x0;
	s2 =	srdreg.scid  }
0x4: {  	s18 =	stileid.u32;
	s19 =	simm.s32 $0x1000;
	s20 =	simm.s32 $0x1  }
0x5: {  	[smem:$0x7FF] =	sst s4;
	s2 =	sand.u32 $0x1, s2;
	s5 =	sshll.u32 s18, $0x1  }
0x6: {  	s12 =	sadd.s32 $0xDA00, s0;
	s13 =	sadd.s32 $0x3A00, s0;
	s8 =	smul.u32 $0x4E000, s18  }
0x7: {  	s0 =	sadd.s32 $0x17A00, s0;
	s11 =	smul.u32 $0x13800, s18;
	s9 =	sshll.u32 s18, $0x3  }
0x8: {  	s17 =	smul.u32 $0xA00, s18;
	p0 =	sgt.u32 s18, $0x1;
	s18 =	simm.s32 $0x7D  }
0x9: {  	_ =	strace $0x8000004A;
	s5 =	sor.u32 s2, s5;
	s16 =	smul.u32 $0x138800, s2  }
0xa: {  	s6 =	ssub.s32 $0x2, s2;
	s10 =	sor.u32 $0x2700, s9;
	s2 =	smul.u32 $0x500, s2  }
0xb: {  	s7 =	smul.u32 $0x500, s5;
	s24 =	sshrl.u32 s6, $0x1;
	s8 =	sshrl.u32 s8, $0x2  }
0xc: {  	s28 =	sshrl.u32 s11, $0x3;
	s15 =	sshll.u32 s10, $0x7;
	s10 =	sshll.u32 s10, $0x4  }
0xd: {  	s29 =	sadd.s32 s17, s12;
	s31 =	sadd.s32 s17, s13;
	s17 =	simm.s32 $0x800  }
0xe: {  	s14 =	ssub.s32 s6, s24;
	s9 =	sadd.s32 s15, s3;
	s10 =	sadd.s32 s1, s10  }
0xf: {  	s11 =	sadd.s32 s11, s16;
	s15 =	sadd.s32 s16, s15;
	s30 =	sadd.s32 s2, s29  }
0x10: {  	s2 =	sadd.s32 s2, s31;
	s16 =	simm.s32 $0x5;
	s24 =	simm.s32 $0x4  }
.Ltmp0:
0x11: {  	s25 =	sadd.s32 s12, s7;
	s26 =	sadd.s32 s13, s7;
	(pc) =	sbr.rel .LBB2_1-.Ltmp0, $4  }
0x12: {  	s7 =	sadd.s32 s8, s3;
	s8 =	sadd.s32 s1, s28;
	s11 =	sshrl.u32 s11, $0x3  }
0x13: {  	s15 =	sshrl.u32 s15, $0x3;
	s13 =	smax.u32 s14, $0x1;
	[dreg:$0x4] =	wrdreg s25  }
0x14: {  	[dreg:$0x5] =	wrdreg s26;
	s11 =	sadd.s32 s0, s11;
	s12 =	sadd.s32 s0, s15  }
0x15: {  	s0 =	sadd.s32 $0x20, s30;
	s15 =	sadd.s32 $0x10, s2;
	s25 =	simm.s32 $0x0  }
.LBB2_3:
0x16: {  	s14 =	sadd.s32 $0x3, s23;
	s5 =	simm.s32 $0xF80  }
0x17: {  	[spmem:s3] =	stream.indirect.scatter.add.f32 [tilespmem:s2], [sflag:s14], $0x80, s5, s18, $0xb8;
	[tilespmem:$0x1C880] =	vst v63  }
.LBB2_5:
0x18: {  	_ =	swait.ge [sflag:s24], $0x3E80  }
0x19: {  	[sflag:s24] =	ssyncset.done $0x0  }
0x1a: {  	[sflag:s24] =	ssyncadd.s32 $0xFFFFC180  }
0x1b: {  	[bflag:$0x0] =	sbarrier.arrive $0xFFFF  }
0x1c: {  	[hbm:s11], [sflag:s26] =	dma.local [spmem:s28], $0x2700  }
0x1d: {  	s25 =	sadd.s32 $0x1, s25;
	_ =	swait.ge [sflag:s16], $0x2700  }
0x1e: {  	p1 =	sne.s32 s25, s13;
	[sflag:s16] =	ssyncset.done $0x0  }
.Ltmp1:
0x1f: {  	s2 =	simm.s32 @!p0 $0x5;
	[sflag:s16] =	ssyncadd.s32 $0xFFFFD900;
	(pc) =	sbr.rel @!p1 .LBB2_6-.Ltmp1, $4  }
0x20: {  	[hbm:s12], [sflag:s26] =	dma.local @!p0 [spmem:s29], $0x80  }
0x21: {  	_ =	swait.ge @!p0 [sflag:s2], $0x80  }
0x22: {  	[sflag:s2] =	ssyncset.done @!p0 $0x0  }
0x23: {  	[sflag:s2] =	ssyncadd.s32 @!p0 $0xFFFFFF80  }
.LBB2_1:
0x24: {  	s2 =	rddreg [dreg:$0x4]  }
0x25: {  	[tilespmem:s4], [sflag:$0x5] =	stream.linear.gather [hbm4b:s2+s4], $0x800, $0x38;
	[tilespmem:$0x1C880] =	vst v63  }
0x26: {  	_ =	swait.ge [sflag:s16], $0x800  }
0x27: {  	[sflag:s16] =	ssyncset.done $0x0  }
0x28: {  	s21 =	rddreg [dreg:$0x5];
	[sflag:s16] =	ssyncadd.s32 $0xFFFFF800  }
0x29: {  	[tilespmem:s17], [sflag:$0x5] =	stream.linear.gather [hbm4b:s21+s4], $0x800, $0x38;
	[tilespmem:$0x1C880] =	vst v63  }
0x2a: {  	s22 =	stileid.u32;
	_ =	swait.ge [sflag:s16], $0x800  }
0x2b: {  	s2 =	sshll.u32 s22, $0x6;
	[sflag:s16] =	ssyncset.done $0x0  }
0x2c: {  	s28 =	sshrl.u32 s7, $0x3;
	s26 =	sor.u32 $0x1C05, s2;
	[sflag:s16] =	ssyncadd.s32 $0xFFFFF800  }
0x2d: {  	[spmem:s28], [sflag:s26] =	dma.local [hbm:s8], $0x2700  }
0x2e: {  	_ =	swait.ge [sflag:s16], $0x2700  }
0x2f: {  	[sflag:s16] =	ssyncset.done $0x0  }
0x30: {  	s29 =	sshrl.u32 @!p0 s9, $0x3;
	s2 =	simm.s32 @!p0 $0x5;
	[sflag:s16] =	ssyncadd.s32 $0xFFFFD900  }
0x31: {  	[spmem:s29], [sflag:s26] =	dma.local @!p0 [hbm:s10], $0x80  }
0x32: {  	_ =	swait.ge @!p0 [sflag:s2], $0x80  }
0x33: {  	[sflag:s2] =	ssyncset.done @!p0 $0x0  }
0x34: {  	[sflag:s2] =	ssyncadd.s32 @!p0 $0xFFFFFF80  }
0x35: {  	[bflag:$0x0] =	sbarrier.arrive $0xFFFF  }
0x36: {  	[tilespmem:s19], [sflag:$0x1] =	stream.indirect.gather [hbm4b:s1+s18], $0x80, s4, s18, $0xb8;
	[tilespmem:$0x1C880] =	vst v63  }
0x37: {  	_ =	swait.ge [sflag:s20], $0x3E80  }
0x38: {  	[sflag:s20] =	ssyncset.done $0x0  }
0x39: {  	s23 =	simm.s32 $0x80;
	s5 =	simm.s32 $0x5000;
	[sflag:s20] =	ssyncadd.s32 $0xFFFFC180  }
0x3a: {  	[tilespmem:s5], [sflag:$0x2] =	stream.indirect.gather [hbm4b:s1+s18], $0x80, s23, s18, $0xb8;
	[tilespmem:$0x1C880] =	vst v63  }
0x3b: {  	s30 =	simm.s32 $0x2;
	s31 =	smov.u32 s15;
	s14 =	smov.u32 s0  }
0x3c: {  	[spmem:s3] =	stream.indirect.scatter.add.f32 [tilespmem:s19], [sflag:$0x3], $0x80, s17, s18, $0xb8;
	[tilespmem:$0x1C880] =	vst v63  }
.LBB2_2:
0x3d: {  	s21 =	sadd.s32 $0xFFFFFFFF, s30  }
0x3e: {  	s23 =	sand.u32 $0x1, s21  }
0x3f: {  	s2 =	sadd.s32 $0x1, s23  }
0x40: {  	p1 =	sne.s32 s30, $0x50;
	_ =	swait.ge [sflag:s2], $0x3E80  }
.Ltmp2:
0x41: {  	s22 =	sxor.u32 $0x1, s23;
	[sflag:s2] =	ssyncset.done $0x0;
	(pc) =	sbr.rel @!p1 .LBB2_3-.Ltmp2, $4  }
0x42: {  	s22 =	sadd.s32 $0x3, s22;
	[sflag:s2] =	ssyncadd.s32 $0xFFFFC180  }
0x43: {  	_ =	swait.ge [sflag:s22], $0x3E80  }
0x44: {  	s6 =	sshll.u32 s23, $0xE;
	[sflag:s22] =	ssyncset.done $0x0  }
0x45: {  	s2 =	sor.u32 $0x1000, s6;
	[sflag:s22] =	ssyncadd.s32 $0xFFFFC180  }
0x46: {  	s22 =	sand.u32 $0xF, s30  }
0x47: {  	p1 =	sne.s32 s22, $0x0  }
0x48: {  	s5 =	simm.s32 @!p1 $0x0  }
0x49: {  	[tilespmem:s5], [sflag:$0x5] =	stream.linear.gather @!p1 [hbm4b:s14+s5], $0x800, $0x38;
	[tilespmem:$0x1C880] =	vst v63  }
0x4a: {  	s5 =	simm.s32 @!p1 $0x5  }
0x4b: {  	_ =	swait.ge @!p1 [sflag:s5], $0x800  }
0x4c: {  	s6 =	sand.u32 $0x1, s30;
	[sflag:s5] =	ssyncset.done @!p1 $0x0  }
0x4d: {  	[sflag:s5] =	ssyncadd.s32 @!p1 $0xFFFFF800;
	s5 =	sshll.u32 s6, $0xE  }
0x4e: {  	s22 =	sshll.u32 s22, $0x7;
	s6 =	sadd.s32 $0x1, s6;
	s5 =	sor.u32 $0x1000, s5  }
0x4f: {  	[tilespmem:s5], [sflag:s6] =	stream.indirect.gather [hbm4b:s1+s18], $0x80, s22, s18, $0xb8;
	[tilespmem:$0x1C880] =	vst v63  }
0x50: {  	s22 =	sand.u32 $0xF, s21  }
0x51: {  	p1 =	sne.s32 s22, $0x0  }
0x52: {  	s6 =	simm.s32 @!p1 $0x0;
	s21 =	simm.s32 @!p1 $0x800  }
0x53: {  	[tilespmem:s21], [sflag:$0x5] =	stream.linear.gather @!p1 [hbm4b:s31+s6], $0x800, $0x38;
	[tilespmem:$0x1C880] =	vst v63  }
0x54: {  	s6 =	simm.s32 @!p1 $0x5  }
0x55: {  	_ =	swait.ge @!p1 [sflag:s6], $0x800  }
0x56: {  	s30 =	sadd.s32 $0x1, s30;
	[sflag:s6] =	ssyncset.done @!p1 $0x0  }
0x57: {  	[sflag:s6] =	ssyncadd.s32 @!p1 $0xFFFFF800;
	p1 =	sne.s32 s30, $0x51  }
.Ltmp3:
0x58: {  	_ = 	snop;
	(pc) =	sbr.rel @p1 .LBB2_2-.Ltmp3, $4  }
.Ltmp4:
0x59: {  	_ = 	snop;
	(pc) =	sbr.rel @!p1 .LBB2_5-.Ltmp4, $4  }
0x5a: {  	s23 =	sadd.s32 $0x3, s23;
	s5 =	sshll.u32 s22, $0x7  }
0x5b: {  	s14 =	sadd.s32 $0x10, s14;
	s5 =	sor.u32 $0x800, s5;
	s31 =	sadd.s32 $0x10, s31  }
0x5c: {  	[spmem:s3] =	stream.indirect.scatter.add.f32 [tilespmem:s2], [sflag:s23], $0x80, s5, s18, $0xb8;
	[tilespmem:$0x1C880] =	vst v63  }
0x5d: {  	_ = 	snop  }
.LBB2_6:
0x5e: {  	_ =	sfence.sel $0x180000  }
0x5f: {  	[bflag:$0x0] =	sbarrier.arrive $0xFFFF  }
0x60: {  	_ =	strace $0x9000004A  }
0x61: {  	s0 =	stileid.u32;
	[bflag:$0x2] =	sbarrier.arrive $0xFFFF  }
0x62: {  	p0 =	sne.s32 s0, $0x0;
	s0 =	rddreg [dreg:$0x3]  }
0x63: {  	s0 =	sadd.s32 @!p0 $0x100000, s0  }
0x64: {  	[sflag:s0] =	ssyncadd.tile.s32 @!p0 $0x1;
	_ =	shalt  }
.Lfunc_end2:
_tile_overlayer_lowered:
.L_overlay_start_2:
0x65: {  	(tag) =	ssettag $0x2  }
0x66: {  	s0 =	rddreg [dreg:$0x0];
	s2 =	stileid.u32  }
0x67: {  	s1 =	rddreg [dreg:$0x1];
	p0 =	sne.s32 s2, $0x0  }
0x68: {  	s3 =	rddreg [dreg:$0x2];
	[bflag:$0x3] =	sbarrier.arrive $0xFFFF;
	s2 =	simm.s32 @!p0 $0x1C05  }
0x69: {  	[timem:s3], [sflag:s2] =	dma.local @!p0 [hbm:s0], s1  }
0x6a: {  	s0 =	simm.s32 @!p0 $0x5  }
0x6b: {  	_ =	swait.ge @!p0 [sflag:s0], s1  }
0x6c: {  	s1 =	ssub.s32 @!p0 $0x0, s1;
	[sflag:s0] =	ssyncset.done @!p0 $0x0  }
0x6d: {  	[sflag:s0] =	ssyncadd.s32 @!p0 s1  }
0x6e: {  	[bflag:$0x3] =	sbarrier.arrive $0xFFFF  }
0x6f: {  	_ =	shalt  }

// kernel: kernel.16.cloned.1.call-start
scs
__scs_entry_jumppad:
0x0: {  	(pc) =	sbr.rel $0x88, $3  }
0x1: {  	(tag) =	ssettag $0x0;
	lr =	simm.s32 $0x1  }
0x2: {  	[smem:$0x3F97] =	sst lr;
	_ =	strace $0xD0000000  }
0x3: {  	_ = 	snop  }
0x4: {  	_ = 	snop  }
0x5: {  	_ = 	snop  }
0x6: {  	_ = 	snop  }
0x7: {  	_ = 	snop  }
__scs_overlays_trampoline_lowered:
0x8: {  	[smem:$0x3FA6] =	sst s0  }
0x9: {  	[smem:$0x3FA7] =	sst s1  }
0xa: {  	[smem:$0x3FA8] =	sst s2  }
0xb: {  	[smem:$0x3FA9] =	sst s3  }
0xc: {  	[smem:$0x3FAA] =	sst s4  }
0xd: {  	[smem:$0x3FAB] =	sst s5  }
0xe: {  	[smem:$0x3FAC] =	sst s6  }
0xf: {  	[smem:$0x3FAD] =	sst s7  }
0x10: {  	[smem:$0x3FAE] =	sst s8  }
0x11: {  	[smem:$0x3FAF] =	sst s9;
	s0 =	simm.s32 @!p0 $0x0  }
0x12: {  	s1 =	sld [smem:$0x3F95];
	s0 =	simm.s32 @p0 $0x1  }
0x13: {  	[smem:$0x3FB0] =	sst s0;
	s0 =	simm.s32 @!p1 $0x0  }
0x14: {  	s2 =	sld [smem:$0x3F94];
	s0 =	simm.s32 @p1 $0x1  }
0x15: {  	[smem:$0x3FB1] =	sst s0;
	s0 =	simm.s32 @!p2 $0x0  }
0x16: {  	s3 =	sld [smem:$0x3FDB];
	s0 =	simm.s32 @p2 $0x1  }
0x17: {  	s4 =	simm.s32 $0x1BF5;
	[smem:$0x3FB3] =	sst s0  }
0x18: {  	s0 =	sld [smem:$0x3F96];
	_ =	swait.ge [sflag:s4], $0x0  }
0x19: {  	s7 =	sld [smem:$0x3F97]  }
0x1a: {  	s8 =	sadd.s32 $0xFFFFE003, lr  }
0x1b: {  	s9 =	sadd.s32 $0xFFFFFEF7, lr;
	s5 =	simm.s32 $0xFFFFFFFF;
	p2 =	slt.u32 s8, $0xFFFFF086  }
0x1c: {  	p1 =	slt.u32 s9, $0xF7A;
	s5 =	simm.s32 @!p2 $0x0  }
0x1d: {  	s5 =	simm.s32 @p1 $0x1;
	p0 =	seq.s32 s7, s2  }
0x1e: {  	s7 =	smul.u32 @!p0 $0xF7A, s2;
	p2 =	seq.s32 @!p0 s5, $0x0  }
0x1f: {  	s9 =	smul.u32 $0xF7A, s1;
	s8 =	simm.s32 @!p0 $0x1BF5;
	p2 =	por !p2, p0  }
0x20: {  	[sflag:s8] =	ssyncset.s32 @!p0 $0xFFFFF086;
	s6 =	sadd.s32 @!p0 s3, s7;
	s7 =	simm.s32 @!p0 $0x108  }
0x21: {  	s3 =	sadd.s32 s3, s9;
	s6 =	sadd.s32 @!p0 $0x88, s6;
	s7 =	simm.s32 @p2 $0x1082  }
0x22: {  	[simem:s7], [sflag:s8] =	dma.local @!p0 [hbm:s6], $0xF7A  }
0x23: {  	s9 =	sor.u32 $0xD0000000, s2;
	s6 =	simm.s32 $0x108;
	_ =	swait.ge @!p0 [sflag:s8], $0x0  }
0x24: {  	s3 =	sadd.s32 $0x88, s3;
	s6 =	simm.s32 @!p1 $0x1082;
	[sflag:s4] =	ssyncset.s32 $0xFFFFF086  }
0x25: {  	[simem:s6], [sflag:s4] =	dma.local [hbm:s3], $0xF7A  }
0x26: {  	[smem:$0x3F97] =	sst s1;
	(tag) =	ssettag s2;
	_ =	strace s9  }
0x27: {  	s1 =	sld [smem:$0x3FA7]  }
0x28: {  	s2 =	sld [smem:$0x3FA8]  }
0x29: {  	s4 =	sld [smem:$0x3FAA]  }
0x2a: {  	p0 =	seq.s32 s5, $0x0;
	s5 =	sld [smem:$0x3FAB]  }
0x2b: {  	s6 =	sld [smem:$0x3FAC]  }
0x2c: {  	s7 =	sld [smem:$0x3FAD]  }
0x2d: {  	s3 =	simm.s32 $0x108;
	s8 =	sld [smem:$0x3FAE]  }
0x2e: {  	s3 =	simm.s32 @!p0 $0x1082;
	s9 =	sld [smem:$0x3FAF]  }
0x2f: {  	lr =	sadd.s32 s0, s3;
	s0 =	sld [smem:$0x3FA6]  }
0x30: {  	s3 =	sld [smem:$0x3FA9]  }
0x31: {  	[smem:$0x3FB2] =	sst s10  }
0x32: {  	s10 =	sld [smem:$0x3FB0];
	_ =	sdelay $0x3  }
0x33: {  	p0 =	seq.s32 s10, $0x1;
	s10 =	sld [smem:$0x3FB2];
	_ =	sdelay $0x3  }
0x34: {  	[smem:$0x3FB2] =	sst s10  }
0x35: {  	s10 =	sld [smem:$0x3FB1];
	_ =	sdelay $0x3  }
0x36: {  	p1 =	seq.s32 s10, $0x1;
	s10 =	sld [smem:$0x3FB2];
	_ =	sdelay $0x3  }
0x37: {  	[smem:$0x3FB2] =	sst s10  }
0x38: {  	s10 =	sld [smem:$0x3FB3]  }
0x39: {  	_ = 	snop;
	(pc) =	sbr.ind lr, $3  }
0x3a: {  	_ = 	snop  }
0x3b: {  	_ = 	snop  }
0x3c: {  	p2 =	seq.s32 s10, $0x1;
	s10 =	sld [smem:$0x3FB2]  }
0x3d: {  	_ =	shalt  }
0x3e: {  	_ =	shalt  }
0x3f: {  	_ =	shalt  }
0x40: {  	_ =	shalt  }
0x41: {  	_ =	shalt  }
0x42: {  	_ =	shalt  }
0x43: {  	_ =	shalt  }
0x44: {  	_ =	shalt  }
0x45: {  	_ =	shalt  }
0x46: {  	_ =	shalt  }
0x47: {  	_ =	shalt  }
0x48: {  	_ =	shalt  }
0x49: {  	_ =	shalt  }
0x4a: {  	_ =	shalt  }
0x4b: {  	_ =	shalt  }
0x4c: {  	_ =	shalt  }
0x4d: {  	_ =	shalt  }
0x4e: {  	_ =	shalt  }
0x4f: {  	_ =	shalt  }
0x50: {  	_ =	shalt  }
0x51: {  	_ =	shalt  }
0x52: {  	_ =	shalt  }
0x53: {  	_ =	shalt  }
0x54: {  	_ =	shalt  }
0x55: {  	_ =	shalt  }
0x56: {  	_ =	shalt  }
0x57: {  	_ =	shalt  }
0x58: {  	_ =	shalt  }
0x59: {  	_ =	shalt  }
0x5a: {  	_ =	shalt  }
0x5b: {  	_ =	shalt  }
0x5c: {  	_ =	shalt  }
0x5d: {  	_ =	shalt  }
0x5e: {  	_ =	shalt  }
0x5f: {  	_ =	shalt  }
0x60: {  	_ =	shalt  }
0x61: {  	_ =	shalt  }
0x62: {  	_ =	shalt  }
0x63: {  	_ =	shalt  }
0x64: {  	_ =	shalt  }
0x65: {  	_ =	shalt  }
0x66: {  	_ =	shalt  }
0x67: {  	_ =	shalt  }
0x68: {  	_ =	shalt  }
0x69: {  	_ =	shalt  }
0x6a: {  	_ =	shalt  }
0x6b: {  	_ =	shalt  }
0x6c: {  	_ =	shalt  }
0x6d: {  	_ =	shalt  }
0x6e: {  	_ =	shalt  }
0x6f: {  	_ =	shalt  }
0x70: {  	_ =	shalt  }
0x71: {  	_ =	shalt  }
0x72: {  	_ =	shalt  }
0x73: {  	_ =	shalt  }
0x74: {  	_ =	shalt  }
0x75: {  	_ =	shalt  }
0x76: {  	_ =	shalt  }
0x77: {  	_ =	shalt  }
0x78: {  	_ =	shalt  }
0x79: {  	_ =	shalt  }
0x7a: {  	_ =	shalt  }
0x7b: {  	_ =	shalt  }
0x7c: {  	_ =	shalt  }
0x7d: {  	_ =	shalt  }
0x7e: {  	_ =	shalt  }
0x7f: {  	_ =	shalt  }
0x80: {  	_ =	shalt  }
0x81: {  	_ =	shalt  }
0x82: {  	_ =	shalt  }
0x83: {  	_ =	shalt  }
0x84: {  	_ =	shalt  }
0x85: {  	_ =	shalt  }
0x86: {  	_ =	shalt  }
0x87: {  	_ =	shalt  }
.Lfunc_end0:
.L_simem_size_0:
called_computation.2_lowered:
.L_overlay_start_0:
0x88: {  	s2 =	sld [smem:$0x3FD9]  }
0x89: {  	s3 =	sld [smem:$0x3FFE];
	_ =	sdelay $0x1  }
0x8a: {  	s1 =	srdreg.scid  }
0x8b: {  	s0 =	sand.u32 $0x1, s1  }
0x8c: {  	s17 =	sshll.u32 s0, $0xA;
	s2 =	sadd.s32 s3, s2  }
0x8d: {  	s2 =	sadd.s32 s2, s17  }
0x8e: {  	[smem:$0x3FBE] =	sst s2  }
0x8f: {  	_ = 	snop  }
0x90: {  	s2 =	sld [smem:$0x3FD0];
	(tm) =	ssettm $0x1  }
0x91: {  	s18 =	sld [smem:$0x3FFB];
	_ =	sdelay $0x3  }
0x92: {  	_ =	strace s18  }
0x93: {  	s3 =	sld [smem:$0x3FFC];
	_ =	sdelay $0x3  }
0x94: {  	_ =	strace s3  }
0x95: {  	s3 =	sld [smem:$0x3FFD];
	_ =	sdelay $0x3  }
0x96: {  	_ =	strace s3  }
0x97: {  	_ =	strace $0x8FFFFFFF  }
0x98: {  	s19 =	sld [smem:$0x3FDB];
	_ =	sdelay $0x1  }
0x99: {  	s4 =	simm.s32 $_scs_section_size  }
0x9a: {  	s5 =	simm.s32 $_size__tile_overlayer_lowered;
	s6 =	simm.s32 $_tile_overlayer_lowered  }
0x9b: {  	s22 =	simm.s32 $0x1BFF;
	s21 =	sshll.u32 s6, $0x1;
	s3 =	sadd.s32 s4, s19  }
0x9c: {  	s7 =	simm.s32 $0x0;
	s20 =	sshll.u32 s5, $0x1;
	s5 =	sadd.s32 s21, s3  }
0x9d: {  	[timem:s7], [sflag:s22] =	dma.local [hbm:s5], s20  }
0x9e: {  	_ =	swait.ge [sflag:s22], s20  }
0x9f: {  	s4 =	ssub.s32 $0x0, s20;
	[sflag:s22] =	ssyncset.done $0x0  }
0xa0: {  	[sflag:s22] =	ssyncadd.s32 s4;
	_ =	sdelay $0x1  }
0xa1: {  	s23 =	simm.s32 $0x1B8B  }
0xa2: {  	_ =	swait.ge [sflag:s23], $0x1  }
0xa3: {  	[sflag:s23] =	ssyncset.done $0x0  }
0xa4: {  	s25 =	simm.s32 $0x1B8E;
	s24 =	sld [smem:$0x3FFE];
	[sflag:s23] =	ssyncadd.s32 $0xFFFFFFFF  }
0xa5: {  	s26 =	simm.s32 $execute0_lowered;
	[smem:$0x3FD2] =	sst s25  }
0xa6: {  	s5 =	sshll.u32 s26, $0x1;
	_ =	strace $0x8000004C;
	[dreg:$0x1] =	wrdreg $0xFFFFFFFF  }
0xa7: {  	s28 =	simm.s32 $_size_execute0_lowered;
	s3 =	sadd.s32 s3, s5;
	[dreg:$0x0] =	wrdreg $0x0  }
0xa8: {  	s5 =	sshll.u32 s28, $0x1;
	[dreg:$0x2] =	wrdreg s3  }
0xa9: {  	[dreg:$0x3] =	wrdreg s5  }
0xaa: {  	[dreg:$0x4] =	wrdreg $0xC0  }
0xab: {  	_ =	task [dreg:s7], $0x5FFFF  }
0xac: {  	[dreg:$0x1] =	wrdreg $0xFFFFFFFF  }
0xad: {  	[dreg:$0x0] =	wrdreg $0x60  }
0xae: {  	[dreg:$0x2] =	wrdreg s2  }
0xaf: {  	[dreg:$0x3] =	wrdreg s24  }
0xb0: {  	[dreg:$0x4] =	wrdreg $0x90000  }
0xb1: {  	[dreg:$0x5] =	wrdreg $0x9  }
0xb2: {  	_ =	task.clear_ibuf [dreg:s7], $0x6FFFF;
	_ =	strace $0x9000004C  }
0xb3: {  	s29 =	simm.s32 $0x9;
	_ =	strace $0x8000004E  }
0xb4: {  	_ =	swait.ge [sflag:s29], $0x1  }
0xb5: {  	[sflag:s29] =	ssyncadd.s32 $0xFFFFFFFF  }
0xb6: {  	_ =	strace $0x9000004E  }
0xb7: {  	_ =	sfence  }
0xb8: {  	s30 =	sld [smem:$0x0];
	_ =	sdelay $0x2  }
0xb9: {  	s31 =	sshll.u32 s1, $0xD;
	s1 =	sshrl.u32 s1, $0x2  }
0xba: {  	s3 =	sand.u32 $0x4000, s31;
	s1 =	sadd.s32 s1, s30  }
0xbb: {  	s0 =	sor.u32 s3, s0;
	s1 =	sshll.u32 s1, $0x11  }
0xbc: {  	s0 =	sor.u32 s1, s0  }
0xbd: {  	s0 =	sadd.s32 $0x8F2B, s0  }
0xbe: {  	[sflag:s0] =	ssyncadd.remote.s32 $0x1  }
0xbf: {  	_ =	sfence.sel $0xFFFF  }
0xc0: {  	[dreg:$0x0] =	wrdreg $0xFFFFFFFF;
	(pc) =	sbr.abs _section_cstart, $3  }
0xc1: {  	[dreg:$0x1] =	wrdreg $0xFFFFFFFF  }
0xc2: {  	_ =	task.clear_ibuf [dreg:s7], $0x2FFFF;
	_ =	strace $0x9FFFFFFF  }
0xc3: {  	(tm) =	ssettm $0x7FFFFFFF  }
tec
execute0_lowered:
.L_overlay_start_1:
0x0: {  	(tag) =	ssettag $0x1  }
0x1: {  	s1 =	rddreg [dreg:$0x0]  }
0x2: {  	s0 =	rddreg [dreg:$0x1]  }
0x3: {  	s3 =	rddreg [dreg:$0x2];
	s4 =	simm.s32 $0x0;
	s2 =	srdreg.scid  }
0x4: {  	s18 =	stileid.u32;
	s19 =	simm.s32 $0x1000;
	s20 =	simm.s32 $0x1  }
0x5: {  	[smem:$0x7FF] =	sst s4;
	s2 =	sand.u32 $0x1, s2;
	s5 =	sshll.u32 s18, $0x1  }
0x6: {  	s12 =	sadd.s32 $0xDA00, s0;
	s13 =	sadd.s32 $0x3A00, s0;
	s8 =	smul.u32 $0x4E000, s18  }
0x7: {  	s0 =	sadd.s32 $0x17A00, s0;
	s11 =	smul.u32 $0x13800, s18;
	s9 =	sshll.u32 s18, $0x3  }
0x8: {  	s17 =	smul.u32 $0xA00, s18;
	p0 =	sgt.u32 s18, $0x1;
	s18 =	simm.s32 $0x7D  }
0x9: {  	_ =	strace $0x8000004D;
	s5 =	sor.u32 s2, s5;
	s16 =	smul.u32 $0x138800, s2  }
0xa: {  	s6 =	ssub.s32 $0x2, s2;
	s10 =	sor.u32 $0x2700, s9;
	s2 =	smul.u32 $0x500, s2  }
0xb: {  	s7 =	smul.u32 $0x500, s5;
	s24 =	sshrl.u32 s6, $0x1;
	s8 =	sshrl.u32 s8, $0x2  }
0xc: {  	s28 =	sshrl.u32 s11, $0x3;
	s15 =	sshll.u32 s10, $0x7;
	s10 =	sshll.u32 s10, $0x4  }
0xd: {  	s29 =	sadd.s32 s17, s12;
	s31 =	sadd.s32 s17, s13;
	s17 =	simm.s32 $0x800  }
0xe: {  	s14 =	ssub.s32 s6, s24;
	s9 =	sadd.s32 s15, s3;
	s10 =	sadd.s32 s1, s10  }
0xf: {  	s11 =	sadd.s32 s11, s16;
	s15 =	sadd.s32 s16, s15;
	s30 =	sadd.s32 s2, s29  }
0x10: {  	s2 =	sadd.s32 s2, s31;
	s16 =	simm.s32 $0x5;
	s24 =	simm.s32 $0x4  }
.Ltmp0:
0x11: {  	s25 =	sadd.s32 s12, s7;
	s26 =	sadd.s32 s13, s7;
	(pc) =	sbr.rel .LBB2_1-.Ltmp0, $4  }
0x12: {  	s7 =	sadd.s32 s8, s3;
	s8 =	sadd.s32 s1, s28;
	s11 =	sshrl.u32 s11, $0x3  }
0x13: {  	s15 =	sshrl.u32 s15, $0x3;
	s13 =	smax.u32 s14, $0x1;
	[dreg:$0x4] =	wrdreg s25  }
0x14: {  	[dreg:$0x5] =	wrdreg s26;
	s11 =	sadd.s32 s0, s11;
	s12 =	sadd.s32 s0, s15  }
0x15: {  	s0 =	sadd.s32 $0x20, s30;
	s15 =	sadd.s32 $0x10, s2;
	s25 =	simm.s32 $0x0  }
.LBB2_3:
0x16: {  	s14 =	sadd.s32 $0x3, s23;
	s5 =	simm.s32 $0xF80  }
0x17: {  	[spmem:s3] =	stream.indirect.scatter.add.f32 [tilespmem:s2], [sflag:s14], $0x80, s5, s18, $0xb8;
	[tilespmem:$0x1C880] =	vst v63  }
.LBB2_5:
0x18: {  	_ =	swait.ge [sflag:s24], $0x3E80  }
0x19: {  	[sflag:s24] =	ssyncset.done $0x0  }
0x1a: {  	[sflag:s24] =	ssyncadd.s32 $0xFFFFC180  }
0x1b: {  	[bflag:$0x0] =	sbarrier.arrive $0xFFFF  }
0x1c: {  	[hbm:s11], [sflag:s26] =	dma.local [spmem:s28], $0x2700  }
0x1d: {  	s25 =	sadd.s32 $0x1, s25;
	_ =	swait.ge [sflag:s16], $0x2700  }
0x1e: {  	p1 =	sne.s32 s25, s13;
	[sflag:s16] =	ssyncset.done $0x0  }
.Ltmp1:
0x1f: {  	s2 =	simm.s32 @!p0 $0x5;
	[sflag:s16] =	ssyncadd.s32 $0xFFFFD900;
	(pc) =	sbr.rel @!p1 .LBB2_6-.Ltmp1, $4  }
0x20: {  	[hbm:s12], [sflag:s26] =	dma.local @!p0 [spmem:s29], $0x80  }
0x21: {  	_ =	swait.ge @!p0 [sflag:s2], $0x80  }
0x22: {  	[sflag:s2] =	ssyncset.done @!p0 $0x0  }
0x23: {  	[sflag:s2] =	ssyncadd.s32 @!p0 $0xFFFFFF80  }
.LBB2_1:
0x24: {  	s2 =	rddreg [dreg:$0x4]  }
0x25: {  	[tilespmem:s4], [sflag:$0x5] =	stream.linear.gather [hbm4b:s2+s4], $0x800, $0x38;
	[tilespmem:$0x1C880] =	vst v63  }
0x26: {  	_ =	swait.ge [sflag:s16], $0x800  }
0x27: {  	[sflag:s16] =	ssyncset.done $0x0  }
0x28: {  	s21 =	rddreg [dreg:$0x5];
	[sflag:s16] =	ssyncadd.s32 $0xFFFFF800  }
0x29: {  	[tilespmem:s17], [sflag:$0x5] =	stream.linear.gather [hbm4b:s21+s4], $0x800, $0x38;
	[tilespmem:$0x1C880] =	vst v63  }
0x2a: {  	s22 =	stileid.u32;
	_ =	swait.ge [sflag:s16], $0x800  }
0x2b: {  	s2 =	sshll.u32 s22, $0x6;
	[sflag:s16] =	ssyncset.done $0x0  }
0x2c: {  	s28 =	sshrl.u32 s7, $0x3;
	s26 =	sor.u32 $0x1C05, s2;
	[sflag:s16] =	ssyncadd.s32 $0xFFFFF800  }
0x2d: {  	[spmem:s28], [sflag:s26] =	dma.local [hbm:s8], $0x2700  }
0x2e: {  	_ =	swait.ge [sflag:s16], $0x2700  }
0x2f: {  	[sflag:s16] =	ssyncset.done $0x0  }
0x30: {  	s29 =	sshrl.u32 @!p0 s9, $0x3;
	s2 =	simm.s32 @!p0 $0x5;
	[sflag:s16] =	ssyncadd.s32 $0xFFFFD900  }
0x31: {  	[spmem:s29], [sflag:s26] =	dma.local @!p0 [hbm:s10], $0x80  }
0x32: {  	_ =	swait.ge @!p0 [sflag:s2], $0x80  }
0x33: {  	[sflag:s2] =	ssyncset.done @!p0 $0x0  }
0x34: {  	[sflag:s2] =	ssyncadd.s32 @!p0 $0xFFFFFF80  }
0x35: {  	[bflag:$0x0] =	sbarrier.arrive $0xFFFF  }
0x36: {  	[tilespmem:s19], [sflag:$0x1] =	stream.indirect.gather [hbm4b:s1+s18], $0x80, s4, s18, $0xb8;
	[tilespmem:$0x1C880] =	vst v63  }
0x37: {  	_ =	swait.ge [sflag:s20], $0x3E80  }
0x38: {  	[sflag:s20] =	ssyncset.done $0x0  }
0x39: {  	s23 =	simm.s32 $0x80;
	s5 =	simm.s32 $0x5000;
	[sflag:s20] =	ssyncadd.s32 $0xFFFFC180  }
0x3a: {  	[tilespmem:s5], [sflag:$0x2] =	stream.indirect.gather [hbm4b:s1+s18], $0x80, s23, s18, $0xb8;
	[tilespmem:$0x1C880] =	vst v63  }
0x3b: {  	s30 =	simm.s32 $0x2;
	s31 =	smov.u32 s15;
	s14 =	smov.u32 s0  }
0x3c: {  	[spmem:s3] =	stream.indirect.scatter.add.f32 [tilespmem:s19], [sflag:$0x3], $0x80, s17, s18, $0xb8;
	[tilespmem:$0x1C880] =	vst v63  }
.LBB2_2:
0x3d: {  	s21 =	sadd.s32 $0xFFFFFFFF, s30  }
0x3e: {  	s23 =	sand.u32 $0x1, s21  }
0x3f: {  	s2 =	sadd.s32 $0x1, s23  }
0x40: {  	p1 =	sne.s32 s30, $0x50;
	_ =	swait.ge [sflag:s2], $0x3E80  }
.Ltmp2:
0x41: {  	s22 =	sxor.u32 $0x1, s23;
	[sflag:s2] =	ssyncset.done $0x0;
	(pc) =	sbr.rel @!p1 .LBB2_3-.Ltmp2, $4  }
0x42: {  	s22 =	sadd.s32 $0x3, s22;
	[sflag:s2] =	ssyncadd.s32 $0xFFFFC180  }
0x43: {  	_ =	swait.ge [sflag:s22], $0x3E80  }
0x44: {  	s6 =	sshll.u32 s23, $0xE;
	[sflag:s22] =	ssyncset.done $0x0  }
0x45: {  	s2 =	sor.u32 $0x1000, s6;
	[sflag:s22] =	ssyncadd.s32 $0xFFFFC180  }
0x46: {  	s22 =	sand.u32 $0xF, s30  }
0x47: {  	p1 =	sne.s32 s22, $0x0  }
0x48: {  	s5 =	simm.s32 @!p1 $0x0  }
0x49: {  	[tilespmem:s5], [sflag:$0x5] =	stream.linear.gather @!p1 [hbm4b:s14+s5], $0x800, $0x38;
	[tilespmem:$0x1C880] =	vst v63  }
0x4a: {  	s5 =	simm.s32 @!p1 $0x5  }
0x4b: {  	_ =	swait.ge @!p1 [sflag:s5], $0x800  }
0x4c: {  	s6 =	sand.u32 $0x1, s30;
	[sflag:s5] =	ssyncset.done @!p1 $0x0  }
0x4d: {  	[sflag:s5] =	ssyncadd.s32 @!p1 $0xFFFFF800;
	s5 =	sshll.u32 s6, $0xE  }
0x4e: {  	s22 =	sshll.u32 s22, $0x7;
	s6 =	sadd.s32 $0x1, s6;
	s5 =	sor.u32 $0x1000, s5  }
0x4f: {  	[tilespmem:s5], [sflag:s6] =	stream.indirect.gather [hbm4b:s1+s18], $0x80, s22, s18, $0xb8;
	[tilespmem:$0x1C880] =	vst v63  }
0x50: {  	s22 =	sand.u32 $0xF, s21  }
0x51: {  	p1 =	sne.s32 s22, $0x0  }
0x52: {  	s6 =	simm.s32 @!p1 $0x0;
	s21 =	simm.s32 @!p1 $0x800  }
0x53: {  	[tilespmem:s21], [sflag:$0x5] =	stream.linear.gather @!p1 [hbm4b:s31+s6], $0x800, $0x38;
	[tilespmem:$0x1C880] =	vst v63  }
0x54: {  	s6 =	simm.s32 @!p1 $0x5  }
0x55: {  	_ =	swait.ge @!p1 [sflag:s6], $0x800  }
0x56: {  	s30 =	sadd.s32 $0x1, s30;
	[sflag:s6] =	ssyncset.done @!p1 $0x0  }
0x57: {  	[sflag:s6] =	ssyncadd.s32 @!p1 $0xFFFFF800;
	p1 =	sne.s32 s30, $0x51  }
.Ltmp3:
0x58: {  	_ = 	snop;
	(pc) =	sbr.rel @p1 .LBB2_2-.Ltmp3, $4  }
.Ltmp4:
0x59: {  	_ = 	snop;
	(pc) =	sbr.rel @!p1 .LBB2_5-.Ltmp4, $4  }
0x5a: {  	s23 =	sadd.s32 $0x3, s23;
	s5 =	sshll.u32 s22, $0x7  }
0x5b: {  	s14 =	sadd.s32 $0x10, s14;
	s5 =	sor.u32 $0x800, s5;
	s31 =	sadd.s32 $0x10, s31  }
0x5c: {  	[spmem:s3] =	stream.indirect.scatter.add.f32 [tilespmem:s2], [sflag:s23], $0x80, s5, s18, $0xb8;
	[tilespmem:$0x1C880] =	vst v63  }
0x5d: {  	_ = 	snop  }
.LBB2_6:
0x5e: {  	_ =	sfence.sel $0x180000  }
0x5f: {  	[bflag:$0x0] =	sbarrier.arrive $0xFFFF  }
0x60: {  	_ =	strace $0x9000004D  }
0x61: {  	s0 =	stileid.u32;
	[bflag:$0x2] =	sbarrier.arrive $0xFFFF  }
0x62: {  	p0 =	sne.s32 s0, $0x0;
	s0 =	rddreg [dreg:$0x3]  }
0x63: {  	s0 =	sadd.s32 @!p0 $0x100000, s0  }
0x64: {  	[sflag:s0] =	ssyncadd.tile.s32 @!p0 $0x1;
	_ =	shalt  }
.Lfunc_end2:
_tile_overlayer_lowered:
.L_overlay_start_2:
0x65: {  	(tag) =	ssettag $0x2  }
0x66: {  	s0 =	rddreg [dreg:$0x0];
	s2 =	stileid.u32  }
0x67: {  	s1 =	rddreg [dreg:$0x1];
	p0 =	sne.s32 s2, $0x0  }
0x68: {  	s3 =	rddreg [dreg:$0x2];
	[bflag:$0x3] =	sbarrier.arrive $0xFFFF;
	s2 =	simm.s32 @!p0 $0x1C05  }
0x69: {  	[timem:s3], [sflag:s2] =	dma.local @!p0 [hbm:s0], s1  }
0x6a: {  	s0 =	simm.s32 @!p0 $0x5  }
0x6b: {  	_ =	swait.ge @!p0 [sflag:s0], s1  }
0x6c: {  	s1 =	ssub.s32 @!p0 $0x0, s1;
	[sflag:s0] =	ssyncset.done @!p0 $0x0  }
0x6d: {  	[sflag:s0] =	ssyncadd.s32 @!p0 s1  }
0x6e: {  	[bflag:$0x3] =	sbarrier.arrive $0xFFFF  }
0x6f: {  	_ =	shalt  }

// kernel: kernel.19.cloned.1.call-start
scs
__scs_entry_jumppad:
0x0: {  	(pc) =	sbr.rel $0x88, $3  }
0x1: {  	(tag) =	ssettag $0x0;
	lr =	simm.s32 $0x1  }
0x2: {  	[smem:$0x3F97] =	sst lr;
	_ =	strace $0xD0000000  }
0x3: {  	_ = 	snop  }
0x4: {  	_ = 	snop  }
0x5: {  	_ = 	snop  }
0x6: {  	_ = 	snop  }
0x7: {  	_ = 	snop  }
__scs_overlays_trampoline_lowered:
0x8: {  	[smem:$0x3FA6] =	sst s0  }
0x9: {  	[smem:$0x3FA7] =	sst s1  }
0xa: {  	[smem:$0x3FA8] =	sst s2  }
0xb: {  	[smem:$0x3FA9] =	sst s3  }
0xc: {  	[smem:$0x3FAA] =	sst s4  }
0xd: {  	[smem:$0x3FAB] =	sst s5  }
0xe: {  	[smem:$0x3FAC] =	sst s6  }
0xf: {  	[smem:$0x3FAD] =	sst s7  }
0x10: {  	[smem:$0x3FAE] =	sst s8  }
0x11: {  	[smem:$0x3FAF] =	sst s9;
	s0 =	simm.s32 @!p0 $0x0  }
0x12: {  	s1 =	sld [smem:$0x3F95];
	s0 =	simm.s32 @p0 $0x1  }
0x13: {  	[smem:$0x3FB0] =	sst s0;
	s0 =	simm.s32 @!p1 $0x0  }
0x14: {  	s2 =	sld [smem:$0x3F94];
	s0 =	simm.s32 @p1 $0x1  }
0x15: {  	[smem:$0x3FB1] =	sst s0;
	s0 =	simm.s32 @!p2 $0x0  }
0x16: {  	s3 =	sld [smem:$0x3FDB];
	s0 =	simm.s32 @p2 $0x1  }
0x17: {  	s4 =	simm.s32 $0x1BF5;
	[smem:$0x3FB3] =	sst s0  }
0x18: {  	s0 =	sld [smem:$0x3F96];
	_ =	swait.ge [sflag:s4], $0x0  }
0x19: {  	s7 =	sld [smem:$0x3F97]  }
0x1a: {  	s8 =	sadd.s32 $0xFFFFE003, lr  }
0x1b: {  	s9 =	sadd.s32 $0xFFFFFEF7, lr;
	s5 =	simm.s32 $0xFFFFFFFF;
	p2 =	slt.u32 s8, $0xFFFFF086  }
0x1c: {  	p1 =	slt.u32 s9, $0xF7A;
	s5 =	simm.s32 @!p2 $0x0  }
0x1d: {  	s5 =	simm.s32 @p1 $0x1;
	p0 =	seq.s32 s7, s2  }
0x1e: {  	s7 =	smul.u32 @!p0 $0xF7A, s2;
	p2 =	seq.s32 @!p0 s5, $0x0  }
0x1f: {  	s9 =	smul.u32 $0xF7A, s1;
	s8 =	simm.s32 @!p0 $0x1BF5;
	p2 =	por !p2, p0  }
0x20: {  	[sflag:s8] =	ssyncset.s32 @!p0 $0xFFFFF086;
	s6 =	sadd.s32 @!p0 s3, s7;
	s7 =	simm.s32 @!p0 $0x108  }
0x21: {  	s3 =	sadd.s32 s3, s9;
	s6 =	sadd.s32 @!p0 $0x88, s6;
	s7 =	simm.s32 @p2 $0x1082  }
0x22: {  	[simem:s7], [sflag:s8] =	dma.local @!p0 [hbm:s6], $0xF7A  }
0x23: {  	s9 =	sor.u32 $0xD0000000, s2;
	s6 =	simm.s32 $0x108;
	_ =	swait.ge @!p0 [sflag:s8], $0x0  }
0x24: {  	s3 =	sadd.s32 $0x88, s3;
	s6 =	simm.s32 @!p1 $0x1082;
	[sflag:s4] =	ssyncset.s32 $0xFFFFF086  }
0x25: {  	[simem:s6], [sflag:s4] =	dma.local [hbm:s3], $0xF7A  }
0x26: {  	[smem:$0x3F97] =	sst s1;
	(tag) =	ssettag s2;
	_ =	strace s9  }
0x27: {  	s1 =	sld [smem:$0x3FA7]  }
0x28: {  	s2 =	sld [smem:$0x3FA8]  }
0x29: {  	s4 =	sld [smem:$0x3FAA]  }
0x2a: {  	p0 =	seq.s32 s5, $0x0;
	s5 =	sld [smem:$0x3FAB]  }
0x2b: {  	s6 =	sld [smem:$0x3FAC]  }
0x2c: {  	s7 =	sld [smem:$0x3FAD]  }
0x2d: {  	s3 =	simm.s32 $0x108;
	s8 =	sld [smem:$0x3FAE]  }
0x2e: {  	s3 =	simm.s32 @!p0 $0x1082;
	s9 =	sld [smem:$0x3FAF]  }
0x2f: {  	lr =	sadd.s32 s0, s3;
	s0 =	sld [smem:$0x3FA6]  }
0x30: {  	s3 =	sld [smem:$0x3FA9]  }
0x31: {  	[smem:$0x3FB2] =	sst s10  }
0x32: {  	s10 =	sld [smem:$0x3FB0];
	_ =	sdelay $0x3  }
0x33: {  	p0 =	seq.s32 s10, $0x1;
	s10 =	sld [smem:$0x3FB2];
	_ =	sdelay $0x3  }
0x34: {  	[smem:$0x3FB2] =	sst s10  }
0x35: {  	s10 =	sld [smem:$0x3FB1];
	_ =	sdelay $0x3  }
0x36: {  	p1 =	seq.s32 s10, $0x1;
	s10 =	sld [smem:$0x3FB2];
	_ =	sdelay $0x3  }
0x37: {  	[smem:$0x3FB2] =	sst s10  }
0x38: {  	s10 =	sld [smem:$0x3FB3]  }
0x39: {  	_ = 	snop;
	(pc) =	sbr.ind lr, $3  }
0x3a: {  	_ = 	snop  }
0x3b: {  	_ = 	snop  }
0x3c: {  	p2 =	seq.s32 s10, $0x1;
	s10 =	sld [smem:$0x3FB2]  }
0x3d: {  	_ =	shalt  }
0x3e: {  	_ =	shalt  }
0x3f: {  	_ =	shalt  }
0x40: {  	_ =	shalt  }
0x41: {  	_ =	shalt  }
0x42: {  	_ =	shalt  }
0x43: {  	_ =	shalt  }
0x44: {  	_ =	shalt  }
0x45: {  	_ =	shalt  }
0x46: {  	_ =	shalt  }
0x47: {  	_ =	shalt  }
0x48: {  	_ =	shalt  }
0x49: {  	_ =	shalt  }
0x4a: {  	_ =	shalt  }
0x4b: {  	_ =	shalt  }
0x4c: {  	_ =	shalt  }
0x4d: {  	_ =	shalt  }
0x4e: {  	_ =	shalt  }
0x4f: {  	_ =	shalt  }
0x50: {  	_ =	shalt  }
0x51: {  	_ =	shalt  }
0x52: {  	_ =	shalt  }
0x53: {  	_ =	shalt  }
0x54: {  	_ =	shalt  }
0x55: {  	_ =	shalt  }
0x56: {  	_ =	shalt  }
0x57: {  	_ =	shalt  }
0x58: {  	_ =	shalt  }
0x59: {  	_ =	shalt  }
0x5a: {  	_ =	shalt  }
0x5b: {  	_ =	shalt  }
0x5c: {  	_ =	shalt  }
0x5d: {  	_ =	shalt  }
0x5e: {  	_ =	shalt  }
0x5f: {  	_ =	shalt  }
0x60: {  	_ =	shalt  }
0x61: {  	_ =	shalt  }
0x62: {  	_ =	shalt  }
0x63: {  	_ =	shalt  }
0x64: {  	_ =	shalt  }
0x65: {  	_ =	shalt  }
0x66: {  	_ =	shalt  }
0x67: {  	_ =	shalt  }
0x68: {  	_ =	shalt  }
0x69: {  	_ =	shalt  }
0x6a: {  	_ =	shalt  }
0x6b: {  	_ =	shalt  }
0x6c: {  	_ =	shalt  }
0x6d: {  	_ =	shalt  }
0x6e: {  	_ =	shalt  }
0x6f: {  	_ =	shalt  }
0x70: {  	_ =	shalt  }
0x71: {  	_ =	shalt  }
0x72: {  	_ =	shalt  }
0x73: {  	_ =	shalt  }
0x74: {  	_ =	shalt  }
0x75: {  	_ =	shalt  }
0x76: {  	_ =	shalt  }
0x77: {  	_ =	shalt  }
0x78: {  	_ =	shalt  }
0x79: {  	_ =	shalt  }
0x7a: {  	_ =	shalt  }
0x7b: {  	_ =	shalt  }
0x7c: {  	_ =	shalt  }
0x7d: {  	_ =	shalt  }
0x7e: {  	_ =	shalt  }
0x7f: {  	_ =	shalt  }
0x80: {  	_ =	shalt  }
0x81: {  	_ =	shalt  }
0x82: {  	_ =	shalt  }
0x83: {  	_ =	shalt  }
0x84: {  	_ =	shalt  }
0x85: {  	_ =	shalt  }
0x86: {  	_ =	shalt  }
0x87: {  	_ =	shalt  }
.Lfunc_end0:
.L_simem_size_0:
called_computation.3_lowered:
.L_overlay_start_0:
0x88: {  	s2 =	sld [smem:$0x3FD9]  }
0x89: {  	s3 =	sld [smem:$0x3FFE];
	_ =	sdelay $0x1  }
0x8a: {  	s1 =	srdreg.scid  }
0x8b: {  	s0 =	sand.u32 $0x1, s1  }
0x8c: {  	s17 =	sshll.u32 s0, $0xA;
	s2 =	sadd.s32 s3, s2  }
0x8d: {  	s2 =	sadd.s32 s2, s17  }
0x8e: {  	[smem:$0x3FBE] =	sst s2  }
0x8f: {  	_ = 	snop  }
0x90: {  	s2 =	sld [smem:$0x3FD0];
	(tm) =	ssettm $0x1  }
0x91: {  	s18 =	sld [smem:$0x3FFB];
	_ =	sdelay $0x3  }
0x92: {  	_ =	strace s18  }
0x93: {  	s3 =	sld [smem:$0x3FFC];
	_ =	sdelay $0x3  }
0x94: {  	_ =	strace s3  }
0x95: {  	s3 =	sld [smem:$0x3FFD];
	_ =	sdelay $0x3  }
0x96: {  	_ =	strace s3  }
0x97: {  	_ =	strace $0x8FFFFFFF  }
0x98: {  	s19 =	sld [smem:$0x3FDB];
	_ =	sdelay $0x1  }
0x99: {  	s4 =	simm.s32 $_scs_section_size  }
0x9a: {  	s5 =	simm.s32 $_size__tile_overlayer_lowered;
	s6 =	simm.s32 $_tile_overlayer_lowered  }
0x9b: {  	s22 =	simm.s32 $0x1BFF;
	s21 =	sshll.u32 s6, $0x1;
	s3 =	sadd.s32 s4, s19  }
0x9c: {  	s7 =	simm.s32 $0x0;
	s20 =	sshll.u32 s5, $0x1;
	s5 =	sadd.s32 s21, s3  }
0x9d: {  	[timem:s7], [sflag:s22] =	dma.local [hbm:s5], s20  }
0x9e: {  	_ =	swait.ge [sflag:s22], s20  }
0x9f: {  	s4 =	ssub.s32 $0x0, s20;
	[sflag:s22] =	ssyncset.done $0x0  }
0xa0: {  	[sflag:s22] =	ssyncadd.s32 s4;
	_ =	sdelay $0x1  }
0xa1: {  	s23 =	simm.s32 $0x1B8B  }
0xa2: {  	_ =	swait.ge [sflag:s23], $0x1  }
0xa3: {  	[sflag:s23] =	ssyncset.done $0x0  }
0xa4: {  	s25 =	simm.s32 $0x1B8E;
	s24 =	sld [smem:$0x3FFE];
	[sflag:s23] =	ssyncadd.s32 $0xFFFFFFFF  }
0xa5: {  	s26 =	simm.s32 $execute0_lowered;
	[smem:$0x3FD2] =	sst s25  }
0xa6: {  	s5 =	sshll.u32 s26, $0x1;
	_ =	strace $0x8000004F;
	[dreg:$0x1] =	wrdreg $0xFFFFFFFF  }
0xa7: {  	s28 =	simm.s32 $_size_execute0_lowered;
	s3 =	sadd.s32 s3, s5;
	[dreg:$0x0] =	wrdreg $0x0  }
0xa8: {  	s5 =	sshll.u32 s28, $0x1;
	[dreg:$0x2] =	wrdreg s3  }
0xa9: {  	[dreg:$0x3] =	wrdreg s5  }
0xaa: {  	[dreg:$0x4] =	wrdreg $0xC0  }
0xab: {  	_ =	task [dreg:s7], $0x5FFFF  }
0xac: {  	[dreg:$0x1] =	wrdreg $0xFFFFFFFF  }
0xad: {  	[dreg:$0x0] =	wrdreg $0x60  }
0xae: {  	[dreg:$0x2] =	wrdreg s2  }
0xaf: {  	[dreg:$0x3] =	wrdreg s24  }
0xb0: {  	[dreg:$0x4] =	wrdreg $0x90000  }
0xb1: {  	[dreg:$0x5] =	wrdreg $0x9  }
0xb2: {  	_ =	task.clear_ibuf [dreg:s7], $0x6FFFF;
	_ =	strace $0x9000004F  }
0xb3: {  	s29 =	simm.s32 $0x9;
	_ =	strace $0x80000051  }
0xb4: {  	_ =	swait.ge [sflag:s29], $0x1  }
0xb5: {  	[sflag:s29] =	ssyncadd.s32 $0xFFFFFFFF  }
0xb6: {  	_ =	strace $0x90000051  }
0xb7: {  	_ =	sfence  }
0xb8: {  	s30 =	sld [smem:$0x0];
	_ =	sdelay $0x2  }
0xb9: {  	s31 =	sshll.u32 s1, $0xD;
	s1 =	sshrl.u32 s1, $0x2  }
0xba: {  	s3 =	sand.u32 $0x4000, s31;
	s1 =	sadd.s32 s1, s30  }
0xbb: {  	s0 =	sor.u32 s3, s0;
	s1 =	sshll.u32 s1, $0x11  }
0xbc: {  	s0 =	sor.u32 s1, s0  }
0xbd: {  	s0 =	sadd.s32 $0x8F2B, s0  }
0xbe: {  	[sflag:s0] =	ssyncadd.remote.s32 $0x1  }
0xbf: {  	_ =	sfence.sel $0xFFFF  }
0xc0: {  	[dreg:$0x0] =	wrdreg $0xFFFFFFFF;
	(pc) =	sbr.abs _section_cstart, $3  }
0xc1: {  	[dreg:$0x1] =	wrdreg $0xFFFFFFFF  }
0xc2: {  	_ =	task.clear_ibuf [dreg:s7], $0x2FFFF;
	_ =	strace $0x9FFFFFFF  }
0xc3: {  	(tm) =	ssettm $0x7FFFFFFF  }
tec
execute0_lowered:
.L_overlay_start_1:
0x0: {  	(tag) =	ssettag $0x1  }
0x1: {  	s1 =	rddreg [dreg:$0x0]  }
0x2: {  	s0 =	rddreg [dreg:$0x1]  }
0x3: {  	s3 =	rddreg [dreg:$0x2];
	s4 =	simm.s32 $0x0;
	s2 =	srdreg.scid  }
0x4: {  	s18 =	stileid.u32;
	s19 =	simm.s32 $0x1000;
	s20 =	simm.s32 $0x1  }
0x5: {  	[smem:$0x7FF] =	sst s4;
	s2 =	sand.u32 $0x1, s2;
	s5 =	sshll.u32 s18, $0x1  }
0x6: {  	s12 =	sadd.s32 $0xDA00, s0;
	s13 =	sadd.s32 $0x3A00, s0;
	s8 =	smul.u32 $0x4E000, s18  }
0x7: {  	s0 =	sadd.s32 $0x17A00, s0;
	s11 =	smul.u32 $0x13800, s18;
	s9 =	sshll.u32 s18, $0x3  }
0x8: {  	s17 =	smul.u32 $0xA00, s18;
	p0 =	sgt.u32 s18, $0x1;
	s18 =	simm.s32 $0x7D  }
0x9: {  	_ =	strace $0x80000050;
	s5 =	sor.u32 s2, s5;
	s16 =	smul.u32 $0x138800, s2  }
0xa: {  	s6 =	ssub.s32 $0x2, s2;
	s10 =	sor.u32 $0x2700, s9;
	s2 =	smul.u32 $0x500, s2  }
0xb: {  	s7 =	smul.u32 $0x500, s5;
	s24 =	sshrl.u32 s6, $0x1;
	s8 =	sshrl.u32 s8, $0x2  }
0xc: {  	s28 =	sshrl.u32 s11, $0x3;
	s15 =	sshll.u32 s10, $0x7;
	s10 =	sshll.u32 s10, $0x4  }
0xd: {  	s29 =	sadd.s32 s17, s12;
	s31 =	sadd.s32 s17, s13;
	s17 =	simm.s32 $0x800  }
0xe: {  	s14 =	ssub.s32 s6, s24;
	s9 =	sadd.s32 s15, s3;
	s10 =	sadd.s32 s1, s10  }
0xf: {  	s11 =	sadd.s32 s11, s16;
	s15 =	sadd.s32 s16, s15;
	s30 =	sadd.s32 s2, s29  }
0x10: {  	s2 =	sadd.s32 s2, s31;
	s16 =	simm.s32 $0x5;
	s24 =	simm.s32 $0x4  }
.Ltmp0:
0x11: {  	s25 =	sadd.s32 s12, s7;
	s26 =	sadd.s32 s13, s7;
	(pc) =	sbr.rel .LBB2_1-.Ltmp0, $4  }
0x12: {  	s7 =	sadd.s32 s8, s3;
	s8 =	sadd.s32 s1, s28;
	s11 =	sshrl.u32 s11, $0x3  }
0x13: {  	s15 =	sshrl.u32 s15, $0x3;
	s13 =	smax.u32 s14, $0x1;
	[dreg:$0x4] =	wrdreg s25  }
0x14: {  	[dreg:$0x5] =	wrdreg s26;
	s11 =	sadd.s32 s0, s11;
	s12 =	sadd.s32 s0, s15  }
0x15: {  	s0 =	sadd.s32 $0x20, s30;
	s15 =	sadd.s32 $0x10, s2;
	s25 =	simm.s32 $0x0  }
.LBB2_3:
0x16: {  	s14 =	sadd.s32 $0x3, s23;
	s5 =	simm.s32 $0xF80  }
0x17: {  	[spmem:s3] =	stream.indirect.scatter.add.f32 [tilespmem:s2], [sflag:s14], $0x80, s5, s18, $0xb8;
	[tilespmem:$0x1C880] =	vst v63  }
.LBB2_5:
0x18: {  	_ =	swait.ge [sflag:s24], $0x3E80  }
0x19: {  	[sflag:s24] =	ssyncset.done $0x0  }
0x1a: {  	[sflag:s24] =	ssyncadd.s32 $0xFFFFC180  }
0x1b: {  	[bflag:$0x0] =	sbarrier.arrive $0xFFFF  }
0x1c: {  	[hbm:s11], [sflag:s26] =	dma.local [spmem:s28], $0x2700  }
0x1d: {  	s25 =	sadd.s32 $0x1, s25;
	_ =	swait.ge [sflag:s16], $0x2700  }
0x1e: {  	p1 =	sne.s32 s25, s13;
	[sflag:s16] =	ssyncset.done $0x0  }
.Ltmp1:
0x1f: {  	s2 =	simm.s32 @!p0 $0x5;
	[sflag:s16] =	ssyncadd.s32 $0xFFFFD900;
	(pc) =	sbr.rel @!p1 .LBB2_6-.Ltmp1, $4  }
0x20: {  	[hbm:s12], [sflag:s26] =	dma.local @!p0 [spmem:s29], $0x80  }
0x21: {  	_ =	swait.ge @!p0 [sflag:s2], $0x80  }
0x22: {  	[sflag:s2] =	ssyncset.done @!p0 $0x0  }
0x23: {  	[sflag:s2] =	ssyncadd.s32 @!p0 $0xFFFFFF80  }
.LBB2_1:
0x24: {  	s2 =	rddreg [dreg:$0x4]  }
0x25: {  	[tilespmem:s4], [sflag:$0x5] =	stream.linear.gather [hbm4b:s2+s4], $0x800, $0x38;
	[tilespmem:$0x1C880] =	vst v63  }
0x26: {  	_ =	swait.ge [sflag:s16], $0x800  }
0x27: {  	[sflag:s16] =	ssyncset.done $0x0  }
0x28: {  	s21 =	rddreg [dreg:$0x5];
	[sflag:s16] =	ssyncadd.s32 $0xFFFFF800  }
0x29: {  	[tilespmem:s17], [sflag:$0x5] =	stream.linear.gather [hbm4b:s21+s4], $0x800, $0x38;
	[tilespmem:$0x1C880] =	vst v63  }
0x2a: {  	s22 =	stileid.u32;
	_ =	swait.ge [sflag:s16], $0x800  }
0x2b: {  	s2 =	sshll.u32 s22, $0x6;
	[sflag:s16] =	ssyncset.done $0x0  }
0x2c: {  	s28 =	sshrl.u32 s7, $0x3;
	s26 =	sor.u32 $0x1C05, s2;
	[sflag:s16] =	ssyncadd.s32 $0xFFFFF800  }
0x2d: {  	[spmem:s28], [sflag:s26] =	dma.local [hbm:s8], $0x2700  }
0x2e: {  	_ =	swait.ge [sflag:s16], $0x2700  }
0x2f: {  	[sflag:s16] =	ssyncset.done $0x0  }
0x30: {  	s29 =	sshrl.u32 @!p0 s9, $0x3;
	s2 =	simm.s32 @!p0 $0x5;
	[sflag:s16] =	ssyncadd.s32 $0xFFFFD900  }
0x31: {  	[spmem:s29], [sflag:s26] =	dma.local @!p0 [hbm:s10], $0x80  }
0x32: {  	_ =	swait.ge @!p0 [sflag:s2], $0x80  }
0x33: {  	[sflag:s2] =	ssyncset.done @!p0 $0x0  }
0x34: {  	[sflag:s2] =	ssyncadd.s32 @!p0 $0xFFFFFF80  }
0x35: {  	[bflag:$0x0] =	sbarrier.arrive $0xFFFF  }
0x36: {  	[tilespmem:s19], [sflag:$0x1] =	stream.indirect.gather [hbm4b:s1+s18], $0x80, s4, s18, $0xb8;
	[tilespmem:$0x1C880] =	vst v63  }
0x37: {  	_ =	swait.ge [sflag:s20], $0x3E80  }
0x38: {  	[sflag:s20] =	ssyncset.done $0x0  }
0x39: {  	s23 =	simm.s32 $0x80;
	s5 =	simm.s32 $0x5000;
	[sflag:s20] =	ssyncadd.s32 $0xFFFFC180  }
0x3a: {  	[tilespmem:s5], [sflag:$0x2] =	stream.indirect.gather [hbm4b:s1+s18], $0x80, s23, s18, $0xb8;
	[tilespmem:$0x1C880] =	vst v63  }
0x3b: {  	s30 =	simm.s32 $0x2;
	s31 =	smov.u32 s15;
	s14 =	smov.u32 s0  }
0x3c: {  	[spmem:s3] =	stream.indirect.scatter.add.f32 [tilespmem:s19], [sflag:$0x3], $0x80, s17, s18, $0xb8;
	[tilespmem:$0x1C880] =	vst v63  }
.LBB2_2:
0x3d: {  	s21 =	sadd.s32 $0xFFFFFFFF, s30  }
0x3e: {  	s23 =	sand.u32 $0x1, s21  }
0x3f: {  	s2 =	sadd.s32 $0x1, s23  }
0x40: {  	p1 =	sne.s32 s30, $0x50;
	_ =	swait.ge [sflag:s2], $0x3E80  }
.Ltmp2:
0x41: {  	s22 =	sxor.u32 $0x1, s23;
	[sflag:s2] =	ssyncset.done $0x0;
	(pc) =	sbr.rel @!p1 .LBB2_3-.Ltmp2, $4  }
0x42: {  	s22 =	sadd.s32 $0x3, s22;
	[sflag:s2] =	ssyncadd.s32 $0xFFFFC180  }
0x43: {  	_ =	swait.ge [sflag:s22], $0x3E80  }
0x44: {  	s6 =	sshll.u32 s23, $0xE;
	[sflag:s22] =	ssyncset.done $0x0  }
0x45: {  	s2 =	sor.u32 $0x1000, s6;
	[sflag:s22] =	ssyncadd.s32 $0xFFFFC180  }
0x46: {  	s22 =	sand.u32 $0xF, s30  }
0x47: {  	p1 =	sne.s32 s22, $0x0  }
0x48: {  	s5 =	simm.s32 @!p1 $0x0  }
0x49: {  	[tilespmem:s5], [sflag:$0x5] =	stream.linear.gather @!p1 [hbm4b:s14+s5], $0x800, $0x38;
	[tilespmem:$0x1C880] =	vst v63  }
0x4a: {  	s5 =	simm.s32 @!p1 $0x5  }
0x4b: {  	_ =	swait.ge @!p1 [sflag:s5], $0x800  }
0x4c: {  	s6 =	sand.u32 $0x1, s30;
	[sflag:s5] =	ssyncset.done @!p1 $0x0  }
0x4d: {  	[sflag:s5] =	ssyncadd.s32 @!p1 $0xFFFFF800;
	s5 =	sshll.u32 s6, $0xE  }
0x4e: {  	s22 =	sshll.u32 s22, $0x7;
	s6 =	sadd.s32 $0x1, s6;
	s5 =	sor.u32 $0x1000, s5  }
0x4f: {  	[tilespmem:s5], [sflag:s6] =	stream.indirect.gather [hbm4b:s1+s18], $0x80, s22, s18, $0xb8;
	[tilespmem:$0x1C880] =	vst v63  }
0x50: {  	s22 =	sand.u32 $0xF, s21  }
0x51: {  	p1 =	sne.s32 s22, $0x0  }
0x52: {  	s6 =	simm.s32 @!p1 $0x0;
	s21 =	simm.s32 @!p1 $0x800  }
0x53: {  	[tilespmem:s21], [sflag:$0x5] =	stream.linear.gather @!p1 [hbm4b:s31+s6], $0x800, $0x38;
	[tilespmem:$0x1C880] =	vst v63  }
0x54: {  	s6 =	simm.s32 @!p1 $0x5  }
0x55: {  	_ =	swait.ge @!p1 [sflag:s6], $0x800  }
0x56: {  	s30 =	sadd.s32 $0x1, s30;
	[sflag:s6] =	ssyncset.done @!p1 $0x0  }
0x57: {  	[sflag:s6] =	ssyncadd.s32 @!p1 $0xFFFFF800;
	p1 =	sne.s32 s30, $0x51  }
.Ltmp3:
0x58: {  	_ = 	snop;
	(pc) =	sbr.rel @p1 .LBB2_2-.Ltmp3, $4  }
.Ltmp4:
0x59: {  	_ = 	snop;
	(pc) =	sbr.rel @!p1 .LBB2_5-.Ltmp4, $4  }
0x5a: {  	s23 =	sadd.s32 $0x3, s23;
	s5 =	sshll.u32 s22, $0x7  }
0x5b: {  	s14 =	sadd.s32 $0x10, s14;
	s5 =	sor.u32 $0x800, s5;
	s31 =	sadd.s32 $0x10, s31  }
0x5c: {  	[spmem:s3] =	stream.indirect.scatter.add.f32 [tilespmem:s2], [sflag:s23], $0x80, s5, s18, $0xb8;
	[tilespmem:$0x1C880] =	vst v63  }
0x5d: {  	_ = 	snop  }
.LBB2_6:
0x5e: {  	_ =	sfence.sel $0x180000  }
0x5f: {  	[bflag:$0x0] =	sbarrier.arrive $0xFFFF  }
0x60: {  	_ =	strace $0x90000050  }
0x61: {  	s0 =	stileid.u32;
	[bflag:$0x2] =	sbarrier.arrive $0xFFFF  }
0x62: {  	p0 =	sne.s32 s0, $0x0;
	s0 =	rddreg [dreg:$0x3]  }
0x63: {  	s0 =	sadd.s32 @!p0 $0x100000, s0  }
0x64: {  	[sflag:s0] =	ssyncadd.tile.s32 @!p0 $0x1;
	_ =	shalt  }
.Lfunc_end2:
_tile_overlayer_lowered:
.L_overlay_start_2:
0x65: {  	(tag) =	ssettag $0x2  }
0x66: {  	s0 =	rddreg [dreg:$0x0];
	s2 =	stileid.u32  }
0x67: {  	s1 =	rddreg [dreg:$0x1];
	p0 =	sne.s32 s2, $0x0  }
0x68: {  	s3 =	rddreg [dreg:$0x2];
	[bflag:$0x3] =	sbarrier.arrive $0xFFFF;
	s2 =	simm.s32 @!p0 $0x1C05  }
0x69: {  	[timem:s3], [sflag:s2] =	dma.local @!p0 [hbm:s0], s1  }
0x6a: {  	s0 =	simm.s32 @!p0 $0x5  }
0x6b: {  	_ =	swait.ge @!p0 [sflag:s0], s1  }
0x6c: {  	s1 =	ssub.s32 @!p0 $0x0, s1;
	[sflag:s0] =	ssyncset.done @!p0 $0x0  }
0x6d: {  	[sflag:s0] =	ssyncadd.s32 @!p0 s1  }
0x6e: {  	[bflag:$0x3] =	sbarrier.arrive $0xFFFF  }
0x6f: {  	_ =	shalt  }

</sc_bundles>
